<compile_context>
chip_gen: v7x
topology: tpu7x:2x2x1
jax: 0.10.2.dev20260603
libtpu: 0.0.44.dev20260713+nightly
codegen_flags: <defaults>
</compile_context>

<pallas_src>
import functools

import jax
import jax.numpy as jnp
from jax import lax
from jax.experimental import pallas as pl
from jax.experimental.pallas import tpu as pltpu
from jax.experimental.pallas import tpu_sc as plsc

N_NODES = 10000
N_EDGES = 320000
D = 128
N_GRAPHS = 64
BN_EPS = 1e-5

NC = 2
NS = 16
NW = NC * NS

CHUNK = 128
CPT = 79
EPT = CPT * CHUNK
REAL_EPT = N_EDGES // NW
E_PAD = EPT * NW

AGG_ROWS = 10240
RPT = AGG_ROWS // NS
RCHUNKS = RPT // CHUNK


def _sc_segment_sum_body(h_hbm, src_hbm, dst_hbm, zeros_hbm, out_hbm,
                         src_v, dst_v, rows_v, zero_v, agg_sh, gsem):
    c = lax.axis_index("c")
    s = lax.axis_index("s")
    tile = c * NS + s

    pltpu.sync_copy(zeros_hbm, zero_v)
    for k in range(RCHUNKS):
        pltpu.sync_copy(zero_v, agg_sh.at[pl.ds(s * RPT + k * CHUNK, CHUNK)])
    plsc.subcore_barrier()

    def body(i, _):
        pltpu.sync_copy(src_hbm.at[tile, i], src_v)
        pltpu.sync_copy(dst_hbm.at[tile, i], dst_v)
        pltpu.async_copy(h_hbm.at[src_v], rows_v, gsem).wait()
        pltpu.sync_copy(rows_v, agg_sh.at[dst_v], add=True)
        return ()

    lax.fori_loop(0, CPT, body, ())

    plsc.subcore_barrier()
    for k in range(RCHUNKS):
        r0 = s * RPT + k * CHUNK
        pltpu.sync_copy(agg_sh.at[pl.ds(r0, CHUNK)],
                        out_hbm.at[c].at[pl.ds(r0, CHUNK)])


@functools.cache
def _sc_segment_sum():
    return pl.kernel(
        _sc_segment_sum_body,
        out_type=jax.ShapeDtypeStruct((NC, AGG_ROWS, D), jnp.float32),
        mesh=plsc.VectorSubcoreMesh(core_axis_name="c", subcore_axis_name="s",
                                    num_cores=NC, num_subcores=NS),
        scratch_types=[
            pltpu.VMEM((CHUNK,), jnp.int32),
            pltpu.VMEM((CHUNK,), jnp.int32),
            pltpu.VMEM((CHUNK, D), jnp.float32),
            pltpu.VMEM((CHUNK, D), jnp.float32),
            pltpu.VMEM_SHARED((AGG_ROWS, D), jnp.float32),
            pltpu.SemaphoreType.DMA,
        ],
    )


def _tc_layer_body(h_ref, agg_ref, w1_ref, b1_ref, w2_ref, b2_ref,
                   gam_ref, bet_ref, o_ref):
    z = h_ref[...] + agg_ref[0, :N_NODES, :] + agg_ref[1, :N_NODES, :]
    z = jnp.dot(z, w1_ref[...], preferred_element_type=jnp.float32) + b1_ref[...]
    z = jnp.maximum(z, 0.0)
    z = jnp.dot(z, w2_ref[...], preferred_element_type=jnp.float32) + b2_ref[...]
    mean = jnp.mean(z, axis=0, keepdims=True)
    var = jnp.mean((z - mean) * (z - mean), axis=0, keepdims=True)
    z = (z - mean) * lax.rsqrt(var + BN_EPS) * gam_ref[...] + bet_ref[...]
    o_ref[...] = jnp.maximum(z, 0.0)


def _tc_layer(h, agg, w1, b1, w2, b2, gamma, beta):
    return pl.pallas_call(
        _tc_layer_body,
        out_shape=jax.ShapeDtypeStruct((N_NODES, D), jnp.float32),
    )(h, agg, w1, b1.reshape(1, D), w2, b2.reshape(1, D),
      gamma.reshape(1, D), beta.reshape(1, D))


def _tc_head_body(h_ref, b_ref, w1_ref, b1_ref, w2_ref, b2_ref, o_ref):
    gid = lax.broadcasted_iota(jnp.int32, (N_GRAPHS, N_NODES), 0)
    onehot = jnp.where(gid == b_ref[...], 1.0, 0.0)
    sums = jnp.dot(onehot, h_ref[...], preferred_element_type=jnp.float32)
    counts = jnp.sum(onehot, axis=1, keepdims=True)
    pooled = sums / jnp.maximum(counts, 1.0)
    t = jnp.dot(pooled, w1_ref[...], preferred_element_type=jnp.float32) + b1_ref[...]
    t = jnp.maximum(t, 0.0)
    o_ref[...] = jnp.dot(t, w2_ref[...], preferred_element_type=jnp.float32) + b2_ref[...]


def _tc_head(h, b, w1, b1, w2, b2):
    return pl.pallas_call(
        _tc_head_body,
        out_shape=jax.ShapeDtypeStruct((N_GRAPHS, D), jnp.float32),
    )(h, b.reshape(1, N_NODES), w1, b1.reshape(1, D), w2, b2.reshape(1, D))


def kernel(x, ei, b, params):
    ppt = EPT - REAL_EPT
    src = jnp.pad(ei[0].reshape(NW, REAL_EPT), ((0, 0), (0, ppt)))
    trash = N_NODES + (jnp.arange(ppt, dtype=jnp.int32)
                       % (AGG_ROWS - N_NODES))
    dst = jnp.concatenate(
        [ei[1].reshape(NW, REAL_EPT),
         jnp.broadcast_to(trash, (NW, ppt))], axis=1)
    src = src.reshape(NW, CPT, CHUNK)
    dst = dst.reshape(NW, CPT, CHUNK)
    zeros_blk = jnp.zeros((CHUNK, D), jnp.float32)

    h = x
    for layer in params["convs"]:
        agg = _sc_segment_sum()(h, src, dst, zeros_blk)
        h = _tc_layer(h, agg, layer["W1"], layer["b1"], layer["W2"],
                      layer["b2"], layer["gamma"], layer["beta"])
    hd = params["head"]
    return _tc_head(h, b, hd["W1"], hd["b1"], hd["W2"], hd["b2"])

# --- scband reference (transcript-rebuilt; emitter-appended) ---
"""Pipeline reference for scband-gin-3951369912896 (READ-ONLY COPY).

The authoritative reference and input builder live on the scoring server;
editing this copy changes nothing except your own understanding.
"""

import jax, jax.numpy as jnp
import numpy as np

N_NODES = 10000
N_EDGES = 320000
IN_DIM = 128
HIDDEN = 128
OUT_DIM = 128
N_LAYERS = 5
N_GRAPHS = 64
BN_EPS = 1e-5


def _linear_init(key, din, dout):
    k1, k2 = jax.random.split(key)
    lim = 1.0 / np.sqrt(din)
    W = jax.random.uniform(k1, (din, dout), minval=-lim, maxval=lim, dtype=jnp.float32)
    b = jax.random.uniform(k2, (dout,), minval=-lim, maxval=lim, dtype=jnp.float32)
    return W, b


def setup_inputs(seed: int = 0) -> dict:
    key = jax.random.key(seed)
    kx, ke, kb, kp = jax.random.split(key, 4)
    x = jax.random.normal(kx, (N_NODES, IN_DIM), dtype=jnp.float32)
    ei = jax.random.randint(ke, (2, N_EDGES), 0, N_NODES, dtype=jnp.int32)
    b = jnp.sort(jax.random.randint(kb, (N_NODES,), 0, N_GRAPHS, dtype=jnp.int32))
    convs = []
    din = IN_DIM
    for i in range(N_LAYERS):
        klayer = jax.random.fold_in(kp, i)
        k1, k2 = jax.random.split(klayer)
        W1, b1 = _linear_init(k1, din, HIDDEN)
        W2, b2 = _linear_init(k2, HIDDEN, HIDDEN)
        convs.append({
            "W1": W1, "b1": b1, "W2": W2, "b2": b2,
            "gamma": jnp.ones((HIDDEN,), jnp.float32),
            "beta": jnp.zeros((HIDDEN,), jnp.float32),
        })
        din = HIDDEN
    kh = jax.random.fold_in(kp, 99)
    kh1, kh2 = jax.random.split(kh)
    Wh1, bh1 = _linear_init(kh1, HIDDEN, HIDDEN)
    Wh2, bh2 = _linear_init(kh2, HIDDEN, OUT_DIM)
    params = {"convs": convs, "head": {"W1": Wh1, "b1": bh1, "W2": Wh2, "b2": bh2}}
    return {"x": x, "ei": ei, "b": b, "params": params}


def _forward(x, params, ei, b):
    src, dst = ei[0], ei[1]
    n = x.shape[0]
    h = x
    for layer in params["convs"]:
        # GINConv with eps=0: h_i' = MLP(h_i + sum_{j->i} h_j)
        agg = jax.ops.segment_sum(h[src], dst, num_segments=n)
        z = h + agg
        z = jnp.maximum(z @ layer["W1"] + layer["b1"], 0.0) @ layer["W2"] + layer["b2"]
        # BatchNorm over nodes (training-mode batch statistics)
        mean = jnp.mean(z, axis=0)
        var = jnp.var(z, axis=0)
        z = (z - mean) / jnp.sqrt(var + BN_EPS) * layer["gamma"] + layer["beta"]
        h = jnp.maximum(z, 0.0)
        # dropout disabled (deterministic / eval mode)
    ones = jnp.ones((n,), jnp.float32)
    counts = jax.ops.segment_sum(ones, b, num_segments=N_GRAPHS)
    pooled = jax.ops.segment_sum(h, b, num_segments=N_GRAPHS) / jnp.maximum(counts, 1.0)[:, None]
    hd = params["head"]
    out = jnp.maximum(pooled @ hd["W1"] + hd["b1"], 0.0) @ hd["W2"] + hd["b2"]
    return out


def reference(x, ei, b, params):
    return _forward(x, params, ei, b)

if __name__ == "__main__":
    import jax
    _d = setup_inputs()
    print(jax.jit(kernel)(*tuple(_d.values())))

</pallas_src>

<mosaic_0001>
#map = affine_map<(d0, d1) -> (0, 0)>
#map1 = affine_map<(d0, d1) -> (0, 0, 0)>
module attributes {stable_mosaic.version = 14 : i64} {
  func.func @_sc_segment_sum_body(%arg0: i32, %arg1: i32, %arg2: memref<10000x128xf32, #tpu.memory_space<hbm>>, %arg3: memref<32x79x128xi32, #tpu.memory_space<hbm>>, %arg4: memref<32x79x128xi32, #tpu.memory_space<hbm>>, %arg5: memref<128x128xf32, #tpu.memory_space<hbm>>, %arg6: memref<2x10240x128xf32, #tpu.memory_space<hbm>>, %arg7: memref<128xi32, #tpu.memory_space<vmem>>, %arg8: memref<128xi32, #tpu.memory_space<vmem>>, %arg9: memref<128x128xf32, #tpu.memory_space<vmem>>, %arg10: memref<128x128xf32, #tpu.memory_space<vmem>>, %arg11: memref<10240x128xf32, #tpu.memory_space<vmem_shared>>, %arg12: memref<!tpu.dma_semaphore, #tpu.memory_space<semaphore_mem>>) attributes {dimension_semantics = [#tpu.dimension_semantics<core_parallel>, #tpu.dimension_semantics<subcore_parallel>], iteration_bounds = array<i64: 2, 16>, scalar_prefetch = 0 : i64, scratch_operands = 6 : i64, tpu.core_type = #tpu.core_type<sc_vector_subcore>, window_params = [{transform_indices = #map}, {transform_indices = #map1}, {transform_indices = #map1}, {transform_indices = #map}, {transform_indices = #map1}]} {
    %mul3A = arith.constant 16 : i32
    %mul3A_0 = arith.muli %arg0, %mul3A : i32
    %add3A = arith.addi %mul3A_0, %arg1 : i32
    "tpu.region"() ({
      %run_scoped3A = tpu.sem_alloc : memref<!tpu.dma_semaphore, #tpu.memory_space<semaphore_mem>>
      tpu.enqueue_dma source(%arg5 : memref<128x128xf32, #tpu.memory_space<hbm>>) target(%arg10 : memref<128x128xf32, #tpu.memory_space<vmem>>) target_semaphore(%run_scoped3A : memref<!tpu.dma_semaphore, #tpu.memory_space<semaphore_mem>>)
      tpu.wait_dma2 semaphore(%run_scoped3A : memref<!tpu.dma_semaphore, #tpu.memory_space<semaphore_mem>>) src(%arg5 : memref<128x128xf32, #tpu.memory_space<hbm>>) dst(%arg10 : memref<128x128xf32, #tpu.memory_space<vmem>>)
      tpu.yield
    }) : () -> ()
    %mul3A_1 = arith.constant 640 : i32
    %mul3A_2 = arith.muli %arg1, %mul3A_1 : i32
    %add3A_3 = arith.constant 0 : i32
    %add3A_4 = arith.addi %mul3A_2, %add3A_3 : i32
    "tpu.region"() ({
      %run_scoped3A = tpu.sem_alloc : memref<!tpu.dma_semaphore, #tpu.memory_space<semaphore_mem>>
      %dma_start3A = arith.constant 0 : i32
      %dma_start3A_46 = tpu.memref_slice %arg11[%add3A_4, %dma_start3A] : memref<10240x128xf32, #tpu.memory_space<vmem_shared>> -> memref<128x128xf32, #tpu.memory_space<vmem_shared>>
      %dma_start3A_47 = arith.constant 0 : i32
      %dma_start3A_48 = tpu.memref_slice %arg11[%add3A_4, %dma_start3A_47] : memref<10240x128xf32, #tpu.memory_space<vmem_shared>> -> memref<128x128xf32, #tpu.memory_space<vmem_shared>>
      tpu.enqueue_dma source(%arg10 : memref<128x128xf32, #tpu.memory_space<vmem>>) target(%dma_start3A_48 : memref<128x128xf32, #tpu.memory_space<vmem_shared>>) target_semaphore(%run_scoped3A : memref<!tpu.dma_semaphore, #tpu.memory_space<semaphore_mem>>)
      %dma_wait3A = arith.constant 0 : i32
      %dma_wait3A_49 = tpu.memref_slice %arg11[%add3A_4, %dma_wait3A] : memref<10240x128xf32, #tpu.memory_space<vmem_shared>> -> memref<128x128xf32, #tpu.memory_space<vmem_shared>>
      %dma_wait3A_50 = arith.constant 0 : i32
      %dma_wait3A_51 = tpu.memref_slice %arg11[%add3A_4, %dma_wait3A_50] : memref<10240x128xf32, #tpu.memory_space<vmem_shared>> -> memref<128x128xf32, #tpu.memory_space<vmem_shared>>
      tpu.wait_dma2 semaphore(%run_scoped3A : memref<!tpu.dma_semaphore, #tpu.memory_space<semaphore_mem>>) src(%arg10 : memref<128x128xf32, #tpu.memory_space<vmem>>) dst(%dma_wait3A_51 : memref<128x128xf32, #tpu.memory_space<vmem_shared>>)
      tpu.yield
    }) : () -> ()
    %mul3A_5 = arith.constant 640 : i32
    %mul3A_6 = arith.muli %arg1, %mul3A_5 : i32
    %add3A_7 = arith.constant 128 : i32
    %add3A_8 = arith.addi %mul3A_6, %add3A_7 : i32
    "tpu.region"() ({
      %run_scoped3A = tpu.sem_alloc : memref<!tpu.dma_semaphore, #tpu.memory_space<semaphore_mem>>
      %dma_start3A = arith.constant 0 : i32
      %dma_start3A_46 = tpu.memref_slice %arg11[%add3A_8, %dma_start3A] : memref<10240x128xf32, #tpu.memory_space<vmem_shared>> -> memref<128x128xf32, #tpu.memory_space<vmem_shared>>
      %dma_start3A_47 = arith.constant 0 : i32
      %dma_start3A_48 = tpu.memref_slice %arg11[%add3A_8, %dma_start3A_47] : memref<10240x128xf32, #tpu.memory_space<vmem_shared>> -> memref<128x128xf32, #tpu.memory_space<vmem_shared>>
      tpu.enqueue_dma source(%arg10 : memref<128x128xf32, #tpu.memory_space<vmem>>) target(%dma_start3A_48 : memref<128x128xf32, #tpu.memory_space<vmem_shared>>) target_semaphore(%run_scoped3A : memref<!tpu.dma_semaphore, #tpu.memory_space<semaphore_mem>>)
      %dma_wait3A = arith.constant 0 : i32
      %dma_wait3A_49 = tpu.memref_slice %arg11[%add3A_8, %dma_wait3A] : memref<10240x128xf32, #tpu.memory_space<vmem_shared>> -> memref<128x128xf32, #tpu.memory_space<vmem_shared>>
      %dma_wait3A_50 = arith.constant 0 : i32
      %dma_wait3A_51 = tpu.memref_slice %arg11[%add3A_8, %dma_wait3A_50] : memref<10240x128xf32, #tpu.memory_space<vmem_shared>> -> memref<128x128xf32, #tpu.memory_space<vmem_shared>>
      tpu.wait_dma2 semaphore(%run_scoped3A : memref<!tpu.dma_semaphore, #tpu.memory_space<semaphore_mem>>) src(%arg10 : memref<128x128xf32, #tpu.memory_space<vmem>>) dst(%dma_wait3A_51 : memref<128x128xf32, #tpu.memory_space<vmem_shared>>)
      tpu.yield
    }) : () -> ()
    %mul3A_9 = arith.constant 640 : i32
    %mul3A_10 = arith.muli %arg1, %mul3A_9 : i32
    %add3A_11 = arith.constant 256 : i32
    %add3A_12 = arith.addi %mul3A_10, %add3A_11 : i32
    "tpu.region"() ({
      %run_scoped3A = tpu.sem_alloc : memref<!tpu.dma_semaphore, #tpu.memory_space<semaphore_mem>>
      %dma_start3A = arith.constant 0 : i32
      %dma_start3A_46 = tpu.memref_slice %arg11[%add3A_12, %dma_start3A] : memref<10240x128xf32, #tpu.memory_space<vmem_shared>> -> memref<128x128xf32, #tpu.memory_space<vmem_shared>>
      %dma_start3A_47 = arith.constant 0 : i32
      %dma_start3A_48 = tpu.memref_slice %arg11[%add3A_12, %dma_start3A_47] : memref<10240x128xf32, #tpu.memory_space<vmem_shared>> -> memref<128x128xf32, #tpu.memory_space<vmem_shared>>
      tpu.enqueue_dma source(%arg10 : memref<128x128xf32, #tpu.memory_space<vmem>>) target(%dma_start3A_48 : memref<128x128xf32, #tpu.memory_space<vmem_shared>>) target_semaphore(%run_scoped3A : memref<!tpu.dma_semaphore, #tpu.memory_space<semaphore_mem>>)
      %dma_wait3A = arith.constant 0 : i32
      %dma_wait3A_49 = tpu.memref_slice %arg11[%add3A_12, %dma_wait3A] : memref<10240x128xf32, #tpu.memory_space<vmem_shared>> -> memref<128x128xf32, #tpu.memory_space<vmem_shared>>
      %dma_wait3A_50 = arith.constant 0 : i32
      %dma_wait3A_51 = tpu.memref_slice %arg11[%add3A_12, %dma_wait3A_50] : memref<10240x128xf32, #tpu.memory_space<vmem_shared>> -> memref<128x128xf32, #tpu.memory_space<vmem_shared>>
      tpu.wait_dma2 semaphore(%run_scoped3A : memref<!tpu.dma_semaphore, #tpu.memory_space<semaphore_mem>>) src(%arg10 : memref<128x128xf32, #tpu.memory_space<vmem>>) dst(%dma_wait3A_51 : memref<128x128xf32, #tpu.memory_space<vmem_shared>>)
      tpu.yield
    }) : () -> ()
    %mul3A_13 = arith.constant 640 : i32
    %mul3A_14 = arith.muli %arg1, %mul3A_13 : i32
    %add3A_15 = arith.constant 384 : i32
    %add3A_16 = arith.addi %mul3A_14, %add3A_15 : i32
    "tpu.region"() ({
      %run_scoped3A = tpu.sem_alloc : memref<!tpu.dma_semaphore, #tpu.memory_space<semaphore_mem>>
      %dma_start3A = arith.constant 0 : i32
      %dma_start3A_46 = tpu.memref_slice %arg11[%add3A_16, %dma_start3A] : memref<10240x128xf32, #tpu.memory_space<vmem_shared>> -> memref<128x128xf32, #tpu.memory_space<vmem_shared>>
      %dma_start3A_47 = arith.constant 0 : i32
      %dma_start3A_48 = tpu.memref_slice %arg11[%add3A_16, %dma_start3A_47] : memref<10240x128xf32, #tpu.memory_space<vmem_shared>> -> memref<128x128xf32, #tpu.memory_space<vmem_shared>>
      tpu.enqueue_dma source(%arg10 : memref<128x128xf32, #tpu.memory_space<vmem>>) target(%dma_start3A_48 : memref<128x128xf32, #tpu.memory_space<vmem_shared>>) target_semaphore(%run_scoped3A : memref<!tpu.dma_semaphore, #tpu.memory_space<semaphore_mem>>)
      %dma_wait3A = arith.constant 0 : i32
      %dma_wait3A_49 = tpu.memref_slice %arg11[%add3A_16, %dma_wait3A] : memref<10240x128xf32, #tpu.memory_space<vmem_shared>> -> memref<128x128xf32, #tpu.memory_space<vmem_shared>>
      %dma_wait3A_50 = arith.constant 0 : i32
      %dma_wait3A_51 = tpu.memref_slice %arg11[%add3A_16, %dma_wait3A_50] : memref<10240x128xf32, #tpu.memory_space<vmem_shared>> -> memref<128x128xf32, #tpu.memory_space<vmem_shared>>
      tpu.wait_dma2 semaphore(%run_scoped3A : memref<!tpu.dma_semaphore, #tpu.memory_space<semaphore_mem>>) src(%arg10 : memref<128x128xf32, #tpu.memory_space<vmem>>) dst(%dma_wait3A_51 : memref<128x128xf32, #tpu.memory_space<vmem_shared>>)
      tpu.yield
    }) : () -> ()
    %mul3A_17 = arith.constant 640 : i32
    %mul3A_18 = arith.muli %arg1, %mul3A_17 : i32
    %add3A_19 = arith.constant 512 : i32
    %add3A_20 = arith.addi %mul3A_18, %add3A_19 : i32
    "tpu.region"() ({
      %run_scoped3A = tpu.sem_alloc : memref<!tpu.dma_semaphore, #tpu.memory_space<semaphore_mem>>
      %dma_start3A = arith.constant 0 : i32
      %dma_start3A_46 = tpu.memref_slice %arg11[%add3A_20, %dma_start3A] : memref<10240x128xf32, #tpu.memory_space<vmem_shared>> -> memref<128x128xf32, #tpu.memory_space<vmem_shared>>
      %dma_start3A_47 = arith.constant 0 : i32
      %dma_start3A_48 = tpu.memref_slice %arg11[%add3A_20, %dma_start3A_47] : memref<10240x128xf32, #tpu.memory_space<vmem_shared>> -> memref<128x128xf32, #tpu.memory_space<vmem_shared>>
      tpu.enqueue_dma source(%arg10 : memref<128x128xf32, #tpu.memory_space<vmem>>) target(%dma_start3A_48 : memref<128x128xf32, #tpu.memory_space<vmem_shared>>) target_semaphore(%run_scoped3A : memref<!tpu.dma_semaphore, #tpu.memory_space<semaphore_mem>>)
      %dma_wait3A = arith.constant 0 : i32
      %dma_wait3A_49 = tpu.memref_slice %arg11[%add3A_20, %dma_wait3A] : memref<10240x128xf32, #tpu.memory_space<vmem_shared>> -> memref<128x128xf32, #tpu.memory_space<vmem_shared>>
      %dma_wait3A_50 = arith.constant 0 : i32
      %dma_wait3A_51 = tpu.memref_slice %arg11[%add3A_20, %dma_wait3A_50] : memref<10240x128xf32, #tpu.memory_space<vmem_shared>> -> memref<128x128xf32, #tpu.memory_space<vmem_shared>>
      tpu.wait_dma2 semaphore(%run_scoped3A : memref<!tpu.dma_semaphore, #tpu.memory_space<semaphore_mem>>) src(%arg10 : memref<128x128xf32, #tpu.memory_space<vmem>>) dst(%dma_wait3A_51 : memref<128x128xf32, #tpu.memory_space<vmem_shared>>)
      tpu.yield
    }) : () -> ()
    %barrier3A = arith.constant 0 : index
    tpu.barrier barrier_id(%barrier3A)
    %scan3A = arith.constant 0 : i32
    %scan3A_21 = arith.constant 79 : i32
    %scan3A_22 = arith.addi %scan3A, %scan3A_21 : i32
    %scan3A_23 = arith.constant 1 : i32
    scf.for %scan3A_46 = %scan3A to %scan3A_22 step %scan3A_23  : i32 {
      "tpu.region"() ({
        %run_scoped3A = tpu.sem_alloc : memref<!tpu.dma_semaphore, #tpu.memory_space<semaphore_mem>>
        %dma_start3A_51 = arith.constant 0 : i32
        %dma_start3A_52 = tpu.memref_slice %arg3[%add3A, %scan3A_46, %dma_start3A_51] : memref<32x79x128xi32, #tpu.memory_space<hbm>> -> memref<1x1x128xi32, #tpu.memory_space<hbm>>
        %dma_start3A_53 = tpu.memref_squeeze %dma_start3A_52 : memref<1x1x128xi32, #tpu.memory_space<hbm>> -> memref<128xi32, #tpu.memory_space<hbm>>
        %dma_start3A_54 = arith.constant 0 : i32
        %dma_start3A_55 = tpu.memref_slice %arg3[%add3A, %scan3A_46, %dma_start3A_54] : memref<32x79x128xi32, #tpu.memory_space<hbm>> -> memref<1x1x128xi32, #tpu.memory_space<hbm>>
        %dma_start3A_56 = tpu.memref_squeeze %dma_start3A_55 : memref<1x1x128xi32, #tpu.memory_space<hbm>> -> memref<128xi32, #tpu.memory_space<hbm>>
        tpu.enqueue_dma source(%dma_start3A_56 : memref<128xi32, #tpu.memory_space<hbm>>) target(%arg7 : memref<128xi32, #tpu.memory_space<vmem>>) target_semaphore(%run_scoped3A : memref<!tpu.dma_semaphore, #tpu.memory_space<semaphore_mem>>)
        %dma_wait3A_57 = arith.constant 0 : i32
        %dma_wait3A_58 = tpu.memref_slice %arg3[%add3A, %scan3A_46, %dma_wait3A_57] : memref<32x79x128xi32, #tpu.memory_space<hbm>> -> memref<1x1x128xi32, #tpu.memory_space<hbm>>
        %dma_wait3A_59 = tpu.memref_squeeze %dma_wait3A_58 : memref<1x1x128xi32, #tpu.memory_space<hbm>> -> memref<128xi32, #tpu.memory_space<hbm>>
        %dma_wait3A_60 = arith.constant 0 : i32
        %dma_wait3A_61 = tpu.memref_slice %arg3[%add3A, %scan3A_46, %dma_wait3A_60] : memref<32x79x128xi32, #tpu.memory_space<hbm>> -> memref<1x1x128xi32, #tpu.memory_space<hbm>>
        %dma_wait3A_62 = tpu.memref_squeeze %dma_wait3A_61 : memref<1x1x128xi32, #tpu.memory_space<hbm>> -> memref<128xi32, #tpu.memory_space<hbm>>
        tpu.wait_dma2 semaphore(%run_scoped3A : memref<!tpu.dma_semaphore, #tpu.memory_space<semaphore_mem>>) src(%dma_wait3A_62 : memref<128xi32, #tpu.memory_space<hbm>>) dst(%arg7 : memref<128xi32, #tpu.memory_space<vmem>>)
        tpu.yield
      }) : () -> ()
      "tpu.region"() ({
        %run_scoped3A = tpu.sem_alloc : memref<!tpu.dma_semaphore, #tpu.memory_space<semaphore_mem>>
        %dma_start3A_51 = arith.constant 0 : i32
        %dma_start3A_52 = tpu.memref_slice %arg4[%add3A, %scan3A_46, %dma_start3A_51] : memref<32x79x128xi32, #tpu.memory_space<hbm>> -> memref<1x1x128xi32, #tpu.memory_space<hbm>>
        %dma_start3A_53 = tpu.memref_squeeze %dma_start3A_52 : memref<1x1x128xi32, #tpu.memory_space<hbm>> -> memref<128xi32, #tpu.memory_space<hbm>>
        %dma_start3A_54 = arith.constant 0 : i32
        %dma_start3A_55 = tpu.memref_slice %arg4[%add3A, %scan3A_46, %dma_start3A_54] : memref<32x79x128xi32, #tpu.memory_space<hbm>> -> memref<1x1x128xi32, #tpu.memory_space<hbm>>
        %dma_start3A_56 = tpu.memref_squeeze %dma_start3A_55 : memref<1x1x128xi32, #tpu.memory_space<hbm>> -> memref<128xi32, #tpu.memory_space<hbm>>
        tpu.enqueue_dma source(%dma_start3A_56 : memref<128xi32, #tpu.memory_space<hbm>>) target(%arg8 : memref<128xi32, #tpu.memory_space<vmem>>) target_semaphore(%run_scoped3A : memref<!tpu.dma_semaphore, #tpu.memory_space<semaphore_mem>>)
        %dma_wait3A_57 = arith.constant 0 : i32
        %dma_wait3A_58 = tpu.memref_slice %arg4[%add3A, %scan3A_46, %dma_wait3A_57] : memref<32x79x128xi32, #tpu.memory_space<hbm>> -> memref<1x1x128xi32, #tpu.memory_space<hbm>>
        %dma_wait3A_59 = tpu.memref_squeeze %dma_wait3A_58 : memref<1x1x128xi32, #tpu.memory_space<hbm>> -> memref<128xi32, #tpu.memory_space<hbm>>
        %dma_wait3A_60 = arith.constant 0 : i32
        %dma_wait3A_61 = tpu.memref_slice %arg4[%add3A, %scan3A_46, %dma_wait3A_60] : memref<32x79x128xi32, #tpu.memory_space<hbm>> -> memref<1x1x128xi32, #tpu.memory_space<hbm>>
        %dma_wait3A_62 = tpu.memref_squeeze %dma_wait3A_61 : memref<1x1x128xi32, #tpu.memory_space<hbm>> -> memref<128xi32, #tpu.memory_space<hbm>>
        tpu.wait_dma2 semaphore(%run_scoped3A : memref<!tpu.dma_semaphore, #tpu.memory_space<semaphore_mem>>) src(%dma_wait3A_62 : memref<128xi32, #tpu.memory_space<hbm>>) dst(%arg8 : memref<128xi32, #tpu.memory_space<vmem>>)
        tpu.yield
      }) : () -> ()
      %dma_start3A = arith.constant 0 : i32
      %dma_start3A_47 = arith.constant 0 : i32
      %dma_start3A_48 = tpu.memref_slice %arg2[%dma_start3A, %dma_start3A_47] : memref<10000x128xf32, #tpu.memory_space<hbm>> -> memref<10000x128xf32, #tpu.memory_space<hbm>>
      tpu.enqueue_indirect_dma source(%dma_start3A_48 : memref<10000x128xf32, #tpu.memory_space<hbm>>) target(%arg9 : memref<128x128xf32, #tpu.memory_space<vmem>>) offsets(%arg7 : memref<128xi32, #tpu.memory_space<vmem>>) semaphore(%arg12 : memref<!tpu.dma_semaphore, #tpu.memory_space<semaphore_mem>>)
      %dma_wait3A = arith.constant 0 : i32
      %dma_wait3A_49 = arith.constant 0 : i32
      %dma_wait3A_50 = tpu.memref_slice %arg2[%dma_wait3A, %dma_wait3A_49] : memref<10000x128xf32, #tpu.memory_space<hbm>> -> memref<10000x128xf32, #tpu.memory_space<hbm>>
      tpu.wait_indirect_dma semaphore(%arg12 : memref<!tpu.dma_semaphore, #tpu.memory_space<semaphore_mem>>) src(%dma_wait3A_50 : memref<10000x128xf32, #tpu.memory_space<hbm>>) dst(%arg9 : memref<128x128xf32, #tpu.memory_space<vmem>>)
      "tpu.region"() ({
        %run_scoped3A = tpu.sem_alloc : memref<!tpu.dma_semaphore, #tpu.memory_space<semaphore_mem>>
        %dma_start3A_51 = arith.constant 0 : i32
        %dma_start3A_52 = arith.constant 0 : i32
        %dma_start3A_53 = tpu.memref_slice %arg11[%dma_start3A_51, %dma_start3A_52] : memref<10240x128xf32, #tpu.memory_space<vmem_shared>> -> memref<10240x128xf32, #tpu.memory_space<vmem_shared>>
        tpu.enqueue_indirect_dma source(%arg9 : memref<128x128xf32, #tpu.memory_space<vmem>>) target(%dma_start3A_53 : memref<10240x128xf32, #tpu.memory_space<vmem_shared>>) offsets(%arg8 : memref<128xi32, #tpu.memory_space<vmem>>) semaphore(%run_scoped3A : memref<!tpu.dma_semaphore, #tpu.memory_space<semaphore_mem>>) {add = true}
        %dma_wait3A_54 = arith.constant 0 : i32
        %dma_wait3A_55 = arith.constant 0 : i32
        %dma_wait3A_56 = tpu.memref_slice %arg11[%dma_wait3A_54, %dma_wait3A_55] : memref<10240x128xf32, #tpu.memory_space<vmem_shared>> -> memref<10240x128xf32, #tpu.memory_space<vmem_shared>>
        tpu.wait_indirect_dma semaphore(%run_scoped3A : memref<!tpu.dma_semaphore, #tpu.memory_space<semaphore_mem>>) src(%arg9 : memref<128x128xf32, #tpu.memory_space<vmem>>) dst(%dma_wait3A_56 : memref<10240x128xf32, #tpu.memory_space<vmem_shared>>)
        tpu.yield
      }) : () -> ()
    }
    %scan3A_24 = arith.constant 79 : i32
    %barrier3A_25 = arith.constant 0 : index
    tpu.barrier barrier_id(%barrier3A_25)
    %mul3A_26 = arith.constant 640 : i32
    %mul3A_27 = arith.muli %arg1, %mul3A_26 : i32
    %add3A_28 = arith.constant 0 : i32
    %add3A_29 = arith.addi %mul3A_27, %add3A_28 : i32
    "tpu.region"() ({
      %run_scoped3A = tpu.sem_alloc : memref<!tpu.dma_semaphore, #tpu.memory_space<semaphore_mem>>
      %dma_start3A = arith.constant 0 : i32
      %dma_start3A_46 = arith.constant 0 : i32
      %dma_start3A_47 = tpu.memref_slice %arg6[%arg0, %dma_start3A, %dma_start3A_46] : memref<2x10240x128xf32, #tpu.memory_space<hbm>> -> memref<1x10240x128xf32, #tpu.memory_space<hbm>>
      %dma_start3A_48 = tpu.memref_squeeze %dma_start3A_47 : memref<1x10240x128xf32, #tpu.memory_space<hbm>> -> memref<10240x128xf32, #tpu.memory_space<hbm>>
      %dma_start3A_49 = arith.constant 0 : i32
      %dma_start3A_50 = tpu.memref_slice %dma_start3A_48[%add3A_29, %dma_start3A_49] : memref<10240x128xf32, #tpu.memory_space<hbm>> -> memref<128x128xf32, #tpu.memory_space<hbm>>
      %dma_start3A_51 = arith.constant 0 : i32
      %dma_start3A_52 = tpu.memref_slice %arg11[%add3A_29, %dma_start3A_51] : memref<10240x128xf32, #tpu.memory_space<vmem_shared>> -> memref<128x128xf32, #tpu.memory_space<vmem_shared>>
      tpu.enqueue_dma source(%dma_start3A_52 : memref<128x128xf32, #tpu.memory_space<vmem_shared>>) target(%dma_start3A_50 : memref<128x128xf32, #tpu.memory_space<hbm>>) target_semaphore(%run_scoped3A : memref<!tpu.dma_semaphore, #tpu.memory_space<semaphore_mem>>)
      %dma_wait3A = arith.constant 0 : i32
      %dma_wait3A_53 = arith.constant 0 : i32
      %dma_wait3A_54 = tpu.memref_slice %arg6[%arg0, %dma_wait3A, %dma_wait3A_53] : memref<2x10240x128xf32, #tpu.memory_space<hbm>> -> memref<1x10240x128xf32, #tpu.memory_space<hbm>>
      %dma_wait3A_55 = tpu.memref_squeeze %dma_wait3A_54 : memref<1x10240x128xf32, #tpu.memory_space<hbm>> -> memref<10240x128xf32, #tpu.memory_space<hbm>>
      %dma_wait3A_56 = arith.constant 0 : i32
      %dma_wait3A_57 = tpu.memref_slice %dma_wait3A_55[%add3A_29, %dma_wait3A_56] : memref<10240x128xf32, #tpu.memory_space<hbm>> -> memref<128x128xf32, #tpu.memory_space<hbm>>
      %dma_wait3A_58 = arith.constant 0 : i32
      %dma_wait3A_59 = tpu.memref_slice %arg11[%add3A_29, %dma_wait3A_58] : memref<10240x128xf32, #tpu.memory_space<vmem_shared>> -> memref<128x128xf32, #tpu.memory_space<vmem_shared>>
      tpu.wait_dma2 semaphore(%run_scoped3A : memref<!tpu.dma_semaphore, #tpu.memory_space<semaphore_mem>>) src(%dma_wait3A_59 : memref<128x128xf32, #tpu.memory_space<vmem_shared>>) dst(%dma_wait3A_57 : memref<128x128xf32, #tpu.memory_space<hbm>>)
      tpu.yield
    }) : () -> ()
    %mul3A_30 = arith.constant 640 : i32
    %mul3A_31 = arith.muli %arg1, %mul3A_30 : i32
    %add3A_32 = arith.constant 128 : i32
    %add3A_33 = arith.addi %mul3A_31, %add3A_32 : i32
    "tpu.region"() ({
      %run_scoped3A = tpu.sem_alloc : memref<!tpu.dma_semaphore, #tpu.memory_space<semaphore_mem>>
      %dma_start3A = arith.constant 0 : i32
      %dma_start3A_46 = arith.constant 0 : i32
      %dma_start3A_47 = tpu.memref_slice %arg6[%arg0, %dma_start3A, %dma_start3A_46] : memref<2x10240x128xf32, #tpu.memory_space<hbm>> -> memref<1x10240x128xf32, #tpu.memory_space<hbm>>
      %dma_start3A_48 = tpu.memref_squeeze %dma_start3A_47 : memref<1x10240x128xf32, #tpu.memory_space<hbm>> -> memref<10240x128xf32, #tpu.memory_space<hbm>>
      %dma_start3A_49 = arith.constant 0 : i32
      %dma_start3A_50 = tpu.memref_slice %dma_start3A_48[%add3A_33, %dma_start3A_49] : memref<10240x128xf32, #tpu.memory_space<hbm>> -> memref<128x128xf32, #tpu.memory_space<hbm>>
      %dma_start3A_51 = arith.constant 0 : i32
      %dma_start3A_52 = tpu.memref_slice %arg11[%add3A_33, %dma_start3A_51] : memref<10240x128xf32, #tpu.memory_space<vmem_shared>> -> memref<128x128xf32, #tpu.memory_space<vmem_shared>>
      tpu.enqueue_dma source(%dma_start3A_52 : memref<128x128xf32, #tpu.memory_space<vmem_shared>>) target(%dma_start3A_50 : memref<128x128xf32, #tpu.memory_space<hbm>>) target_semaphore(%run_scoped3A : memref<!tpu.dma_semaphore, #tpu.memory_space<semaphore_mem>>)
      %dma_wait3A = arith.constant 0 : i32
      %dma_wait3A_53 = arith.constant 0 : i32
      %dma_wait3A_54 = tpu.memref_slice %arg6[%arg0, %dma_wait3A, %dma_wait3A_53] : memref<2x10240x128xf32, #tpu.memory_space<hbm>> -> memref<1x10240x128xf32, #tpu.memory_space<hbm>>
      %dma_wait3A_55 = tpu.memref_squeeze %dma_wait3A_54 : memref<1x10240x128xf32, #tpu.memory_space<hbm>> -> memref<10240x128xf32, #tpu.memory_space<hbm>>
      %dma_wait3A_56 = arith.constant 0 : i32
      %dma_wait3A_57 = tpu.memref_slice %dma_wait3A_55[%add3A_33, %dma_wait3A_56] : memref<10240x128xf32, #tpu.memory_space<hbm>> -> memref<128x128xf32, #tpu.memory_space<hbm>>
      %dma_wait3A_58 = arith.constant 0 : i32
      %dma_wait3A_59 = tpu.memref_slice %arg11[%add3A_33, %dma_wait3A_58] : memref<10240x128xf32, #tpu.memory_space<vmem_shared>> -> memref<128x128xf32, #tpu.memory_space<vmem_shared>>
      tpu.wait_dma2 semaphore(%run_scoped3A : memref<!tpu.dma_semaphore, #tpu.memory_space<semaphore_mem>>) src(%dma_wait3A_59 : memref<128x128xf32, #tpu.memory_space<vmem_shared>>) dst(%dma_wait3A_57 : memref<128x128xf32, #tpu.memory_space<hbm>>)
      tpu.yield
    }) : () -> ()
    %mul3A_34 = arith.constant 640 : i32
    %mul3A_35 = arith.muli %arg1, %mul3A_34 : i32
    %add3A_36 = arith.constant 256 : i32
    %add3A_37 = arith.addi %mul3A_35, %add3A_36 : i32
    "tpu.region"() ({
      %run_scoped3A = tpu.sem_alloc : memref<!tpu.dma_semaphore, #tpu.memory_space<semaphore_mem>>
      %dma_start3A = arith.constant 0 : i32
      %dma_start3A_46 = arith.constant 0 : i32
      %dma_start3A_47 = tpu.memref_slice %arg6[%arg0, %dma_start3A, %dma_start3A_46] : memref<2x10240x128xf32, #tpu.memory_space<hbm>> -> memref<1x10240x128xf32, #tpu.memory_space<hbm>>
      %dma_start3A_48 = tpu.memref_squeeze %dma_start3A_47 : memref<1x10240x128xf32, #tpu.memory_space<hbm>> -> memref<10240x128xf32, #tpu.memory_space<hbm>>
      %dma_start3A_49 = arith.constant 0 : i32
      %dma_start3A_50 = tpu.memref_slice %dma_start3A_48[%add3A_37, %dma_start3A_49] : memref<10240x128xf32, #tpu.memory_space<hbm>> -> memref<128x128xf32, #tpu.memory_space<hbm>>
      %dma_start3A_51 = arith.constant 0 : i32
      %dma_start3A_52 = tpu.memref_slice %arg11[%add3A_37, %dma_start3A_51] : memref<10240x128xf32, #tpu.memory_space<vmem_shared>> -> memref<128x128xf32, #tpu.memory_space<vmem_shared>>
      tpu.enqueue_dma source(%dma_start3A_52 : memref<128x128xf32, #tpu.memory_space<vmem_shared>>) target(%dma_start3A_50 : memref<128x128xf32, #tpu.memory_space<hbm>>) target_semaphore(%run_scoped3A : memref<!tpu.dma_semaphore, #tpu.memory_space<semaphore_mem>>)
      %dma_wait3A = arith.constant 0 : i32
      %dma_wait3A_53 = arith.constant 0 : i32
      %dma_wait3A_54 = tpu.memref_slice %arg6[%arg0, %dma_wait3A, %dma_wait3A_53] : memref<2x10240x128xf32, #tpu.memory_space<hbm>> -> memref<1x10240x128xf32, #tpu.memory_space<hbm>>
      %dma_wait3A_55 = tpu.memref_squeeze %dma_wait3A_54 : memref<1x10240x128xf32, #tpu.memory_space<hbm>> -> memref<10240x128xf32, #tpu.memory_space<hbm>>
      %dma_wait3A_56 = arith.constant 0 : i32
      %dma_wait3A_57 = tpu.memref_slice %dma_wait3A_55[%add3A_37, %dma_wait3A_56] : memref<10240x128xf32, #tpu.memory_space<hbm>> -> memref<128x128xf32, #tpu.memory_space<hbm>>
      %dma_wait3A_58 = arith.constant 0 : i32
      %dma_wait3A_59 = tpu.memref_slice %arg11[%add3A_37, %dma_wait3A_58] : memref<10240x128xf32, #tpu.memory_space<vmem_shared>> -> memref<128x128xf32, #tpu.memory_space<vmem_shared>>
      tpu.wait_dma2 semaphore(%run_scoped3A : memref<!tpu.dma_semaphore, #tpu.memory_space<semaphore_mem>>) src(%dma_wait3A_59 : memref<128x128xf32, #tpu.memory_space<vmem_shared>>) dst(%dma_wait3A_57 : memref<128x128xf32, #tpu.memory_space<hbm>>)
      tpu.yield
    }) : () -> ()
    %mul3A_38 = arith.constant 640 : i32
    %mul3A_39 = arith.muli %arg1, %mul3A_38 : i32
    %add3A_40 = arith.constant 384 : i32
    %add3A_41 = arith.addi %mul3A_39, %add3A_40 : i32
    "tpu.region"() ({
      %run_scoped3A = tpu.sem_alloc : memref<!tpu.dma_semaphore, #tpu.memory_space<semaphore_mem>>
      %dma_start3A = arith.constant 0 : i32
      %dma_start3A_46 = arith.constant 0 : i32
      %dma_start3A_47 = tpu.memref_slice %arg6[%arg0, %dma_start3A, %dma_start3A_46] : memref<2x10240x128xf32, #tpu.memory_space<hbm>> -> memref<1x10240x128xf32, #tpu.memory_space<hbm>>
      %dma_start3A_48 = tpu.memref_squeeze %dma_start3A_47 : memref<1x10240x128xf32, #tpu.memory_space<hbm>> -> memref<10240x128xf32, #tpu.memory_space<hbm>>
      %dma_start3A_49 = arith.constant 0 : i32
      %dma_start3A_50 = tpu.memref_slice %dma_start3A_48[%add3A_41, %dma_start3A_49] : memref<10240x128xf32, #tpu.memory_space<hbm>> -> memref<128x128xf32, #tpu.memory_space<hbm>>
      %dma_start3A_51 = arith.constant 0 : i32
      %dma_start3A_52 = tpu.memref_slice %arg11[%add3A_41, %dma_start3A_51] : memref<10240x128xf32, #tpu.memory_space<vmem_shared>> -> memref<128x128xf32, #tpu.memory_space<vmem_shared>>
      tpu.enqueue_dma source(%dma_start3A_52 : memref<128x128xf32, #tpu.memory_space<vmem_shared>>) target(%dma_start3A_50 : memref<128x128xf32, #tpu.memory_space<hbm>>) target_semaphore(%run_scoped3A : memref<!tpu.dma_semaphore, #tpu.memory_space<semaphore_mem>>)
      %dma_wait3A = arith.constant 0 : i32
      %dma_wait3A_53 = arith.constant 0 : i32
      %dma_wait3A_54 = tpu.memref_slice %arg6[%arg0, %dma_wait3A, %dma_wait3A_53] : memref<2x10240x128xf32, #tpu.memory_space<hbm>> -> memref<1x10240x128xf32, #tpu.memory_space<hbm>>
      %dma_wait3A_55 = tpu.memref_squeeze %dma_wait3A_54 : memref<1x10240x128xf32, #tpu.memory_space<hbm>> -> memref<10240x128xf32, #tpu.memory_space<hbm>>
      %dma_wait3A_56 = arith.constant 0 : i32
      %dma_wait3A_57 = tpu.memref_slice %dma_wait3A_55[%add3A_41, %dma_wait3A_56] : memref<10240x128xf32, #tpu.memory_space<hbm>> -> memref<128x128xf32, #tpu.memory_space<hbm>>
      %dma_wait3A_58 = arith.constant 0 : i32
      %dma_wait3A_59 = tpu.memref_slice %arg11[%add3A_41, %dma_wait3A_58] : memref<10240x128xf32, #tpu.memory_space<vmem_shared>> -> memref<128x128xf32, #tpu.memory_space<vmem_shared>>
      tpu.wait_dma2 semaphore(%run_scoped3A : memref<!tpu.dma_semaphore, #tpu.memory_space<semaphore_mem>>) src(%dma_wait3A_59 : memref<128x128xf32, #tpu.memory_space<vmem_shared>>) dst(%dma_wait3A_57 : memref<128x128xf32, #tpu.memory_space<hbm>>)
      tpu.yield
    }) : () -> ()
    %mul3A_42 = arith.constant 640 : i32
    %mul3A_43 = arith.muli %arg1, %mul3A_42 : i32
    %add3A_44 = arith.constant 512 : i32
    %add3A_45 = arith.addi %mul3A_43, %add3A_44 : i32
    "tpu.region"() ({
      %run_scoped3A = tpu.sem_alloc : memref<!tpu.dma_semaphore, #tpu.memory_space<semaphore_mem>>
      %dma_start3A = arith.constant 0 : i32
      %dma_start3A_46 = arith.constant 0 : i32
      %dma_start3A_47 = tpu.memref_slice %arg6[%arg0, %dma_start3A, %dma_start3A_46] : memref<2x10240x128xf32, #tpu.memory_space<hbm>> -> memref<1x10240x128xf32, #tpu.memory_space<hbm>>
      %dma_start3A_48 = tpu.memref_squeeze %dma_start3A_47 : memref<1x10240x128xf32, #tpu.memory_space<hbm>> -> memref<10240x128xf32, #tpu.memory_space<hbm>>
      %dma_start3A_49 = arith.constant 0 : i32
      %dma_start3A_50 = tpu.memref_slice %dma_start3A_48[%add3A_45, %dma_start3A_49] : memref<10240x128xf32, #tpu.memory_space<hbm>> -> memref<128x128xf32, #tpu.memory_space<hbm>>
      %dma_start3A_51 = arith.constant 0 : i32
      %dma_start3A_52 = tpu.memref_slice %arg11[%add3A_45, %dma_start3A_51] : memref<10240x128xf32, #tpu.memory_space<vmem_shared>> -> memref<128x128xf32, #tpu.memory_space<vmem_shared>>
      tpu.enqueue_dma source(%dma_start3A_52 : memref<128x128xf32, #tpu.memory_space<vmem_shared>>) target(%dma_start3A_50 : memref<128x128xf32, #tpu.memory_space<hbm>>) target_semaphore(%run_scoped3A : memref<!tpu.dma_semaphore, #tpu.memory_space<semaphore_mem>>)
      %dma_wait3A = arith.constant 0 : i32
      %dma_wait3A_53 = arith.constant 0 : i32
      %dma_wait3A_54 = tpu.memref_slice %arg6[%arg0, %dma_wait3A, %dma_wait3A_53] : memref<2x10240x128xf32, #tpu.memory_space<hbm>> -> memref<1x10240x128xf32, #tpu.memory_space<hbm>>
      %dma_wait3A_55 = tpu.memref_squeeze %dma_wait3A_54 : memref<1x10240x128xf32, #tpu.memory_space<hbm>> -> memref<10240x128xf32, #tpu.memory_space<hbm>>
      %dma_wait3A_56 = arith.constant 0 : i32
      %dma_wait3A_57 = tpu.memref_slice %dma_wait3A_55[%add3A_45, %dma_wait3A_56] : memref<10240x128xf32, #tpu.memory_space<hbm>> -> memref<128x128xf32, #tpu.memory_space<hbm>>
      %dma_wait3A_58 = arith.constant 0 : i32
      %dma_wait3A_59 = tpu.memref_slice %arg11[%add3A_45, %dma_wait3A_58] : memref<10240x128xf32, #tpu.memory_space<vmem_shared>> -> memref<128x128xf32, #tpu.memory_space<vmem_shared>>
      tpu.wait_dma2 semaphore(%run_scoped3A : memref<!tpu.dma_semaphore, #tpu.memory_space<semaphore_mem>>) src(%dma_wait3A_59 : memref<128x128xf32, #tpu.memory_space<vmem_shared>>) dst(%dma_wait3A_57 : memref<128x128xf32, #tpu.memory_space<hbm>>)
      tpu.yield
    }) : () -> ()
    return
  }
}

#map = affine_map<(d0, d1) -> (0, 0)>
#map1 = affine_map<(d0, d1) -> (0, 0, 0)>
module attributes {stable_mosaic.version = 14 : i64} {
  func.func @_sc_segment_sum_body(%arg0: i32, %arg1: i32, %arg2: memref<10000x128xf32, #tpu.memory_space<hbm>>, %arg3: memref<32x79x128xi32, #tpu.memory_space<hbm>>, %arg4: memref<32x79x128xi32, #tpu.memory_space<hbm>>, %arg5: memref<128x128xf32, #tpu.memory_space<hbm>>, %arg6: memref<2x10240x128xf32, #tpu.memory_space<hbm>>, %arg7: memref<128xi32, #tpu.memory_space<vmem>>, %arg8: memref<128xi32, #tpu.memory_space<vmem>>, %arg9: memref<128x128xf32, #tpu.memory_space<vmem>>, %arg10: memref<128x128xf32, #tpu.memory_space<vmem>>, %arg11: memref<10240x128xf32, #tpu.memory_space<vmem_shared>>, %arg12: memref<!tpu.dma_semaphore, #tpu.memory_space<semaphore_mem>>) attributes {dimension_semantics = [#tpu.dimension_semantics<core_parallel>, #tpu.dimension_semantics<subcore_parallel>], iteration_bounds = array<i64: 2, 16>, scalar_prefetch = 0 : i64, scratch_operands = 6 : i64, tpu.core_type = #tpu.core_type<sc_vector_subcore>, window_params = [{transform_indices = #map}, {transform_indices = #map1}, {transform_indices = #map1}, {transform_indices = #map}, {transform_indices = #map1}]} {
    %mul3A = arith.constant 16 : i32
    %mul3A_0 = arith.muli %arg0, %mul3A : i32
    %add3A = arith.addi %mul3A_0, %arg1 : i32
    "tpu.region"() ({
      %run_scoped3A = tpu.sem_alloc : memref<!tpu.dma_semaphore, #tpu.memory_space<semaphore_mem>>
      tpu.enqueue_dma source(%arg5 : memref<128x128xf32, #tpu.memory_space<hbm>>) target(%arg10 : memref<128x128xf32, #tpu.memory_space<vmem>>) target_semaphore(%run_scoped3A : memref<!tpu.dma_semaphore, #tpu.memory_space<semaphore_mem>>)
      tpu.wait_dma2 semaphore(%run_scoped3A : memref<!tpu.dma_semaphore, #tpu.memory_space<semaphore_mem>>) src(%arg5 : memref<128x128xf32, #tpu.memory_space<hbm>>) dst(%arg10 : memref<128x128xf32, #tpu.memory_space<vmem>>)
      tpu.yield
    }) : () -> ()
    %mul3A_1 = arith.constant 640 : i32
    %mul3A_2 = arith.muli %arg1, %mul3A_1 : i32
    %add3A_3 = arith.constant 0 : i32
    %add3A_4 = arith.addi %mul3A_2, %add3A_3 : i32
    "tpu.region"() ({
      %run_scoped3A = tpu.sem_alloc : memref<!tpu.dma_semaphore, #tpu.memory_space<semaphore_mem>>
      %dma_start3A = arith.constant 0 : i32
      %dma_start3A_46 = tpu.memref_slice %arg11[%add3A_4, %dma_start3A] : memref<10240x128xf32, #tpu.memory_space<vmem_shared>> -> memref<128x128xf32, #tpu.memory_space<vmem_shared>>
      %dma_start3A_47 = arith.constant 0 : i32
      %dma_start3A_48 = tpu.memref_slice %arg11[%add3A_4, %dma_start3A_47] : memref<10240x128xf32, #tpu.memory_space<vmem_shared>> -> memref<128x128xf32, #tpu.memory_space<vmem_shared>>
      tpu.enqueue_dma source(%arg10 : memref<128x128xf32, #tpu.memory_space<vmem>>) target(%dma_start3A_48 : memref<128x128xf32, #tpu.memory_space<vmem_shared>>) target_semaphore(%run_scoped3A : memref<!tpu.dma_semaphore, #tpu.memory_space<semaphore_mem>>)
      %dma_wait3A = arith.constant 0 : i32
      %dma_wait3A_49 = tpu.memref_slice %arg11[%add3A_4, %dma_wait3A] : memref<10240x128xf32, #tpu.memory_space<vmem_shared>> -> memref<128x128xf32, #tpu.memory_space<vmem_shared>>
      %dma_wait3A_50 = arith.constant 0 : i32
      %dma_wait3A_51 = tpu.memref_slice %arg11[%add3A_4, %dma_wait3A_50] : memref<10240x128xf32, #tpu.memory_space<vmem_shared>> -> memref<128x128xf32, #tpu.memory_space<vmem_shared>>
      tpu.wait_dma2 semaphore(%run_scoped3A : memref<!tpu.dma_semaphore, #tpu.memory_space<semaphore_mem>>) src(%arg10 : memref<128x128xf32, #tpu.memory_space<vmem>>) dst(%dma_wait3A_51 : memref<128x128xf32, #tpu.memory_space<vmem_shared>>)
      tpu.yield
    }) : () -> ()
    %mul3A_5 = arith.constant 640 : i32
    %mul3A_6 = arith.muli %arg1, %mul3A_5 : i32
    %add3A_7 = arith.constant 128 : i32
    %add3A_8 = arith.addi %mul3A_6, %add3A_7 : i32
    "tpu.region"() ({
      %run_scoped3A = tpu.sem_alloc : memref<!tpu.dma_semaphore, #tpu.memory_space<semaphore_mem>>
      %dma_start3A = arith.constant 0 : i32
      %dma_start3A_46 = tpu.memref_slice %arg11[%add3A_8, %dma_start3A] : memref<10240x128xf32, #tpu.memory_space<vmem_shared>> -> memref<128x128xf32, #tpu.memory_space<vmem_shared>>
      %dma_start3A_47 = arith.constant 0 : i32
      %dma_start3A_48 = tpu.memref_slice %arg11[%add3A_8, %dma_start3A_47] : memref<10240x128xf32, #tpu.memory_space<vmem_shared>> -> memref<128x128xf32, #tpu.memory_space<vmem_shared>>
      tpu.enqueue_dma source(%arg10 : memref<128x128xf32, #tpu.memory_space<vmem>>) target(%dma_start3A_48 : memref<128x128xf32, #tpu.memory_space<vmem_shared>>) target_semaphore(%run_scoped3A : memref<!tpu.dma_semaphore, #tpu.memory_space<semaphore_mem>>)
      %dma_wait3A = arith.constant 0 : i32
      %dma_wait3A_49 = tpu.memref_slice %arg11[%add3A_8, %dma_wait3A] : memref<10240x128xf32, #tpu.memory_space<vmem_shared>> -> memref<128x128xf32, #tpu.memory_space<vmem_shared>>
      %dma_wait3A_50 = arith.constant 0 : i32
      %dma_wait3A_51 = tpu.memref_slice %arg11[%add3A_8, %dma_wait3A_50] : memref<10240x128xf32, #tpu.memory_space<vmem_shared>> -> memref<128x128xf32, #tpu.memory_space<vmem_shared>>
      tpu.wait_dma2 semaphore(%run_scoped3A : memref<!tpu.dma_semaphore, #tpu.memory_space<semaphore_mem>>) src(%arg10 : memref<128x128xf32, #tpu.memory_space<vmem>>) dst(%dma_wait3A_51 : memref<128x128xf32, #tpu.memory_space<vmem_shared>>)
      tpu.yield
    }) : () -> ()
    %mul3A_9 = arith.constant 640 : i32
    %mul3A_10 = arith.muli %arg1, %mul3A_9 : i32
    %add3A_11 = arith.constant 256 : i32
    %add3A_12 = arith.addi %mul3A_10, %add3A_11 : i32
    "tpu.region"() ({
      %run_scoped3A = tpu.sem_alloc : memref<!tpu.dma_semaphore, #tpu.memory_space<semaphore_mem>>
      %dma_start3A = arith.constant 0 : i32
      %dma_start3A_46 = tpu.memref_slice %arg11[%add3A_12, %dma_start3A] : memref<10240x128xf32, #tpu.memory_space<vmem_shared>> -> memref<128x128xf32, #tpu.memory_space<vmem_shared>>
      %dma_start3A_47 = arith.constant 0 : i32
      %dma_start3A_48 = tpu.memref_slice %arg11[%add3A_12, %dma_start3A_47] : memref<10240x128xf32, #tpu.memory_space<vmem_shared>> -> memref<128x128xf32, #tpu.memory_space<vmem_shared>>
      tpu.enqueue_dma source(%arg10 : memref<128x128xf32, #tpu.memory_space<vmem>>) target(%dma_start3A_48 : memref<128x128xf32, #tpu.memory_space<vmem_shared>>) target_semaphore(%run_scoped3A : memref<!tpu.dma_semaphore, #tpu.memory_space<semaphore_mem>>)
      %dma_wait3A = arith.constant 0 : i32
      %dma_wait3A_49 = tpu.memref_slice %arg11[%add3A_12, %dma_wait3A] : memref<10240x128xf32, #tpu.memory_space<vmem_shared>> -> memref<128x128xf32, #tpu.memory_space<vmem_shared>>
      %dma_wait3A_50 = arith.constant 0 : i32
      %dma_wait3A_51 = tpu.memref_slice %arg11[%add3A_12, %dma_wait3A_50] : memref<10240x128xf32, #tpu.memory_space<vmem_shared>> -> memref<128x128xf32, #tpu.memory_space<vmem_shared>>
      tpu.wait_dma2 semaphore(%run_scoped3A : memref<!tpu.dma_semaphore, #tpu.memory_space<semaphore_mem>>) src(%arg10 : memref<128x128xf32, #tpu.memory_space<vmem>>) dst(%dma_wait3A_51 : memref<128x128xf32, #tpu.memory_space<vmem_shared>>)
      tpu.yield
    }) : () -> ()
    %mul3A_13 = arith.constant 640 : i32
    %mul3A_14 = arith.muli %arg1, %mul3A_13 : i32
    %add3A_15 = arith.constant 384 : i32
    %add3A_16 = arith.addi %mul3A_14, %add3A_15 : i32
    "tpu.region"() ({
      %run_scoped3A = tpu.sem_alloc : memref<!tpu.dma_semaphore, #tpu.memory_space<semaphore_mem>>
      %dma_start3A = arith.constant 0 : i32
      %dma_start3A_46 = tpu.memref_slice %arg11[%add3A_16, %dma_start3A] : memref<10240x128xf32, #tpu.memory_space<vmem_shared>> -> memref<128x128xf32, #tpu.memory_space<vmem_shared>>
      %dma_start3A_47 = arith.constant 0 : i32
      %dma_start3A_48 = tpu.memref_slice %arg11[%add3A_16, %dma_start3A_47] : memref<10240x128xf32, #tpu.memory_space<vmem_shared>> -> memref<128x128xf32, #tpu.memory_space<vmem_shared>>
      tpu.enqueue_dma source(%arg10 : memref<128x128xf32, #tpu.memory_space<vmem>>) target(%dma_start3A_48 : memref<128x128xf32, #tpu.memory_space<vmem_shared>>) target_semaphore(%run_scoped3A : memref<!tpu.dma_semaphore, #tpu.memory_space<semaphore_mem>>)
      %dma_wait3A = arith.constant 0 : i32
      %dma_wait3A_49 = tpu.memref_slice %arg11[%add3A_16, %dma_wait3A] : memref<10240x128xf32, #tpu.memory_space<vmem_shared>> -> memref<128x128xf32, #tpu.memory_space<vmem_shared>>
      %dma_wait3A_50 = arith.constant 0 : i32
      %dma_wait3A_51 = tpu.memref_slice %arg11[%add3A_16, %dma_wait3A_50] : memref<10240x128xf32, #tpu.memory_space<vmem_shared>> -> memref<128x128xf32, #tpu.memory_space<vmem_shared>>
      tpu.wait_dma2 semaphore(%run_scoped3A : memref<!tpu.dma_semaphore, #tpu.memory_space<semaphore_mem>>) src(%arg10 : memref<128x128xf32, #tpu.memory_space<vmem>>) dst(%dma_wait3A_51 : memref<128x128xf32, #tpu.memory_space<vmem_shared>>)
      tpu.yield
    }) : () -> ()
    %mul3A_17 = arith.constant 640 : i32
    %mul3A_18 = arith.muli %arg1, %mul3A_17 : i32
    %add3A_19 = arith.constant 512 : i32
    %add3A_20 = arith.addi %mul3A_18, %add3A_19 : i32
    "tpu.region"() ({
      %run_scoped3A = tpu.sem_alloc : memref<!tpu.dma_semaphore, #tpu.memory_space<semaphore_mem>>
      %dma_start3A = arith.constant 0 : i32
      %dma_start3A_46 = tpu.memref_slice %arg11[%add3A_20, %dma_start3A] : memref<10240x128xf32, #tpu.memory_space<vmem_shared>> -> memref<128x128xf32, #tpu.memory_space<vmem_shared>>
      %dma_start3A_47 = arith.constant 0 : i32
      %dma_start3A_48 = tpu.memref_slice %arg11[%add3A_20, %dma_start3A_47] : memref<10240x128xf32, #tpu.memory_space<vmem_shared>> -> memref<128x128xf32, #tpu.memory_space<vmem_shared>>
      tpu.enqueue_dma source(%arg10 : memref<128x128xf32, #tpu.memory_space<vmem>>) target(%dma_start3A_48 : memref<128x128xf32, #tpu.memory_space<vmem_shared>>) target_semaphore(%run_scoped3A : memref<!tpu.dma_semaphore, #tpu.memory_space<semaphore_mem>>)
      %dma_wait3A = arith.constant 0 : i32
      %dma_wait3A_49 = tpu.memref_slice %arg11[%add3A_20, %dma_wait3A] : memref<10240x128xf32, #tpu.memory_space<vmem_shared>> -> memref<128x128xf32, #tpu.memory_space<vmem_shared>>
      %dma_wait3A_50 = arith.constant 0 : i32
      %dma_wait3A_51 = tpu.memref_slice %arg11[%add3A_20, %dma_wait3A_50] : memref<10240x128xf32, #tpu.memory_space<vmem_shared>> -> memref<128x128xf32, #tpu.memory_space<vmem_shared>>
      tpu.wait_dma2 semaphore(%run_scoped3A : memref<!tpu.dma_semaphore, #tpu.memory_space<semaphore_mem>>) src(%arg10 : memref<128x128xf32, #tpu.memory_space<vmem>>) dst(%dma_wait3A_51 : memref<128x128xf32, #tpu.memory_space<vmem_shared>>)
      tpu.yield
    }) : () -> ()
    %barrier3A = arith.constant 0 : index
    tpu.barrier barrier_id(%barrier3A)
    %scan3A = arith.constant 0 : i32
    %scan3A_21 = arith.constant 79 : i32
    %scan3A_22 = arith.addi %scan3A, %scan3A_21 : i32
    %scan3A_23 = arith.constant 1 : i32
    scf.for %scan3A_46 = %scan3A to %scan3A_22 step %scan3A_23  : i32 {
      "tpu.region"() ({
        %run_scoped3A = tpu.sem_alloc : memref<!tpu.dma_semaphore, #tpu.memory_space<semaphore_mem>>
        %dma_start3A_51 = arith.constant 0 : i32
        %dma_start3A_52 = tpu.memref_slice %arg3[%add3A, %scan3A_46, %dma_start3A_51] : memref<32x79x128xi32, #tpu.memory_space<hbm>> -> memref<1x1x128xi32, #tpu.memory_space<hbm>>
        %dma_start3A_53 = tpu.memref_squeeze %dma_start3A_52 : memref<1x1x128xi32, #tpu.memory_space<hbm>> -> memref<128xi32, #tpu.memory_space<hbm>>
        %dma_start3A_54 = arith.constant 0 : i32
        %dma_start3A_55 = tpu.memref_slice %arg3[%add3A, %scan3A_46, %dma_start3A_54] : memref<32x79x128xi32, #tpu.memory_space<hbm>> -> memref<1x1x128xi32, #tpu.memory_space<hbm>>
        %dma_start3A_56 = tpu.memref_squeeze %dma_start3A_55 : memref<1x1x128xi32, #tpu.memory_space<hbm>> -> memref<128xi32, #tpu.memory_space<hbm>>
        tpu.enqueue_dma source(%dma_start3A_56 : memref<128xi32, #tpu.memory_space<hbm>>) target(%arg7 : memref<128xi32, #tpu.memory_space<vmem>>) target_semaphore(%run_scoped3A : memref<!tpu.dma_semaphore, #tpu.memory_space<semaphore_mem>>)
        %dma_wait3A_57 = arith.constant 0 : i32
        %dma_wait3A_58 = tpu.memref_slice %arg3[%add3A, %scan3A_46, %dma_wait3A_57] : memref<32x79x128xi32, #tpu.memory_space<hbm>> -> memref<1x1x128xi32, #tpu.memory_space<hbm>>
        %dma_wait3A_59 = tpu.memref_squeeze %dma_wait3A_58 : memref<1x1x128xi32, #tpu.memory_space<hbm>> -> memref<128xi32, #tpu.memory_space<hbm>>
        %dma_wait3A_60 = arith.constant 0 : i32
        %dma_wait3A_61 = tpu.memref_slice %arg3[%add3A, %scan3A_46, %dma_wait3A_60] : memref<32x79x128xi32, #tpu.memory_space<hbm>> -> memref<1x1x128xi32, #tpu.memory_space<hbm>>
        %dma_wait3A_62 = tpu.memref_squeeze %dma_wait3A_61 : memref<1x1x128xi32, #tpu.memory_space<hbm>> -> memref<128xi32, #tpu.memory_space<hbm>>
        tpu.wait_dma2 semaphore(%run_scoped3A : memref<!tpu.dma_semaphore, #tpu.memory_space<semaphore_mem>>) src(%dma_wait3A_62 : memref<128xi32, #tpu.memory_space<hbm>>) dst(%arg7 : memref<128xi32, #tpu.memory_space<vmem>>)
        tpu.yield
      }) : () -> ()
      "tpu.region"() ({
        %run_scoped3A = tpu.sem_alloc : memref<!tpu.dma_semaphore, #tpu.memory_space<semaphore_mem>>
        %dma_start3A_51 = arith.constant 0 : i32
        %dma_start3A_52 = tpu.memref_slice %arg4[%add3A, %scan3A_46, %dma_start3A_51] : memref<32x79x128xi32, #tpu.memory_space<hbm>> -> memref<1x1x128xi32, #tpu.memory_space<hbm>>
        %dma_start3A_53 = tpu.memref_squeeze %dma_start3A_52 : memref<1x1x128xi32, #tpu.memory_space<hbm>> -> memref<128xi32, #tpu.memory_space<hbm>>
        %dma_start3A_54 = arith.constant 0 : i32
        %dma_start3A_55 = tpu.memref_slice %arg4[%add3A, %scan3A_46, %dma_start3A_54] : memref<32x79x128xi32, #tpu.memory_space<hbm>> -> memref<1x1x128xi32, #tpu.memory_space<hbm>>
        %dma_start3A_56 = tpu.memref_squeeze %dma_start3A_55 : memref<1x1x128xi32, #tpu.memory_space<hbm>> -> memref<128xi32, #tpu.memory_space<hbm>>
        tpu.enqueue_dma source(%dma_start3A_56 : memref<128xi32, #tpu.memory_space<hbm>>) target(%arg8 : memref<128xi32, #tpu.memory_space<vmem>>) target_semaphore(%run_scoped3A : memref<!tpu.dma_semaphore, #tpu.memory_space<semaphore_mem>>)
        %dma_wait3A_57 = arith.constant 0 : i32
        %dma_wait3A_58 = tpu.memref_slice %arg4[%add3A, %scan3A_46, %dma_wait3A_57] : memref<32x79x128xi32, #tpu.memory_space<hbm>> -> memref<1x1x128xi32, #tpu.memory_space<hbm>>
        %dma_wait3A_59 = tpu.memref_squeeze %dma_wait3A_58 : memref<1x1x128xi32, #tpu.memory_space<hbm>> -> memref<128xi32, #tpu.memory_space<hbm>>
        %dma_wait3A_60 = arith.constant 0 : i32
        %dma_wait3A_61 = tpu.memref_slice %arg4[%add3A, %scan3A_46, %dma_wait3A_60] : memref<32x79x128xi32, #tpu.memory_space<hbm>> -> memref<1x1x128xi32, #tpu.memory_space<hbm>>
        %dma_wait3A_62 = tpu.memref_squeeze %dma_wait3A_61 : memref<1x1x128xi32, #tpu.memory_space<hbm>> -> memref<128xi32, #tpu.memory_space<hbm>>
        tpu.wait_dma2 semaphore(%run_scoped3A : memref<!tpu.dma_semaphore, #tpu.memory_space<semaphore_mem>>) src(%dma_wait3A_62 : memref<128xi32, #tpu.memory_space<hbm>>) dst(%arg8 : memref<128xi32, #tpu.memory_space<vmem>>)
        tpu.yield
      }) : () -> ()
      %dma_start3A = arith.constant 0 : i32
      %dma_start3A_47 = arith.constant 0 : i32
      %dma_start3A_48 = tpu.memref_slice %arg2[%dma_start3A, %dma_start3A_47] : memref<10000x128xf32, #tpu.memory_space<hbm>> -> memref<10000x128xf32, #tpu.memory_space<hbm>>
      tpu.enqueue_indirect_dma source(%dma_start3A_48 : memref<10000x128xf32, #tpu.memory_space<hbm>>) target(%arg9 : memref<128x128xf32, #tpu.memory_space<vmem>>) offsets(%arg7 : memref<128xi32, #tpu.memory_space<vmem>>) semaphore(%arg12 : memref<!tpu.dma_semaphore, #tpu.memory_space<semaphore_mem>>)
      %dma_wait3A = arith.constant 0 : i32
      %dma_wait3A_49 = arith.constant 0 : i32
      %dma_wait3A_50 = tpu.memref_slice %arg2[%dma_wait3A, %dma_wait3A_49] : memref<10000x128xf32, #tpu.memory_space<hbm>> -> memref<10000x128xf32, #tpu.memory_space<hbm>>
      tpu.wait_indirect_dma semaphore(%arg12 : memref<!tpu.dma_semaphore, #tpu.memory_space<semaphore_mem>>) src(%dma_wait3A_50 : memref<10000x128xf32, #tpu.memory_space<hbm>>) dst(%arg9 : memref<128x128xf32, #tpu.memory_space<vmem>>)
      "tpu.region"() ({
        %run_scoped3A = tpu.sem_alloc : memref<!tpu.dma_semaphore, #tpu.memory_space<semaphore_mem>>
        %dma_start3A_51 = arith.constant 0 : i32
        %dma_start3A_52 = arith.constant 0 : i32
        %dma_start3A_53 = tpu.memref_slice %arg11[%dma_start3A_51, %dma_start3A_52] : memref<10240x128xf32, #tpu.memory_space<vmem_shared>> -> memref<10240x128xf32, #tpu.memory_space<vmem_shared>>
        tpu.enqueue_indirect_dma source(%arg9 : memref<128x128xf32, #tpu.memory_space<vmem>>) target(%dma_start3A_53 : memref<10240x128xf32, #tpu.memory_space<vmem_shared>>) offsets(%arg8 : memref<128xi32, #tpu.memory_space<vmem>>) semaphore(%run_scoped3A : memref<!tpu.dma_semaphore, #tpu.memory_space<semaphore_mem>>) {add = true}
        %dma_wait3A_54 = arith.constant 0 : i32
        %dma_wait3A_55 = arith.constant 0 : i32
        %dma_wait3A_56 = tpu.memref_slice %arg11[%dma_wait3A_54, %dma_wait3A_55] : memref<10240x128xf32, #tpu.memory_space<vmem_shared>> -> memref<10240x128xf32, #tpu.memory_space<vmem_shared>>
        tpu.wait_indirect_dma semaphore(%run_scoped3A : memref<!tpu.dma_semaphore, #tpu.memory_space<semaphore_mem>>) src(%arg9 : memref<128x128xf32, #tpu.memory_space<vmem>>) dst(%dma_wait3A_56 : memref<10240x128xf32, #tpu.memory_space<vmem_shared>>)
        tpu.yield
      }) : () -> ()
    }
    %scan3A_24 = arith.constant 79 : i32
    %barrier3A_25 = arith.constant 0 : index
    tpu.barrier barrier_id(%barrier3A_25)
    %mul3A_26 = arith.constant 640 : i32
    %mul3A_27 = arith.muli %arg1, %mul3A_26 : i32
    %add3A_28 = arith.constant 0 : i32
    %add3A_29 = arith.addi %mul3A_27, %add3A_28 : i32
    "tpu.region"() ({
      %run_scoped3A = tpu.sem_alloc : memref<!tpu.dma_semaphore, #tpu.memory_space<semaphore_mem>>
      %dma_start3A = arith.constant 0 : i32
      %dma_start3A_46 = arith.constant 0 : i32
      %dma_start3A_47 = tpu.memref_slice %arg6[%arg0, %dma_start3A, %dma_start3A_46] : memref<2x10240x128xf32, #tpu.memory_space<hbm>> -> memref<1x10240x128xf32, #tpu.memory_space<hbm>>
      %dma_start3A_48 = tpu.memref_squeeze %dma_start3A_47 : memref<1x10240x128xf32, #tpu.memory_space<hbm>> -> memref<10240x128xf32, #tpu.memory_space<hbm>>
      %dma_start3A_49 = arith.constant 0 : i32
      %dma_start3A_50 = tpu.memref_slice %dma_start3A_48[%add3A_29, %dma_start3A_49] : memref<10240x128xf32, #tpu.memory_space<hbm>> -> memref<128x128xf32, #tpu.memory_space<hbm>>
      %dma_start3A_51 = arith.constant 0 : i32
      %dma_start3A_52 = tpu.memref_slice %arg11[%add3A_29, %dma_start3A_51] : memref<10240x128xf32, #tpu.memory_space<vmem_shared>> -> memref<128x128xf32, #tpu.memory_space<vmem_shared>>
      tpu.enqueue_dma source(%dma_start3A_52 : memref<128x128xf32, #tpu.memory_space<vmem_shared>>) target(%dma_start3A_50 : memref<128x128xf32, #tpu.memory_space<hbm>>) target_semaphore(%run_scoped3A : memref<!tpu.dma_semaphore, #tpu.memory_space<semaphore_mem>>)
      %dma_wait3A = arith.constant 0 : i32
      %dma_wait3A_53 = arith.constant 0 : i32
      %dma_wait3A_54 = tpu.memref_slice %arg6[%arg0, %dma_wait3A, %dma_wait3A_53] : memref<2x10240x128xf32, #tpu.memory_space<hbm>> -> memref<1x10240x128xf32, #tpu.memory_space<hbm>>
      %dma_wait3A_55 = tpu.memref_squeeze %dma_wait3A_54 : memref<1x10240x128xf32, #tpu.memory_space<hbm>> -> memref<10240x128xf32, #tpu.memory_space<hbm>>
      %dma_wait3A_56 = arith.constant 0 : i32
      %dma_wait3A_57 = tpu.memref_slice %dma_wait3A_55[%add3A_29, %dma_wait3A_56] : memref<10240x128xf32, #tpu.memory_space<hbm>> -> memref<128x128xf32, #tpu.memory_space<hbm>>
      %dma_wait3A_58 = arith.constant 0 : i32
      %dma_wait3A_59 = tpu.memref_slice %arg11[%add3A_29, %dma_wait3A_58] : memref<10240x128xf32, #tpu.memory_space<vmem_shared>> -> memref<128x128xf32, #tpu.memory_space<vmem_shared>>
      tpu.wait_dma2 semaphore(%run_scoped3A : memref<!tpu.dma_semaphore, #tpu.memory_space<semaphore_mem>>) src(%dma_wait3A_59 : memref<128x128xf32, #tpu.memory_space<vmem_shared>>) dst(%dma_wait3A_57 : memref<128x128xf32, #tpu.memory_space<hbm>>)
      tpu.yield
    }) : () -> ()
    %mul3A_30 = arith.constant 640 : i32
    %mul3A_31 = arith.muli %arg1, %mul3A_30 : i32
    %add3A_32 = arith.constant 128 : i32
    %add3A_33 = arith.addi %mul3A_31, %add3A_32 : i32
    "tpu.region"() ({
      %run_scoped3A = tpu.sem_alloc : memref<!tpu.dma_semaphore, #tpu.memory_space<semaphore_mem>>
      %dma_start3A = arith.constant 0 : i32
      %dma_start3A_46 = arith.constant 0 : i32
      %dma_start3A_47 = tpu.memref_slice %arg6[%arg0, %dma_start3A, %dma_start3A_46] : memref<2x10240x128xf32, #tpu.memory_space<hbm>> -> memref<1x10240x128xf32, #tpu.memory_space<hbm>>
      %dma_start3A_48 = tpu.memref_squeeze %dma_start3A_47 : memref<1x10240x128xf32, #tpu.memory_space<hbm>> -> memref<10240x128xf32, #tpu.memory_space<hbm>>
      %dma_start3A_49 = arith.constant 0 : i32
      %dma_start3A_50 = tpu.memref_slice %dma_start3A_48[%add3A_33, %dma_start3A_49] : memref<10240x128xf32, #tpu.memory_space<hbm>> -> memref<128x128xf32, #tpu.memory_space<hbm>>
      %dma_start3A_51 = arith.constant 0 : i32
      %dma_start3A_52 = tpu.memref_slice %arg11[%add3A_33, %dma_start3A_51] : memref<10240x128xf32, #tpu.memory_space<vmem_shared>> -> memref<128x128xf32, #tpu.memory_space<vmem_shared>>
      tpu.enqueue_dma source(%dma_start3A_52 : memref<128x128xf32, #tpu.memory_space<vmem_shared>>) target(%dma_start3A_50 : memref<128x128xf32, #tpu.memory_space<hbm>>) target_semaphore(%run_scoped3A : memref<!tpu.dma_semaphore, #tpu.memory_space<semaphore_mem>>)
      %dma_wait3A = arith.constant 0 : i32
      %dma_wait3A_53 = arith.constant 0 : i32
      %dma_wait3A_54 = tpu.memref_slice %arg6[%arg0, %dma_wait3A, %dma_wait3A_53] : memref<2x10240x128xf32, #tpu.memory_space<hbm>> -> memref<1x10240x128xf32, #tpu.memory_space<hbm>>
      %dma_wait3A_55 = tpu.memref_squeeze %dma_wait3A_54 : memref<1x10240x128xf32, #tpu.memory_space<hbm>> -> memref<10240x128xf32, #tpu.memory_space<hbm>>
      %dma_wait3A_56 = arith.constant 0 : i32
      %dma_wait3A_57 = tpu.memref_slice %dma_wait3A_55[%add3A_33, %dma_wait3A_56] : memref<10240x128xf32, #tpu.memory_space<hbm>> -> memref<128x128xf32, #tpu.memory_space<hbm>>
      %dma_wait3A_58 = arith.constant 0 : i32
      %dma_wait3A_59 = tpu.memref_slice %arg11[%add3A_33, %dma_wait3A_58] : memref<10240x128xf32, #tpu.memory_space<vmem_shared>> -> memref<128x128xf32, #tpu.memory_space<vmem_shared>>
      tpu.wait_dma2 semaphore(%run_scoped3A : memref<!tpu.dma_semaphore, #tpu.memory_space<semaphore_mem>>) src(%dma_wait3A_59 : memref<128x128xf32, #tpu.memory_space<vmem_shared>>) dst(%dma_wait3A_57 : memref<128x128xf32, #tpu.memory_space<hbm>>)
      tpu.yield
    }) : () -> ()
    %mul3A_34 = arith.constant 640 : i32
    %mul3A_35 = arith.muli %arg1, %mul3A_34 : i32
    %add3A_36 = arith.constant 256 : i32
    %add3A_37 = arith.addi %mul3A_35, %add3A_36 : i32
    "tpu.region"() ({
      %run_scoped3A = tpu.sem_alloc : memref<!tpu.dma_semaphore, #tpu.memory_space<semaphore_mem>>
      %dma_start3A = arith.constant 0 : i32
      %dma_start3A_46 = arith.constant 0 : i32
      %dma_start3A_47 = tpu.memref_slice %arg6[%arg0, %dma_start3A, %dma_start3A_46] : memref<2x10240x128xf32, #tpu.memory_space<hbm>> -> memref<1x10240x128xf32, #tpu.memory_space<hbm>>
      %dma_start3A_48 = tpu.memref_squeeze %dma_start3A_47 : memref<1x10240x128xf32, #tpu.memory_space<hbm>> -> memref<10240x128xf32, #tpu.memory_space<hbm>>
      %dma_start3A_49 = arith.constant 0 : i32
      %dma_start3A_50 = tpu.memref_slice %dma_start3A_48[%add3A_37, %dma_start3A_49] : memref<10240x128xf32, #tpu.memory_space<hbm>> -> memref<128x128xf32, #tpu.memory_space<hbm>>
      %dma_start3A_51 = arith.constant 0 : i32
      %dma_start3A_52 = tpu.memref_slice %arg11[%add3A_37, %dma_start3A_51] : memref<10240x128xf32, #tpu.memory_space<vmem_shared>> -> memref<128x128xf32, #tpu.memory_space<vmem_shared>>
      tpu.enqueue_dma source(%dma_start3A_52 : memref<128x128xf32, #tpu.memory_space<vmem_shared>>) target(%dma_start3A_50 : memref<128x128xf32, #tpu.memory_space<hbm>>) target_semaphore(%run_scoped3A : memref<!tpu.dma_semaphore, #tpu.memory_space<semaphore_mem>>)
      %dma_wait3A = arith.constant 0 : i32
      %dma_wait3A_53 = arith.constant 0 : i32
      %dma_wait3A_54 = tpu.memref_slice %arg6[%arg0, %dma_wait3A, %dma_wait3A_53] : memref<2x10240x128xf32, #tpu.memory_space<hbm>> -> memref<1x10240x128xf32, #tpu.memory_space<hbm>>
      %dma_wait3A_55 = tpu.memref_squeeze %dma_wait3A_54 : memref<1x10240x128xf32, #tpu.memory_space<hbm>> -> memref<10240x128xf32, #tpu.memory_space<hbm>>
      %dma_wait3A_56 = arith.constant 0 : i32
      %dma_wait3A_57 = tpu.memref_slice %dma_wait3A_55[%add3A_37, %dma_wait3A_56] : memref<10240x128xf32, #tpu.memory_space<hbm>> -> memref<128x128xf32, #tpu.memory_space<hbm>>
      %dma_wait3A_58 = arith.constant 0 : i32
      %dma_wait3A_59 = tpu.memref_slice %arg11[%add3A_37, %dma_wait3A_58] : memref<10240x128xf32, #tpu.memory_space<vmem_shared>> -> memref<128x128xf32, #tpu.memory_space<vmem_shared>>
      tpu.wait_dma2 semaphore(%run_scoped3A : memref<!tpu.dma_semaphore, #tpu.memory_space<semaphore_mem>>) src(%dma_wait3A_59 : memref<128x128xf32, #tpu.memory_space<vmem_shared>>) dst(%dma_wait3A_57 : memref<128x128xf32, #tpu.memory_space<hbm>>)
      tpu.yield
    }) : () -> ()
    %mul3A_38 = arith.constant 640 : i32
    %mul3A_39 = arith.muli %arg1, %mul3A_38 : i32
    %add3A_40 = arith.constant 384 : i32
    %add3A_41 = arith.addi %mul3A_39, %add3A_40 : i32
    "tpu.region"() ({
      %run_scoped3A = tpu.sem_alloc : memref<!tpu.dma_semaphore, #tpu.memory_space<semaphore_mem>>
      %dma_start3A = arith.constant 0 : i32
      %dma_start3A_46 = arith.constant 0 : i32
      %dma_start3A_47 = tpu.memref_slice %arg6[%arg0, %dma_start3A, %dma_start3A_46] : memref<2x10240x128xf32, #tpu.memory_space<hbm>> -> memref<1x10240x128xf32, #tpu.memory_space<hbm>>
      %dma_start3A_48 = tpu.memref_squeeze %dma_start3A_47 : memref<1x10240x128xf32, #tpu.memory_space<hbm>> -> memref<10240x128xf32, #tpu.memory_space<hbm>>
      %dma_start3A_49 = arith.constant 0 : i32
      %dma_start3A_50 = tpu.memref_slice %dma_start3A_48[%add3A_41, %dma_start3A_49] : memref<10240x128xf32, #tpu.memory_space<hbm>> -> memref<128x128xf32, #tpu.memory_space<hbm>>
      %dma_start3A_51 = arith.constant 0 : i32
      %dma_start3A_52 = tpu.memref_slice %arg11[%add3A_41, %dma_start3A_51] : memref<10240x128xf32, #tpu.memory_space<vmem_shared>> -> memref<128x128xf32, #tpu.memory_space<vmem_shared>>
      tpu.enqueue_dma source(%dma_start3A_52 : memref<128x128xf32, #tpu.memory_space<vmem_shared>>) target(%dma_start3A_50 : memref<128x128xf32, #tpu.memory_space<hbm>>) target_semaphore(%run_scoped3A : memref<!tpu.dma_semaphore, #tpu.memory_space<semaphore_mem>>)
      %dma_wait3A = arith.constant 0 : i32
      %dma_wait3A_53 = arith.constant 0 : i32
      %dma_wait3A_54 = tpu.memref_slice %arg6[%arg0, %dma_wait3A, %dma_wait3A_53] : memref<2x10240x128xf32, #tpu.memory_space<hbm>> -> memref<1x10240x128xf32, #tpu.memory_space<hbm>>
      %dma_wait3A_55 = tpu.memref_squeeze %dma_wait3A_54 : memref<1x10240x128xf32, #tpu.memory_space<hbm>> -> memref<10240x128xf32, #tpu.memory_space<hbm>>
      %dma_wait3A_56 = arith.constant 0 : i32
      %dma_wait3A_57 = tpu.memref_slice %dma_wait3A_55[%add3A_41, %dma_wait3A_56] : memref<10240x128xf32, #tpu.memory_space<hbm>> -> memref<128x128xf32, #tpu.memory_space<hbm>>
      %dma_wait3A_58 = arith.constant 0 : i32
      %dma_wait3A_59 = tpu.memref_slice %arg11[%add3A_41, %dma_wait3A_58] : memref<10240x128xf32, #tpu.memory_space<vmem_shared>> -> memref<128x128xf32, #tpu.memory_space<vmem_shared>>
      tpu.wait_dma2 semaphore(%run_scoped3A : memref<!tpu.dma_semaphore, #tpu.memory_space<semaphore_mem>>) src(%dma_wait3A_59 : memref<128x128xf32, #tpu.memory_space<vmem_shared>>) dst(%dma_wait3A_57 : memref<128x128xf32, #tpu.memory_space<hbm>>)
      tpu.yield
    }) : () -> ()
    %mul3A_42 = arith.constant 640 : i32
    %mul3A_43 = arith.muli %arg1, %mul3A_42 : i32
    %add3A_44 = arith.constant 512 : i32
    %add3A_45 = arith.addi %mul3A_43, %add3A_44 : i32
    "tpu.region"() ({
      %run_scoped3A = tpu.sem_alloc : memref<!tpu.dma_semaphore, #tpu.memory_space<semaphore_mem>>
      %dma_start3A = arith.constant 0 : i32
      %dma_start3A_46 = arith.constant 0 : i32
      %dma_start3A_47 = tpu.memref_slice %arg6[%arg0, %dma_start3A, %dma_start3A_46] : memref<2x10240x128xf32, #tpu.memory_space<hbm>> -> memref<1x10240x128xf32, #tpu.memory_space<hbm>>
      %dma_start3A_48 = tpu.memref_squeeze %dma_start3A_47 : memref<1x10240x128xf32, #tpu.memory_space<hbm>> -> memref<10240x128xf32, #tpu.memory_space<hbm>>
      %dma_start3A_49 = arith.constant 0 : i32
      %dma_start3A_50 = tpu.memref_slice %dma_start3A_48[%add3A_45, %dma_start3A_49] : memref<10240x128xf32, #tpu.memory_space<hbm>> -> memref<128x128xf32, #tpu.memory_space<hbm>>
      %dma_start3A_51 = arith.constant 0 : i32
      %dma_start3A_52 = tpu.memref_slice %arg11[%add3A_45, %dma_start3A_51] : memref<10240x128xf32, #tpu.memory_space<vmem_shared>> -> memref<128x128xf32, #tpu.memory_space<vmem_shared>>
      tpu.enqueue_dma source(%dma_start3A_52 : memref<128x128xf32, #tpu.memory_space<vmem_shared>>) target(%dma_start3A_50 : memref<128x128xf32, #tpu.memory_space<hbm>>) target_semaphore(%run_scoped3A : memref<!tpu.dma_semaphore, #tpu.memory_space<semaphore_mem>>)
      %dma_wait3A = arith.constant 0 : i32
      %dma_wait3A_53 = arith.constant 0 : i32
      %dma_wait3A_54 = tpu.memref_slice %arg6[%arg0, %dma_wait3A, %dma_wait3A_53] : memref<2x10240x128xf32, #tpu.memory_space<hbm>> -> memref<1x10240x128xf32, #tpu.memory_space<hbm>>
      %dma_wait3A_55 = tpu.memref_squeeze %dma_wait3A_54 : memref<1x10240x128xf32, #tpu.memory_space<hbm>> -> memref<10240x128xf32, #tpu.memory_space<hbm>>
      %dma_wait3A_56 = arith.constant 0 : i32
      %dma_wait3A_57 = tpu.memref_slice %dma_wait3A_55[%add3A_45, %dma_wait3A_56] : memref<10240x128xf32, #tpu.memory_space<hbm>> -> memref<128x128xf32, #tpu.memory_space<hbm>>
      %dma_wait3A_58 = arith.constant 0 : i32
      %dma_wait3A_59 = tpu.memref_slice %arg11[%add3A_45, %dma_wait3A_58] : memref<10240x128xf32, #tpu.memory_space<vmem_shared>> -> memref<128x128xf32, #tpu.memory_space<vmem_shared>>
      tpu.wait_dma2 semaphore(%run_scoped3A : memref<!tpu.dma_semaphore, #tpu.memory_space<semaphore_mem>>) src(%dma_wait3A_59 : memref<128x128xf32, #tpu.memory_space<vmem_shared>>) dst(%dma_wait3A_57 : memref<128x128xf32, #tpu.memory_space<hbm>>)
      tpu.yield
    }) : () -> ()
    return
  }
}

#map = affine_map<(d0, d1) -> (0, 0)>
#map1 = affine_map<(d0, d1) -> (0, 0, 0)>
module attributes {stable_mosaic.version = 14 : i64} {
  func.func @_sc_segment_sum_body(%arg0: i32, %arg1: i32, %arg2: memref<10000x128xf32, #tpu.memory_space<hbm>>, %arg3: memref<32x79x128xi32, #tpu.memory_space<hbm>>, %arg4: memref<32x79x128xi32, #tpu.memory_space<hbm>>, %arg5: memref<128x128xf32, #tpu.memory_space<hbm>>, %arg6: memref<2x10240x128xf32, #tpu.memory_space<hbm>>, %arg7: memref<128xi32, #tpu.memory_space<vmem>>, %arg8: memref<128xi32, #tpu.memory_space<vmem>>, %arg9: memref<128x128xf32, #tpu.memory_space<vmem>>, %arg10: memref<128x128xf32, #tpu.memory_space<vmem>>, %arg11: memref<10240x128xf32, #tpu.memory_space<vmem_shared>>, %arg12: memref<!tpu.dma_semaphore, #tpu.memory_space<semaphore_mem>>) attributes {dimension_semantics = [#tpu.dimension_semantics<core_parallel>, #tpu.dimension_semantics<subcore_parallel>], iteration_bounds = array<i64: 2, 16>, scalar_prefetch = 0 : i64, scratch_operands = 6 : i64, tpu.core_type = #tpu.core_type<sc_vector_subcore>, window_params = [{transform_indices = #map}, {transform_indices = #map1}, {transform_indices = #map1}, {transform_indices = #map}, {transform_indices = #map1}]} {
    %mul3A = arith.constant 16 : i32
    %mul3A_0 = arith.muli %arg0, %mul3A : i32
    %add3A = arith.addi %mul3A_0, %arg1 : i32
    "tpu.region"() ({
      %run_scoped3A = tpu.sem_alloc : memref<!tpu.dma_semaphore, #tpu.memory_space<semaphore_mem>>
      tpu.enqueue_dma source(%arg5 : memref<128x128xf32, #tpu.memory_space<hbm>>) target(%arg10 : memref<128x128xf32, #tpu.memory_space<vmem>>) target_semaphore(%run_scoped3A : memref<!tpu.dma_semaphore, #tpu.memory_space<semaphore_mem>>)
      tpu.wait_dma2 semaphore(%run_scoped3A : memref<!tpu.dma_semaphore, #tpu.memory_space<semaphore_mem>>) src(%arg5 : memref<128x128xf32, #tpu.memory_space<hbm>>) dst(%arg10 : memref<128x128xf32, #tpu.memory_space<vmem>>)
      tpu.yield
    }) : () -> ()
    %mul3A_1 = arith.constant 640 : i32
    %mul3A_2 = arith.muli %arg1, %mul3A_1 : i32
    %add3A_3 = arith.constant 0 : i32
    %add3A_4 = arith.addi %mul3A_2, %add3A_3 : i32
    "tpu.region"() ({
      %run_scoped3A = tpu.sem_alloc : memref<!tpu.dma_semaphore, #tpu.memory_space<semaphore_mem>>
      %dma_start3A = arith.constant 0 : i32
      %dma_start3A_46 = tpu.memref_slice %arg11[%add3A_4, %dma_start3A] : memref<10240x128xf32, #tpu.memory_space<vmem_shared>> -> memref<128x128xf32, #tpu.memory_space<vmem_shared>>
      %dma_start3A_47 = arith.constant 0 : i32
      %dma_start3A_48 = tpu.memref_slice %arg11[%add3A_4, %dma_start3A_47] : memref<10240x128xf32, #tpu.memory_space<vmem_shared>> -> memref<128x128xf32, #tpu.memory_space<vmem_shared>>
      tpu.enqueue_dma source(%arg10 : memref<128x128xf32, #tpu.memory_space<vmem>>) target(%dma_start3A_48 : memref<128x128xf32, #tpu.memory_space<vmem_shared>>) target_semaphore(%run_scoped3A : memref<!tpu.dma_semaphore, #tpu.memory_space<semaphore_mem>>)
      %dma_wait3A = arith.constant 0 : i32
      %dma_wait3A_49 = tpu.memref_slice %arg11[%add3A_4, %dma_wait3A] : memref<10240x128xf32, #tpu.memory_space<vmem_shared>> -> memref<128x128xf32, #tpu.memory_space<vmem_shared>>
      %dma_wait3A_50 = arith.constant 0 : i32
      %dma_wait3A_51 = tpu.memref_slice %arg11[%add3A_4, %dma_wait3A_50] : memref<10240x128xf32, #tpu.memory_space<vmem_shared>> -> memref<128x128xf32, #tpu.memory_space<vmem_shared>>
      tpu.wait_dma2 semaphore(%run_scoped3A : memref<!tpu.dma_semaphore, #tpu.memory_space<semaphore_mem>>) src(%arg10 : memref<128x128xf32, #tpu.memory_space<vmem>>) dst(%dma_wait3A_51 : memref<128x128xf32, #tpu.memory_space<vmem_shared>>)
      tpu.yield
    }) : () -> ()
    %mul3A_5 = arith.constant 640 : i32
    %mul3A_6 = arith.muli %arg1, %mul3A_5 : i32
    %add3A_7 = arith.constant 128 : i32
    %add3A_8 = arith.addi %mul3A_6, %add3A_7 : i32
    "tpu.region"() ({
      %run_scoped3A = tpu.sem_alloc : memref<!tpu.dma_semaphore, #tpu.memory_space<semaphore_mem>>
      %dma_start3A = arith.constant 0 : i32
      %dma_start3A_46 = tpu.memref_slice %arg11[%add3A_8, %dma_start3A] : memref<10240x128xf32, #tpu.memory_space<vmem_shared>> -> memref<128x128xf32, #tpu.memory_space<vmem_shared>>
      %dma_start3A_47 = arith.constant 0 : i32
      %dma_start3A_48 = tpu.memref_slice %arg11[%add3A_8, %dma_start3A_47] : memref<10240x128xf32, #tpu.memory_space<vmem_shared>> -> memref<128x128xf32, #tpu.memory_space<vmem_shared>>
      tpu.enqueue_dma source(%arg10 : memref<128x128xf32, #tpu.memory_space<vmem>>) target(%dma_start3A_48 : memref<128x128xf32, #tpu.memory_space<vmem_shared>>) target_semaphore(%run_scoped3A : memref<!tpu.dma_semaphore, #tpu.memory_space<semaphore_mem>>)
      %dma_wait3A = arith.constant 0 : i32
      %dma_wait3A_49 = tpu.memref_slice %arg11[%add3A_8, %dma_wait3A] : memref<10240x128xf32, #tpu.memory_space<vmem_shared>> -> memref<128x128xf32, #tpu.memory_space<vmem_shared>>
      %dma_wait3A_50 = arith.constant 0 : i32
      %dma_wait3A_51 = tpu.memref_slice %arg11[%add3A_8, %dma_wait3A_50] : memref<10240x128xf32, #tpu.memory_space<vmem_shared>> -> memref<128x128xf32, #tpu.memory_space<vmem_shared>>
      tpu.wait_dma2 semaphore(%run_scoped3A : memref<!tpu.dma_semaphore, #tpu.memory_space<semaphore_mem>>) src(%arg10 : memref<128x128xf32, #tpu.memory_space<vmem>>) dst(%dma_wait3A_51 : memref<128x128xf32, #tpu.memory_space<vmem_shared>>)
      tpu.yield
    }) : () -> ()
    %mul3A_9 = arith.constant 640 : i32
    %mul3A_10 = arith.muli %arg1, %mul3A_9 : i32
    %add3A_11 = arith.constant 256 : i32
    %add3A_12 = arith.addi %mul3A_10, %add3A_11 : i32
    "tpu.region"() ({
      %run_scoped3A = tpu.sem_alloc : memref<!tpu.dma_semaphore, #tpu.memory_space<semaphore_mem>>
      %dma_start3A = arith.constant 0 : i32
      %dma_start3A_46 = tpu.memref_slice %arg11[%add3A_12, %dma_start3A] : memref<10240x128xf32, #tpu.memory_space<vmem_shared>> -> memref<128x128xf32, #tpu.memory_space<vmem_shared>>
      %dma_start3A_47 = arith.constant 0 : i32
      %dma_start3A_48 = tpu.memref_slice %arg11[%add3A_12, %dma_start3A_47] : memref<10240x128xf32, #tpu.memory_space<vmem_shared>> -> memref<128x128xf32, #tpu.memory_space<vmem_shared>>
      tpu.enqueue_dma source(%arg10 : memref<128x128xf32, #tpu.memory_space<vmem>>) target(%dma_start3A_48 : memref<128x128xf32, #tpu.memory_space<vmem_shared>>) target_semaphore(%run_scoped3A : memref<!tpu.dma_semaphore, #tpu.memory_space<semaphore_mem>>)
      %dma_wait3A = arith.constant 0 : i32
      %dma_wait3A_49 = tpu.memref_slice %arg11[%add3A_12, %dma_wait3A] : memref<10240x128xf32, #tpu.memory_space<vmem_shared>> -> memref<128x128xf32, #tpu.memory_space<vmem_shared>>
      %dma_wait3A_50 = arith.constant 0 : i32
      %dma_wait3A_51 = tpu.memref_slice %arg11[%add3A_12, %dma_wait3A_50] : memref<10240x128xf32, #tpu.memory_space<vmem_shared>> -> memref<128x128xf32, #tpu.memory_space<vmem_shared>>
      tpu.wait_dma2 semaphore(%run_scoped3A : memref<!tpu.dma_semaphore, #tpu.memory_space<semaphore_mem>>) src(%arg10 : memref<128x128xf32, #tpu.memory_space<vmem>>) dst(%dma_wait3A_51 : memref<128x128xf32, #tpu.memory_space<vmem_shared>>)
      tpu.yield
    }) : () -> ()
    %mul3A_13 = arith.constant 640 : i32
    %mul3A_14 = arith.muli %arg1, %mul3A_13 : i32
    %add3A_15 = arith.constant 384 : i32
    %add3A_16 = arith.addi %mul3A_14, %add3A_15 : i32
    "tpu.region"() ({
      %run_scoped3A = tpu.sem_alloc : memref<!tpu.dma_semaphore, #tpu.memory_space<semaphore_mem>>
      %dma_start3A = arith.constant 0 : i32
      %dma_start3A_46 = tpu.memref_slice %arg11[%add3A_16, %dma_start3A] : memref<10240x128xf32, #tpu.memory_space<vmem_shared>> -> memref<128x128xf32, #tpu.memory_space<vmem_shared>>
      %dma_start3A_47 = arith.constant 0 : i32
      %dma_start3A_48 = tpu.memref_slice %arg11[%add3A_16, %dma_start3A_47] : memref<10240x128xf32, #tpu.memory_space<vmem_shared>> -> memref<128x128xf32, #tpu.memory_space<vmem_shared>>
      tpu.enqueue_dma source(%arg10 : memref<128x128xf32, #tpu.memory_space<vmem>>) target(%dma_start3A_48 : memref<128x128xf32, #tpu.memory_space<vmem_shared>>) target_semaphore(%run_scoped3A : memref<!tpu.dma_semaphore, #tpu.memory_space<semaphore_mem>>)
      %dma_wait3A = arith.constant 0 : i32
      %dma_wait3A_49 = tpu.memref_slice %arg11[%add3A_16, %dma_wait3A] : memref<10240x128xf32, #tpu.memory_space<vmem_shared>> -> memref<128x128xf32, #tpu.memory_space<vmem_shared>>
      %dma_wait3A_50 = arith.constant 0 : i32
      %dma_wait3A_51 = tpu.memref_slice %arg11[%add3A_16, %dma_wait3A_50] : memref<10240x128xf32, #tpu.memory_space<vmem_shared>> -> memref<128x128xf32, #tpu.memory_space<vmem_shared>>
      tpu.wait_dma2 semaphore(%run_scoped3A : memref<!tpu.dma_semaphore, #tpu.memory_space<semaphore_mem>>) src(%arg10 : memref<128x128xf32, #tpu.memory_space<vmem>>) dst(%dma_wait3A_51 : memref<128x128xf32, #tpu.memory_space<vmem_shared>>)
      tpu.yield
    }) : () -> ()
    %mul3A_17 = arith.constant 640 : i32
    %mul3A_18 = arith.muli %arg1, %mul3A_17 : i32
    %add3A_19 = arith.constant 512 : i32
    %add3A_20 = arith.addi %mul3A_18, %add3A_19 : i32
    "tpu.region"() ({
      %run_scoped3A = tpu.sem_alloc : memref<!tpu.dma_semaphore, #tpu.memory_space<semaphore_mem>>
      %dma_start3A = arith.constant 0 : i32
      %dma_start3A_46 = tpu.memref_slice %arg11[%add3A_20, %dma_start3A] : memref<10240x128xf32, #tpu.memory_space<vmem_shared>> -> memref<128x128xf32, #tpu.memory_space<vmem_shared>>
      %dma_start3A_47 = arith.constant 0 : i32
      %dma_start3A_48 = tpu.memref_slice %arg11[%add3A_20, %dma_start3A_47] : memref<10240x128xf32, #tpu.memory_space<vmem_shared>> -> memref<128x128xf32, #tpu.memory_space<vmem_shared>>
      tpu.enqueue_dma source(%arg10 : memref<128x128xf32, #tpu.memory_space<vmem>>) target(%dma_start3A_48 : memref<128x128xf32, #tpu.memory_space<vmem_shared>>) target_semaphore(%run_scoped3A : memref<!tpu.dma_semaphore, #tpu.memory_space<semaphore_mem>>)
      %dma_wait3A = arith.constant 0 : i32
      %dma_wait3A_49 = tpu.memref_slice %arg11[%add3A_20, %dma_wait3A] : memref<10240x128xf32, #tpu.memory_space<vmem_shared>> -> memref<128x128xf32, #tpu.memory_space<vmem_shared>>
      %dma_wait3A_50 = arith.constant 0 : i32
      %dma_wait3A_51 = tpu.memref_slice %arg11[%add3A_20, %dma_wait3A_50] : memref<10240x128xf32, #tpu.memory_space<vmem_shared>> -> memref<128x128xf32, #tpu.memory_space<vmem_shared>>
      tpu.wait_dma2 semaphore(%run_scoped3A : memref<!tpu.dma_semaphore, #tpu.memory_space<semaphore_mem>>) src(%arg10 : memref<128x128xf32, #tpu.memory_space<vmem>>) dst(%dma_wait3A_51 : memref<128x128xf32, #tpu.memory_space<vmem_shared>>)
      tpu.yield
    }) : () -> ()
    %barrier3A = arith.constant 0 : index
    tpu.barrier barrier_id(%barrier3A)
    %scan3A = arith.constant 0 : i32
    %scan3A_21 = arith.constant 79 : i32
    %scan3A_22 = arith.addi %scan3A, %scan3A_21 : i32
    %scan3A_23 = arith.constant 1 : i32
    scf.for %scan3A_46 = %scan3A to %scan3A_22 step %scan3A_23  : i32 {
      "tpu.region"() ({
        %run_scoped3A = tpu.sem_alloc : memref<!tpu.dma_semaphore, #tpu.memory_space<semaphore_mem>>
        %dma_start3A_51 = arith.constant 0 : i32
        %dma_start3A_52 = tpu.memref_slice %arg3[%add3A, %scan3A_46, %dma_start3A_51] : memref<32x79x128xi32, #tpu.memory_space<hbm>> -> memref<1x1x128xi32, #tpu.memory_space<hbm>>
        %dma_start3A_53 = tpu.memref_squeeze %dma_start3A_52 : memref<1x1x128xi32, #tpu.memory_space<hbm>> -> memref<128xi32, #tpu.memory_space<hbm>>
        %dma_start3A_54 = arith.constant 0 : i32
        %dma_start3A_55 = tpu.memref_slice %arg3[%add3A, %scan3A_46, %dma_start3A_54] : memref<32x79x128xi32, #tpu.memory_space<hbm>> -> memref<1x1x128xi32, #tpu.memory_space<hbm>>
        %dma_start3A_56 = tpu.memref_squeeze %dma_start3A_55 : memref<1x1x128xi32, #tpu.memory_space<hbm>> -> memref<128xi32, #tpu.memory_space<hbm>>
        tpu.enqueue_dma source(%dma_start3A_56 : memref<128xi32, #tpu.memory_space<hbm>>) target(%arg7 : memref<128xi32, #tpu.memory_space<vmem>>) target_semaphore(%run_scoped3A : memref<!tpu.dma_semaphore, #tpu.memory_space<semaphore_mem>>)
        %dma_wait3A_57 = arith.constant 0 : i32
        %dma_wait3A_58 = tpu.memref_slice %arg3[%add3A, %scan3A_46, %dma_wait3A_57] : memref<32x79x128xi32, #tpu.memory_space<hbm>> -> memref<1x1x128xi32, #tpu.memory_space<hbm>>
        %dma_wait3A_59 = tpu.memref_squeeze %dma_wait3A_58 : memref<1x1x128xi32, #tpu.memory_space<hbm>> -> memref<128xi32, #tpu.memory_space<hbm>>
        %dma_wait3A_60 = arith.constant 0 : i32
        %dma_wait3A_61 = tpu.memref_slice %arg3[%add3A, %scan3A_46, %dma_wait3A_60] : memref<32x79x128xi32, #tpu.memory_space<hbm>> -> memref<1x1x128xi32, #tpu.memory_space<hbm>>
        %dma_wait3A_62 = tpu.memref_squeeze %dma_wait3A_61 : memref<1x1x128xi32, #tpu.memory_space<hbm>> -> memref<128xi32, #tpu.memory_space<hbm>>
        tpu.wait_dma2 semaphore(%run_scoped3A : memref<!tpu.dma_semaphore, #tpu.memory_space<semaphore_mem>>) src(%dma_wait3A_62 : memref<128xi32, #tpu.memory_space<hbm>>) dst(%arg7 : memref<128xi32, #tpu.memory_space<vmem>>)
        tpu.yield
      }) : () -> ()
      "tpu.region"() ({
        %run_scoped3A = tpu.sem_alloc : memref<!tpu.dma_semaphore, #tpu.memory_space<semaphore_mem>>
        %dma_start3A_51 = arith.constant 0 : i32
        %dma_start3A_52 = tpu.memref_slice %arg4[%add3A, %scan3A_46, %dma_start3A_51] : memref<32x79x128xi32, #tpu.memory_space<hbm>> -> memref<1x1x128xi32, #tpu.memory_space<hbm>>
        %dma_start3A_53 = tpu.memref_squeeze %dma_start3A_52 : memref<1x1x128xi32, #tpu.memory_space<hbm>> -> memref<128xi32, #tpu.memory_space<hbm>>
        %dma_start3A_54 = arith.constant 0 : i32
        %dma_start3A_55 = tpu.memref_slice %arg4[%add3A, %scan3A_46, %dma_start3A_54] : memref<32x79x128xi32, #tpu.memory_space<hbm>> -> memref<1x1x128xi32, #tpu.memory_space<hbm>>
        %dma_start3A_56 = tpu.memref_squeeze %dma_start3A_55 : memref<1x1x128xi32, #tpu.memory_space<hbm>> -> memref<128xi32, #tpu.memory_space<hbm>>
        tpu.enqueue_dma source(%dma_start3A_56 : memref<128xi32, #tpu.memory_space<hbm>>) target(%arg8 : memref<128xi32, #tpu.memory_space<vmem>>) target_semaphore(%run_scoped3A : memref<!tpu.dma_semaphore, #tpu.memory_space<semaphore_mem>>)
        %dma_wait3A_57 = arith.constant 0 : i32
        %dma_wait3A_58 = tpu.memref_slice %arg4[%add3A, %scan3A_46, %dma_wait3A_57] : memref<32x79x128xi32, #tpu.memory_space<hbm>> -> memref<1x1x128xi32, #tpu.memory_space<hbm>>
        %dma_wait3A_59 = tpu.memref_squeeze %dma_wait3A_58 : memref<1x1x128xi32, #tpu.memory_space<hbm>> -> memref<128xi32, #tpu.memory_space<hbm>>
        %dma_wait3A_60 = arith.constant 0 : i32
        %dma_wait3A_61 = tpu.memref_slice %arg4[%add3A, %scan3A_46, %dma_wait3A_60] : memref<32x79x128xi32, #tpu.memory_space<hbm>> -> memref<1x1x128xi32, #tpu.memory_space<hbm>>
        %dma_wait3A_62 = tpu.memref_squeeze %dma_wait3A_61 : memref<1x1x128xi32, #tpu.memory_space<hbm>> -> memref<128xi32, #tpu.memory_space<hbm>>
        tpu.wait_dma2 semaphore(%run_scoped3A : memref<!tpu.dma_semaphore, #tpu.memory_space<semaphore_mem>>) src(%dma_wait3A_62 : memref<128xi32, #tpu.memory_space<hbm>>) dst(%arg8 : memref<128xi32, #tpu.memory_space<vmem>>)
        tpu.yield
      }) : () -> ()
      %dma_start3A = arith.constant 0 : i32
      %dma_start3A_47 = arith.constant 0 : i32
      %dma_start3A_48 = tpu.memref_slice %arg2[%dma_start3A, %dma_start3A_47] : memref<10000x128xf32, #tpu.memory_space<hbm>> -> memref<10000x128xf32, #tpu.memory_space<hbm>>
      tpu.enqueue_indirect_dma source(%dma_start3A_48 : memref<10000x128xf32, #tpu.memory_space<hbm>>) target(%arg9 : memref<128x128xf32, #tpu.memory_space<vmem>>) offsets(%arg7 : memref<128xi32, #tpu.memory_space<vmem>>) semaphore(%arg12 : memref<!tpu.dma_semaphore, #tpu.memory_space<semaphore_mem>>)
      %dma_wait3A = arith.constant 0 : i32
      %dma_wait3A_49 = arith.constant 0 : i32
      %dma_wait3A_50 = tpu.memref_slice %arg2[%dma_wait3A, %dma_wait3A_49] : memref<10000x128xf32, #tpu.memory_space<hbm>> -> memref<10000x128xf32, #tpu.memory_space<hbm>>
      tpu.wait_indirect_dma semaphore(%arg12 : memref<!tpu.dma_semaphore, #tpu.memory_space<semaphore_mem>>) src(%dma_wait3A_50 : memref<10000x128xf32, #tpu.memory_space<hbm>>) dst(%arg9 : memref<128x128xf32, #tpu.memory_space<vmem>>)
      "tpu.region"() ({
        %run_scoped3A = tpu.sem_alloc : memref<!tpu.dma_semaphore, #tpu.memory_space<semaphore_mem>>
        %dma_start3A_51 = arith.constant 0 : i32
        %dma_start3A_52 = arith.constant 0 : i32
        %dma_start3A_53 = tpu.memref_slice %arg11[%dma_start3A_51, %dma_start3A_52] : memref<10240x128xf32, #tpu.memory_space<vmem_shared>> -> memref<10240x128xf32, #tpu.memory_space<vmem_shared>>
        tpu.enqueue_indirect_dma source(%arg9 : memref<128x128xf32, #tpu.memory_space<vmem>>) target(%dma_start3A_53 : memref<10240x128xf32, #tpu.memory_space<vmem_shared>>) offsets(%arg8 : memref<128xi32, #tpu.memory_space<vmem>>) semaphore(%run_scoped3A : memref<!tpu.dma_semaphore, #tpu.memory_space<semaphore_mem>>) {add = true}
        %dma_wait3A_54 = arith.constant 0 : i32
        %dma_wait3A_55 = arith.constant 0 : i32
        %dma_wait3A_56 = tpu.memref_slice %arg11[%dma_wait3A_54, %dma_wait3A_55] : memref<10240x128xf32, #tpu.memory_space<vmem_shared>> -> memref<10240x128xf32, #tpu.memory_space<vmem_shared>>
        tpu.wait_indirect_dma semaphore(%run_scoped3A : memref<!tpu.dma_semaphore, #tpu.memory_space<semaphore_mem>>) src(%arg9 : memref<128x128xf32, #tpu.memory_space<vmem>>) dst(%dma_wait3A_56 : memref<10240x128xf32, #tpu.memory_space<vmem_shared>>)
        tpu.yield
      }) : () -> ()
    }
    %scan3A_24 = arith.constant 79 : i32
    %barrier3A_25 = arith.constant 0 : index
    tpu.barrier barrier_id(%barrier3A_25)
    %mul3A_26 = arith.constant 640 : i32
    %mul3A_27 = arith.muli %arg1, %mul3A_26 : i32
    %add3A_28 = arith.constant 0 : i32
    %add3A_29 = arith.addi %mul3A_27, %add3A_28 : i32
    "tpu.region"() ({
      %run_scoped3A = tpu.sem_alloc : memref<!tpu.dma_semaphore, #tpu.memory_space<semaphore_mem>>
      %dma_start3A = arith.constant 0 : i32
      %dma_start3A_46 = arith.constant 0 : i32
      %dma_start3A_47 = tpu.memref_slice %arg6[%arg0, %dma_start3A, %dma_start3A_46] : memref<2x10240x128xf32, #tpu.memory_space<hbm>> -> memref<1x10240x128xf32, #tpu.memory_space<hbm>>
      %dma_start3A_48 = tpu.memref_squeeze %dma_start3A_47 : memref<1x10240x128xf32, #tpu.memory_space<hbm>> -> memref<10240x128xf32, #tpu.memory_space<hbm>>
      %dma_start3A_49 = arith.constant 0 : i32
      %dma_start3A_50 = tpu.memref_slice %dma_start3A_48[%add3A_29, %dma_start3A_49] : memref<10240x128xf32, #tpu.memory_space<hbm>> -> memref<128x128xf32, #tpu.memory_space<hbm>>
      %dma_start3A_51 = arith.constant 0 : i32
      %dma_start3A_52 = tpu.memref_slice %arg11[%add3A_29, %dma_start3A_51] : memref<10240x128xf32, #tpu.memory_space<vmem_shared>> -> memref<128x128xf32, #tpu.memory_space<vmem_shared>>
      tpu.enqueue_dma source(%dma_start3A_52 : memref<128x128xf32, #tpu.memory_space<vmem_shared>>) target(%dma_start3A_50 : memref<128x128xf32, #tpu.memory_space<hbm>>) target_semaphore(%run_scoped3A : memref<!tpu.dma_semaphore, #tpu.memory_space<semaphore_mem>>)
      %dma_wait3A = arith.constant 0 : i32
      %dma_wait3A_53 = arith.constant 0 : i32
      %dma_wait3A_54 = tpu.memref_slice %arg6[%arg0, %dma_wait3A, %dma_wait3A_53] : memref<2x10240x128xf32, #tpu.memory_space<hbm>> -> memref<1x10240x128xf32, #tpu.memory_space<hbm>>
      %dma_wait3A_55 = tpu.memref_squeeze %dma_wait3A_54 : memref<1x10240x128xf32, #tpu.memory_space<hbm>> -> memref<10240x128xf32, #tpu.memory_space<hbm>>
      %dma_wait3A_56 = arith.constant 0 : i32
      %dma_wait3A_57 = tpu.memref_slice %dma_wait3A_55[%add3A_29, %dma_wait3A_56] : memref<10240x128xf32, #tpu.memory_space<hbm>> -> memref<128x128xf32, #tpu.memory_space<hbm>>
      %dma_wait3A_58 = arith.constant 0 : i32
      %dma_wait3A_59 = tpu.memref_slice %arg11[%add3A_29, %dma_wait3A_58] : memref<10240x128xf32, #tpu.memory_space<vmem_shared>> -> memref<128x128xf32, #tpu.memory_space<vmem_shared>>
      tpu.wait_dma2 semaphore(%run_scoped3A : memref<!tpu.dma_semaphore, #tpu.memory_space<semaphore_mem>>) src(%dma_wait3A_59 : memref<128x128xf32, #tpu.memory_space<vmem_shared>>) dst(%dma_wait3A_57 : memref<128x128xf32, #tpu.memory_space<hbm>>)
      tpu.yield
    }) : () -> ()
    %mul3A_30 = arith.constant 640 : i32
    %mul3A_31 = arith.muli %arg1, %mul3A_30 : i32
    %add3A_32 = arith.constant 128 : i32
    %add3A_33 = arith.addi %mul3A_31, %add3A_32 : i32
    "tpu.region"() ({
      %run_scoped3A = tpu.sem_alloc : memref<!tpu.dma_semaphore, #tpu.memory_space<semaphore_mem>>
      %dma_start3A = arith.constant 0 : i32
      %dma_start3A_46 = arith.constant 0 : i32
      %dma_start3A_47 = tpu.memref_slice %arg6[%arg0, %dma_start3A, %dma_start3A_46] : memref<2x10240x128xf32, #tpu.memory_space<hbm>> -> memref<1x10240x128xf32, #tpu.memory_space<hbm>>
      %dma_start3A_48 = tpu.memref_squeeze %dma_start3A_47 : memref<1x10240x128xf32, #tpu.memory_space<hbm>> -> memref<10240x128xf32, #tpu.memory_space<hbm>>
      %dma_start3A_49 = arith.constant 0 : i32
      %dma_start3A_50 = tpu.memref_slice %dma_start3A_48[%add3A_33, %dma_start3A_49] : memref<10240x128xf32, #tpu.memory_space<hbm>> -> memref<128x128xf32, #tpu.memory_space<hbm>>
      %dma_start3A_51 = arith.constant 0 : i32
      %dma_start3A_52 = tpu.memref_slice %arg11[%add3A_33, %dma_start3A_51] : memref<10240x128xf32, #tpu.memory_space<vmem_shared>> -> memref<128x128xf32, #tpu.memory_space<vmem_shared>>
      tpu.enqueue_dma source(%dma_start3A_52 : memref<128x128xf32, #tpu.memory_space<vmem_shared>>) target(%dma_start3A_50 : memref<128x128xf32, #tpu.memory_space<hbm>>) target_semaphore(%run_scoped3A : memref<!tpu.dma_semaphore, #tpu.memory_space<semaphore_mem>>)
      %dma_wait3A = arith.constant 0 : i32
      %dma_wait3A_53 = arith.constant 0 : i32
      %dma_wait3A_54 = tpu.memref_slice %arg6[%arg0, %dma_wait3A, %dma_wait3A_53] : memref<2x10240x128xf32, #tpu.memory_space<hbm>> -> memref<1x10240x128xf32, #tpu.memory_space<hbm>>
      %dma_wait3A_55 = tpu.memref_squeeze %dma_wait3A_54 : memref<1x10240x128xf32, #tpu.memory_space<hbm>> -> memref<10240x128xf32, #tpu.memory_space<hbm>>
      %dma_wait3A_56 = arith.constant 0 : i32
      %dma_wait3A_57 = tpu.memref_slice %dma_wait3A_55[%add3A_33, %dma_wait3A_56] : memref<10240x128xf32, #tpu.memory_space<hbm>> -> memref<128x128xf32, #tpu.memory_space<hbm>>
      %dma_wait3A_58 = arith.constant 0 : i32
      %dma_wait3A_59 = tpu.memref_slice %arg11[%add3A_33, %dma_wait3A_58] : memref<10240x128xf32, #tpu.memory_space<vmem_shared>> -> memref<128x128xf32, #tpu.memory_space<vmem_shared>>
      tpu.wait_dma2 semaphore(%run_scoped3A : memref<!tpu.dma_semaphore, #tpu.memory_space<semaphore_mem>>) src(%dma_wait3A_59 : memref<128x128xf32, #tpu.memory_space<vmem_shared>>) dst(%dma_wait3A_57 : memref<128x128xf32, #tpu.memory_space<hbm>>)
      tpu.yield
    }) : () -> ()
    %mul3A_34 = arith.constant 640 : i32
    %mul3A_35 = arith.muli %arg1, %mul3A_34 : i32
    %add3A_36 = arith.constant 256 : i32
    %add3A_37 = arith.addi %mul3A_35, %add3A_36 : i32
    "tpu.region"() ({
      %run_scoped3A = tpu.sem_alloc : memref<!tpu.dma_semaphore, #tpu.memory_space<semaphore_mem>>
      %dma_start3A = arith.constant 0 : i32
      %dma_start3A_46 = arith.constant 0 : i32
      %dma_start3A_47 = tpu.memref_slice %arg6[%arg0, %dma_start3A, %dma_start3A_46] : memref<2x10240x128xf32, #tpu.memory_space<hbm>> -> memref<1x10240x128xf32, #tpu.memory_space<hbm>>
      %dma_start3A_48 = tpu.memref_squeeze %dma_start3A_47 : memref<1x10240x128xf32, #tpu.memory_space<hbm>> -> memref<10240x128xf32, #tpu.memory_space<hbm>>
      %dma_start3A_49 = arith.constant 0 : i32
      %dma_start3A_50 = tpu.memref_slice %dma_start3A_48[%add3A_37, %dma_start3A_49] : memref<10240x128xf32, #tpu.memory_space<hbm>> -> memref<128x128xf32, #tpu.memory_space<hbm>>
      %dma_start3A_51 = arith.constant 0 : i32
      %dma_start3A_52 = tpu.memref_slice %arg11[%add3A_37, %dma_start3A_51] : memref<10240x128xf32, #tpu.memory_space<vmem_shared>> -> memref<128x128xf32, #tpu.memory_space<vmem_shared>>
      tpu.enqueue_dma source(%dma_start3A_52 : memref<128x128xf32, #tpu.memory_space<vmem_shared>>) target(%dma_start3A_50 : memref<128x128xf32, #tpu.memory_space<hbm>>) target_semaphore(%run_scoped3A : memref<!tpu.dma_semaphore, #tpu.memory_space<semaphore_mem>>)
      %dma_wait3A = arith.constant 0 : i32
      %dma_wait3A_53 = arith.constant 0 : i32
      %dma_wait3A_54 = tpu.memref_slice %arg6[%arg0, %dma_wait3A, %dma_wait3A_53] : memref<2x10240x128xf32, #tpu.memory_space<hbm>> -> memref<1x10240x128xf32, #tpu.memory_space<hbm>>
      %dma_wait3A_55 = tpu.memref_squeeze %dma_wait3A_54 : memref<1x10240x128xf32, #tpu.memory_space<hbm>> -> memref<10240x128xf32, #tpu.memory_space<hbm>>
      %dma_wait3A_56 = arith.constant 0 : i32
      %dma_wait3A_57 = tpu.memref_slice %dma_wait3A_55[%add3A_37, %dma_wait3A_56] : memref<10240x128xf32, #tpu.memory_space<hbm>> -> memref<128x128xf32, #tpu.memory_space<hbm>>
      %dma_wait3A_58 = arith.constant 0 : i32
      %dma_wait3A_59 = tpu.memref_slice %arg11[%add3A_37, %dma_wait3A_58] : memref<10240x128xf32, #tpu.memory_space<vmem_shared>> -> memref<128x128xf32, #tpu.memory_space<vmem_shared>>
      tpu.wait_dma2 semaphore(%run_scoped3A : memref<!tpu.dma_semaphore, #tpu.memory_space<semaphore_mem>>) src(%dma_wait3A_59 : memref<128x128xf32, #tpu.memory_space<vmem_shared>>) dst(%dma_wait3A_57 : memref<128x128xf32, #tpu.memory_space<hbm>>)
      tpu.yield
    }) : () -> ()
    %mul3A_38 = arith.constant 640 : i32
    %mul3A_39 = arith.muli %arg1, %mul3A_38 : i32
    %add3A_40 = arith.constant 384 : i32
    %add3A_41 = arith.addi %mul3A_39, %add3A_40 : i32
    "tpu.region"() ({
      %run_scoped3A = tpu.sem_alloc : memref<!tpu.dma_semaphore, #tpu.memory_space<semaphore_mem>>
      %dma_start3A = arith.constant 0 : i32
      %dma_start3A_46 = arith.constant 0 : i32
      %dma_start3A_47 = tpu.memref_slice %arg6[%arg0, %dma_start3A, %dma_start3A_46] : memref<2x10240x128xf32, #tpu.memory_space<hbm>> -> memref<1x10240x128xf32, #tpu.memory_space<hbm>>
      %dma_start3A_48 = tpu.memref_squeeze %dma_start3A_47 : memref<1x10240x128xf32, #tpu.memory_space<hbm>> -> memref<10240x128xf32, #tpu.memory_space<hbm>>
      %dma_start3A_49 = arith.constant 0 : i32
      %dma_start3A_50 = tpu.memref_slice %dma_start3A_48[%add3A_41, %dma_start3A_49] : memref<10240x128xf32, #tpu.memory_space<hbm>> -> memref<128x128xf32, #tpu.memory_space<hbm>>
      %dma_start3A_51 = arith.constant 0 : i32
      %dma_start3A_52 = tpu.memref_slice %arg11[%add3A_41, %dma_start3A_51] : memref<10240x128xf32, #tpu.memory_space<vmem_shared>> -> memref<128x128xf32, #tpu.memory_space<vmem_shared>>
      tpu.enqueue_dma source(%dma_start3A_52 : memref<128x128xf32, #tpu.memory_space<vmem_shared>>) target(%dma_start3A_50 : memref<128x128xf32, #tpu.memory_space<hbm>>) target_semaphore(%run_scoped3A : memref<!tpu.dma_semaphore, #tpu.memory_space<semaphore_mem>>)
      %dma_wait3A = arith.constant 0 : i32
      %dma_wait3A_53 = arith.constant 0 : i32
      %dma_wait3A_54 = tpu.memref_slice %arg6[%arg0, %dma_wait3A, %dma_wait3A_53] : memref<2x10240x128xf32, #tpu.memory_space<hbm>> -> memref<1x10240x128xf32, #tpu.memory_space<hbm>>
      %dma_wait3A_55 = tpu.memref_squeeze %dma_wait3A_54 : memref<1x10240x128xf32, #tpu.memory_space<hbm>> -> memref<10240x128xf32, #tpu.memory_space<hbm>>
      %dma_wait3A_56 = arith.constant 0 : i32
      %dma_wait3A_57 = tpu.memref_slice %dma_wait3A_55[%add3A_41, %dma_wait3A_56] : memref<10240x128xf32, #tpu.memory_space<hbm>> -> memref<128x128xf32, #tpu.memory_space<hbm>>
      %dma_wait3A_58 = arith.constant 0 : i32
      %dma_wait3A_59 = tpu.memref_slice %arg11[%add3A_41, %dma_wait3A_58] : memref<10240x128xf32, #tpu.memory_space<vmem_shared>> -> memref<128x128xf32, #tpu.memory_space<vmem_shared>>
      tpu.wait_dma2 semaphore(%run_scoped3A : memref<!tpu.dma_semaphore, #tpu.memory_space<semaphore_mem>>) src(%dma_wait3A_59 : memref<128x128xf32, #tpu.memory_space<vmem_shared>>) dst(%dma_wait3A_57 : memref<128x128xf32, #tpu.memory_space<hbm>>)
      tpu.yield
    }) : () -> ()
    %mul3A_42 = arith.constant 640 : i32
    %mul3A_43 = arith.muli %arg1, %mul3A_42 : i32
    %add3A_44 = arith.constant 512 : i32
    %add3A_45 = arith.addi %mul3A_43, %add3A_44 : i32
    "tpu.region"() ({
      %run_scoped3A = tpu.sem_alloc : memref<!tpu.dma_semaphore, #tpu.memory_space<semaphore_mem>>
      %dma_start3A = arith.constant 0 : i32
      %dma_start3A_46 = arith.constant 0 : i32
      %dma_start3A_47 = tpu.memref_slice %arg6[%arg0, %dma_start3A, %dma_start3A_46] : memref<2x10240x128xf32, #tpu.memory_space<hbm>> -> memref<1x10240x128xf32, #tpu.memory_space<hbm>>
      %dma_start3A_48 = tpu.memref_squeeze %dma_start3A_47 : memref<1x10240x128xf32, #tpu.memory_space<hbm>> -> memref<10240x128xf32, #tpu.memory_space<hbm>>
      %dma_start3A_49 = arith.constant 0 : i32
      %dma_start3A_50 = tpu.memref_slice %dma_start3A_48[%add3A_45, %dma_start3A_49] : memref<10240x128xf32, #tpu.memory_space<hbm>> -> memref<128x128xf32, #tpu.memory_space<hbm>>
      %dma_start3A_51 = arith.constant 0 : i32
      %dma_start3A_52 = tpu.memref_slice %arg11[%add3A_45, %dma_start3A_51] : memref<10240x128xf32, #tpu.memory_space<vmem_shared>> -> memref<128x128xf32, #tpu.memory_space<vmem_shared>>
      tpu.enqueue_dma source(%dma_start3A_52 : memref<128x128xf32, #tpu.memory_space<vmem_shared>>) target(%dma_start3A_50 : memref<128x128xf32, #tpu.memory_space<hbm>>) target_semaphore(%run_scoped3A : memref<!tpu.dma_semaphore, #tpu.memory_space<semaphore_mem>>)
      %dma_wait3A = arith.constant 0 : i32
      %dma_wait3A_53 = arith.constant 0 : i32
      %dma_wait3A_54 = tpu.memref_slice %arg6[%arg0, %dma_wait3A, %dma_wait3A_53] : memref<2x10240x128xf32, #tpu.memory_space<hbm>> -> memref<1x10240x128xf32, #tpu.memory_space<hbm>>
      %dma_wait3A_55 = tpu.memref_squeeze %dma_wait3A_54 : memref<1x10240x128xf32, #tpu.memory_space<hbm>> -> memref<10240x128xf32, #tpu.memory_space<hbm>>
      %dma_wait3A_56 = arith.constant 0 : i32
      %dma_wait3A_57 = tpu.memref_slice %dma_wait3A_55[%add3A_45, %dma_wait3A_56] : memref<10240x128xf32, #tpu.memory_space<hbm>> -> memref<128x128xf32, #tpu.memory_space<hbm>>
      %dma_wait3A_58 = arith.constant 0 : i32
      %dma_wait3A_59 = tpu.memref_slice %arg11[%add3A_45, %dma_wait3A_58] : memref<10240x128xf32, #tpu.memory_space<vmem_shared>> -> memref<128x128xf32, #tpu.memory_space<vmem_shared>>
      tpu.wait_dma2 semaphore(%run_scoped3A : memref<!tpu.dma_semaphore, #tpu.memory_space<semaphore_mem>>) src(%dma_wait3A_59 : memref<128x128xf32, #tpu.memory_space<vmem_shared>>) dst(%dma_wait3A_57 : memref<128x128xf32, #tpu.memory_space<hbm>>)
      tpu.yield
    }) : () -> ()
    return
  }
}

#map = affine_map<(d0, d1) -> (0, 0)>
#map1 = affine_map<(d0, d1) -> (0, 0, 0)>
module attributes {stable_mosaic.version = 14 : i64} {
  func.func @_sc_segment_sum_body(%arg0: i32, %arg1: i32, %arg2: memref<10000x128xf32, #tpu.memory_space<hbm>>, %arg3: memref<32x79x128xi32, #tpu.memory_space<hbm>>, %arg4: memref<32x79x128xi32, #tpu.memory_space<hbm>>, %arg5: memref<128x128xf32, #tpu.memory_space<hbm>>, %arg6: memref<2x10240x128xf32, #tpu.memory_space<hbm>>, %arg7: memref<128xi32, #tpu.memory_space<vmem>>, %arg8: memref<128xi32, #tpu.memory_space<vmem>>, %arg9: memref<128x128xf32, #tpu.memory_space<vmem>>, %arg10: memref<128x128xf32, #tpu.memory_space<vmem>>, %arg11: memref<10240x128xf32, #tpu.memory_space<vmem_shared>>, %arg12: memref<!tpu.dma_semaphore, #tpu.memory_space<semaphore_mem>>) attributes {dimension_semantics = [#tpu.dimension_semantics<core_parallel>, #tpu.dimension_semantics<subcore_parallel>], iteration_bounds = array<i64: 2, 16>, scalar_prefetch = 0 : i64, scratch_operands = 6 : i64, tpu.core_type = #tpu.core_type<sc_vector_subcore>, window_params = [{transform_indices = #map}, {transform_indices = #map1}, {transform_indices = #map1}, {transform_indices = #map}, {transform_indices = #map1}]} {
    %mul3A = arith.constant 16 : i32
    %mul3A_0 = arith.muli %arg0, %mul3A : i32
    %add3A = arith.addi %mul3A_0, %arg1 : i32
    "tpu.region"() ({
      %run_scoped3A = tpu.sem_alloc : memref<!tpu.dma_semaphore, #tpu.memory_space<semaphore_mem>>
      tpu.enqueue_dma source(%arg5 : memref<128x128xf32, #tpu.memory_space<hbm>>) target(%arg10 : memref<128x128xf32, #tpu.memory_space<vmem>>) target_semaphore(%run_scoped3A : memref<!tpu.dma_semaphore, #tpu.memory_space<semaphore_mem>>)
      tpu.wait_dma2 semaphore(%run_scoped3A : memref<!tpu.dma_semaphore, #tpu.memory_space<semaphore_mem>>) src(%arg5 : memref<128x128xf32, #tpu.memory_space<hbm>>) dst(%arg10 : memref<128x128xf32, #tpu.memory_space<vmem>>)
      tpu.yield
    }) : () -> ()
    %mul3A_1 = arith.constant 640 : i32
    %mul3A_2 = arith.muli %arg1, %mul3A_1 : i32
    %add3A_3 = arith.constant 0 : i32
    %add3A_4 = arith.addi %mul3A_2, %add3A_3 : i32
    "tpu.region"() ({
      %run_scoped3A = tpu.sem_alloc : memref<!tpu.dma_semaphore, #tpu.memory_space<semaphore_mem>>
      %dma_start3A = arith.constant 0 : i32
      %dma_start3A_46 = tpu.memref_slice %arg11[%add3A_4, %dma_start3A] : memref<10240x128xf32, #tpu.memory_space<vmem_shared>> -> memref<128x128xf32, #tpu.memory_space<vmem_shared>>
      %dma_start3A_47 = arith.constant 0 : i32
      %dma_start3A_48 = tpu.memref_slice %arg11[%add3A_4, %dma_start3A_47] : memref<10240x128xf32, #tpu.memory_space<vmem_shared>> -> memref<128x128xf32, #tpu.memory_space<vmem_shared>>
      tpu.enqueue_dma source(%arg10 : memref<128x128xf32, #tpu.memory_space<vmem>>) target(%dma_start3A_48 : memref<128x128xf32, #tpu.memory_space<vmem_shared>>) target_semaphore(%run_scoped3A : memref<!tpu.dma_semaphore, #tpu.memory_space<semaphore_mem>>)
      %dma_wait3A = arith.constant 0 : i32
      %dma_wait3A_49 = tpu.memref_slice %arg11[%add3A_4, %dma_wait3A] : memref<10240x128xf32, #tpu.memory_space<vmem_shared>> -> memref<128x128xf32, #tpu.memory_space<vmem_shared>>
      %dma_wait3A_50 = arith.constant 0 : i32
      %dma_wait3A_51 = tpu.memref_slice %arg11[%add3A_4, %dma_wait3A_50] : memref<10240x128xf32, #tpu.memory_space<vmem_shared>> -> memref<128x128xf32, #tpu.memory_space<vmem_shared>>
      tpu.wait_dma2 semaphore(%run_scoped3A : memref<!tpu.dma_semaphore, #tpu.memory_space<semaphore_mem>>) src(%arg10 : memref<128x128xf32, #tpu.memory_space<vmem>>) dst(%dma_wait3A_51 : memref<128x128xf32, #tpu.memory_space<vmem_shared>>)
      tpu.yield
    }) : () -> ()
    %mul3A_5 = arith.constant 640 : i32
    %mul3A_6 = arith.muli %arg1, %mul3A_5 : i32
    %add3A_7 = arith.constant 128 : i32
    %add3A_8 = arith.addi %mul3A_6, %add3A_7 : i32
    "tpu.region"() ({
      %run_scoped3A = tpu.sem_alloc : memref<!tpu.dma_semaphore, #tpu.memory_space<semaphore_mem>>
      %dma_start3A = arith.constant 0 : i32
      %dma_start3A_46 = tpu.memref_slice %arg11[%add3A_8, %dma_start3A] : memref<10240x128xf32, #tpu.memory_space<vmem_shared>> -> memref<128x128xf32, #tpu.memory_space<vmem_shared>>
      %dma_start3A_47 = arith.constant 0 : i32
      %dma_start3A_48 = tpu.memref_slice %arg11[%add3A_8, %dma_start3A_47] : memref<10240x128xf32, #tpu.memory_space<vmem_shared>> -> memref<128x128xf32, #tpu.memory_space<vmem_shared>>
      tpu.enqueue_dma source(%arg10 : memref<128x128xf32, #tpu.memory_space<vmem>>) target(%dma_start3A_48 : memref<128x128xf32, #tpu.memory_space<vmem_shared>>) target_semaphore(%run_scoped3A : memref<!tpu.dma_semaphore, #tpu.memory_space<semaphore_mem>>)
      %dma_wait3A = arith.constant 0 : i32
      %dma_wait3A_49 = tpu.memref_slice %arg11[%add3A_8, %dma_wait3A] : memref<10240x128xf32, #tpu.memory_space<vmem_shared>> -> memref<128x128xf32, #tpu.memory_space<vmem_shared>>
      %dma_wait3A_50 = arith.constant 0 : i32
      %dma_wait3A_51 = tpu.memref_slice %arg11[%add3A_8, %dma_wait3A_50] : memref<10240x128xf32, #tpu.memory_space<vmem_shared>> -> memref<128x128xf32, #tpu.memory_space<vmem_shared>>
      tpu.wait_dma2 semaphore(%run_scoped3A : memref<!tpu.dma_semaphore, #tpu.memory_space<semaphore_mem>>) src(%arg10 : memref<128x128xf32, #tpu.memory_space<vmem>>) dst(%dma_wait3A_51 : memref<128x128xf32, #tpu.memory_space<vmem_shared>>)
      tpu.yield
    }) : () -> ()
    %mul3A_9 = arith.constant 640 : i32
    %mul3A_10 = arith.muli %arg1, %mul3A_9 : i32
    %add3A_11 = arith.constant 256 : i32
    %add3A_12 = arith.addi %mul3A_10, %add3A_11 : i32
    "tpu.region"() ({
      %run_scoped3A = tpu.sem_alloc : memref<!tpu.dma_semaphore, #tpu.memory_space<semaphore_mem>>
      %dma_start3A = arith.constant 0 : i32
      %dma_start3A_46 = tpu.memref_slice %arg11[%add3A_12, %dma_start3A] : memref<10240x128xf32, #tpu.memory_space<vmem_shared>> -> memref<128x128xf32, #tpu.memory_space<vmem_shared>>
      %dma_start3A_47 = arith.constant 0 : i32
      %dma_start3A_48 = tpu.memref_slice %arg11[%add3A_12, %dma_start3A_47] : memref<10240x128xf32, #tpu.memory_space<vmem_shared>> -> memref<128x128xf32, #tpu.memory_space<vmem_shared>>
      tpu.enqueue_dma source(%arg10 : memref<128x128xf32, #tpu.memory_space<vmem>>) target(%dma_start3A_48 : memref<128x128xf32, #tpu.memory_space<vmem_shared>>) target_semaphore(%run_scoped3A : memref<!tpu.dma_semaphore, #tpu.memory_space<semaphore_mem>>)
      %dma_wait3A = arith.constant 0 : i32
      %dma_wait3A_49 = tpu.memref_slice %arg11[%add3A_12, %dma_wait3A] : memref<10240x128xf32, #tpu.memory_space<vmem_shared>> -> memref<128x128xf32, #tpu.memory_space<vmem_shared>>
      %dma_wait3A_50 = arith.constant 0 : i32
      %dma_wait3A_51 = tpu.memref_slice %arg11[%add3A_12, %dma_wait3A_50] : memref<10240x128xf32, #tpu.memory_space<vmem_shared>> -> memref<128x128xf32, #tpu.memory_space<vmem_shared>>
      tpu.wait_dma2 semaphore(%run_scoped3A : memref<!tpu.dma_semaphore, #tpu.memory_space<semaphore_mem>>) src(%arg10 : memref<128x128xf32, #tpu.memory_space<vmem>>) dst(%dma_wait3A_51 : memref<128x128xf32, #tpu.memory_space<vmem_shared>>)
      tpu.yield
    }) : () -> ()
    %mul3A_13 = arith.constant 640 : i32
    %mul3A_14 = arith.muli %arg1, %mul3A_13 : i32
    %add3A_15 = arith.constant 384 : i32
    %add3A_16 = arith.addi %mul3A_14, %add3A_15 : i32
    "tpu.region"() ({
      %run_scoped3A = tpu.sem_alloc : memref<!tpu.dma_semaphore, #tpu.memory_space<semaphore_mem>>
      %dma_start3A = arith.constant 0 : i32
      %dma_start3A_46 = tpu.memref_slice %arg11[%add3A_16, %dma_start3A] : memref<10240x128xf32, #tpu.memory_space<vmem_shared>> -> memref<128x128xf32, #tpu.memory_space<vmem_shared>>
      %dma_start3A_47 = arith.constant 0 : i32
      %dma_start3A_48 = tpu.memref_slice %arg11[%add3A_16, %dma_start3A_47] : memref<10240x128xf32, #tpu.memory_space<vmem_shared>> -> memref<128x128xf32, #tpu.memory_space<vmem_shared>>
      tpu.enqueue_dma source(%arg10 : memref<128x128xf32, #tpu.memory_space<vmem>>) target(%dma_start3A_48 : memref<128x128xf32, #tpu.memory_space<vmem_shared>>) target_semaphore(%run_scoped3A : memref<!tpu.dma_semaphore, #tpu.memory_space<semaphore_mem>>)
      %dma_wait3A = arith.constant 0 : i32
      %dma_wait3A_49 = tpu.memref_slice %arg11[%add3A_16, %dma_wait3A] : memref<10240x128xf32, #tpu.memory_space<vmem_shared>> -> memref<128x128xf32, #tpu.memory_space<vmem_shared>>
      %dma_wait3A_50 = arith.constant 0 : i32
      %dma_wait3A_51 = tpu.memref_slice %arg11[%add3A_16, %dma_wait3A_50] : memref<10240x128xf32, #tpu.memory_space<vmem_shared>> -> memref<128x128xf32, #tpu.memory_space<vmem_shared>>
      tpu.wait_dma2 semaphore(%run_scoped3A : memref<!tpu.dma_semaphore, #tpu.memory_space<semaphore_mem>>) src(%arg10 : memref<128x128xf32, #tpu.memory_space<vmem>>) dst(%dma_wait3A_51 : memref<128x128xf32, #tpu.memory_space<vmem_shared>>)
      tpu.yield
    }) : () -> ()
    %mul3A_17 = arith.constant 640 : i32
    %mul3A_18 = arith.muli %arg1, %mul3A_17 : i32
    %add3A_19 = arith.constant 512 : i32
    %add3A_20 = arith.addi %mul3A_18, %add3A_19 : i32
    "tpu.region"() ({
      %run_scoped3A = tpu.sem_alloc : memref<!tpu.dma_semaphore, #tpu.memory_space<semaphore_mem>>
      %dma_start3A = arith.constant 0 : i32
      %dma_start3A_46 = tpu.memref_slice %arg11[%add3A_20, %dma_start3A] : memref<10240x128xf32, #tpu.memory_space<vmem_shared>> -> memref<128x128xf32, #tpu.memory_space<vmem_shared>>
      %dma_start3A_47 = arith.constant 0 : i32
      %dma_start3A_48 = tpu.memref_slice %arg11[%add3A_20, %dma_start3A_47] : memref<10240x128xf32, #tpu.memory_space<vmem_shared>> -> memref<128x128xf32, #tpu.memory_space<vmem_shared>>
      tpu.enqueue_dma source(%arg10 : memref<128x128xf32, #tpu.memory_space<vmem>>) target(%dma_start3A_48 : memref<128x128xf32, #tpu.memory_space<vmem_shared>>) target_semaphore(%run_scoped3A : memref<!tpu.dma_semaphore, #tpu.memory_space<semaphore_mem>>)
      %dma_wait3A = arith.constant 0 : i32
      %dma_wait3A_49 = tpu.memref_slice %arg11[%add3A_20, %dma_wait3A] : memref<10240x128xf32, #tpu.memory_space<vmem_shared>> -> memref<128x128xf32, #tpu.memory_space<vmem_shared>>
      %dma_wait3A_50 = arith.constant 0 : i32
      %dma_wait3A_51 = tpu.memref_slice %arg11[%add3A_20, %dma_wait3A_50] : memref<10240x128xf32, #tpu.memory_space<vmem_shared>> -> memref<128x128xf32, #tpu.memory_space<vmem_shared>>
      tpu.wait_dma2 semaphore(%run_scoped3A : memref<!tpu.dma_semaphore, #tpu.memory_space<semaphore_mem>>) src(%arg10 : memref<128x128xf32, #tpu.memory_space<vmem>>) dst(%dma_wait3A_51 : memref<128x128xf32, #tpu.memory_space<vmem_shared>>)
      tpu.yield
    }) : () -> ()
    %barrier3A = arith.constant 0 : index
    tpu.barrier barrier_id(%barrier3A)
    %scan3A = arith.constant 0 : i32
    %scan3A_21 = arith.constant 79 : i32
    %scan3A_22 = arith.addi %scan3A, %scan3A_21 : i32
    %scan3A_23 = arith.constant 1 : i32
    scf.for %scan3A_46 = %scan3A to %scan3A_22 step %scan3A_23  : i32 {
      "tpu.region"() ({
        %run_scoped3A = tpu.sem_alloc : memref<!tpu.dma_semaphore, #tpu.memory_space<semaphore_mem>>
        %dma_start3A_51 = arith.constant 0 : i32
        %dma_start3A_52 = tpu.memref_slice %arg3[%add3A, %scan3A_46, %dma_start3A_51] : memref<32x79x128xi32, #tpu.memory_space<hbm>> -> memref<1x1x128xi32, #tpu.memory_space<hbm>>
        %dma_start3A_53 = tpu.memref_squeeze %dma_start3A_52 : memref<1x1x128xi32, #tpu.memory_space<hbm>> -> memref<128xi32, #tpu.memory_space<hbm>>
        %dma_start3A_54 = arith.constant 0 : i32
        %dma_start3A_55 = tpu.memref_slice %arg3[%add3A, %scan3A_46, %dma_start3A_54] : memref<32x79x128xi32, #tpu.memory_space<hbm>> -> memref<1x1x128xi32, #tpu.memory_space<hbm>>
        %dma_start3A_56 = tpu.memref_squeeze %dma_start3A_55 : memref<1x1x128xi32, #tpu.memory_space<hbm>> -> memref<128xi32, #tpu.memory_space<hbm>>
        tpu.enqueue_dma source(%dma_start3A_56 : memref<128xi32, #tpu.memory_space<hbm>>) target(%arg7 : memref<128xi32, #tpu.memory_space<vmem>>) target_semaphore(%run_scoped3A : memref<!tpu.dma_semaphore, #tpu.memory_space<semaphore_mem>>)
        %dma_wait3A_57 = arith.constant 0 : i32
        %dma_wait3A_58 = tpu.memref_slice %arg3[%add3A, %scan3A_46, %dma_wait3A_57] : memref<32x79x128xi32, #tpu.memory_space<hbm>> -> memref<1x1x128xi32, #tpu.memory_space<hbm>>
        %dma_wait3A_59 = tpu.memref_squeeze %dma_wait3A_58 : memref<1x1x128xi32, #tpu.memory_space<hbm>> -> memref<128xi32, #tpu.memory_space<hbm>>
        %dma_wait3A_60 = arith.constant 0 : i32
        %dma_wait3A_61 = tpu.memref_slice %arg3[%add3A, %scan3A_46, %dma_wait3A_60] : memref<32x79x128xi32, #tpu.memory_space<hbm>> -> memref<1x1x128xi32, #tpu.memory_space<hbm>>
        %dma_wait3A_62 = tpu.memref_squeeze %dma_wait3A_61 : memref<1x1x128xi32, #tpu.memory_space<hbm>> -> memref<128xi32, #tpu.memory_space<hbm>>
        tpu.wait_dma2 semaphore(%run_scoped3A : memref<!tpu.dma_semaphore, #tpu.memory_space<semaphore_mem>>) src(%dma_wait3A_62 : memref<128xi32, #tpu.memory_space<hbm>>) dst(%arg7 : memref<128xi32, #tpu.memory_space<vmem>>)
        tpu.yield
      }) : () -> ()
      "tpu.region"() ({
        %run_scoped3A = tpu.sem_alloc : memref<!tpu.dma_semaphore, #tpu.memory_space<semaphore_mem>>
        %dma_start3A_51 = arith.constant 0 : i32
        %dma_start3A_52 = tpu.memref_slice %arg4[%add3A, %scan3A_46, %dma_start3A_51] : memref<32x79x128xi32, #tpu.memory_space<hbm>> -> memref<1x1x128xi32, #tpu.memory_space<hbm>>
        %dma_start3A_53 = tpu.memref_squeeze %dma_start3A_52 : memref<1x1x128xi32, #tpu.memory_space<hbm>> -> memref<128xi32, #tpu.memory_space<hbm>>
        %dma_start3A_54 = arith.constant 0 : i32
        %dma_start3A_55 = tpu.memref_slice %arg4[%add3A, %scan3A_46, %dma_start3A_54] : memref<32x79x128xi32, #tpu.memory_space<hbm>> -> memref<1x1x128xi32, #tpu.memory_space<hbm>>
        %dma_start3A_56 = tpu.memref_squeeze %dma_start3A_55 : memref<1x1x128xi32, #tpu.memory_space<hbm>> -> memref<128xi32, #tpu.memory_space<hbm>>
        tpu.enqueue_dma source(%dma_start3A_56 : memref<128xi32, #tpu.memory_space<hbm>>) target(%arg8 : memref<128xi32, #tpu.memory_space<vmem>>) target_semaphore(%run_scoped3A : memref<!tpu.dma_semaphore, #tpu.memory_space<semaphore_mem>>)
        %dma_wait3A_57 = arith.constant 0 : i32
        %dma_wait3A_58 = tpu.memref_slice %arg4[%add3A, %scan3A_46, %dma_wait3A_57] : memref<32x79x128xi32, #tpu.memory_space<hbm>> -> memref<1x1x128xi32, #tpu.memory_space<hbm>>
        %dma_wait3A_59 = tpu.memref_squeeze %dma_wait3A_58 : memref<1x1x128xi32, #tpu.memory_space<hbm>> -> memref<128xi32, #tpu.memory_space<hbm>>
        %dma_wait3A_60 = arith.constant 0 : i32
        %dma_wait3A_61 = tpu.memref_slice %arg4[%add3A, %scan3A_46, %dma_wait3A_60] : memref<32x79x128xi32, #tpu.memory_space<hbm>> -> memref<1x1x128xi32, #tpu.memory_space<hbm>>
        %dma_wait3A_62 = tpu.memref_squeeze %dma_wait3A_61 : memref<1x1x128xi32, #tpu.memory_space<hbm>> -> memref<128xi32, #tpu.memory_space<hbm>>
        tpu.wait_dma2 semaphore(%run_scoped3A : memref<!tpu.dma_semaphore, #tpu.memory_space<semaphore_mem>>) src(%dma_wait3A_62 : memref<128xi32, #tpu.memory_space<hbm>>) dst(%arg8 : memref<128xi32, #tpu.memory_space<vmem>>)
        tpu.yield
      }) : () -> ()
      %dma_start3A = arith.constant 0 : i32
      %dma_start3A_47 = arith.constant 0 : i32
      %dma_start3A_48 = tpu.memref_slice %arg2[%dma_start3A, %dma_start3A_47] : memref<10000x128xf32, #tpu.memory_space<hbm>> -> memref<10000x128xf32, #tpu.memory_space<hbm>>
      tpu.enqueue_indirect_dma source(%dma_start3A_48 : memref<10000x128xf32, #tpu.memory_space<hbm>>) target(%arg9 : memref<128x128xf32, #tpu.memory_space<vmem>>) offsets(%arg7 : memref<128xi32, #tpu.memory_space<vmem>>) semaphore(%arg12 : memref<!tpu.dma_semaphore, #tpu.memory_space<semaphore_mem>>)
      %dma_wait3A = arith.constant 0 : i32
      %dma_wait3A_49 = arith.constant 0 : i32
      %dma_wait3A_50 = tpu.memref_slice %arg2[%dma_wait3A, %dma_wait3A_49] : memref<10000x128xf32, #tpu.memory_space<hbm>> -> memref<10000x128xf32, #tpu.memory_space<hbm>>
      tpu.wait_indirect_dma semaphore(%arg12 : memref<!tpu.dma_semaphore, #tpu.memory_space<semaphore_mem>>) src(%dma_wait3A_50 : memref<10000x128xf32, #tpu.memory_space<hbm>>) dst(%arg9 : memref<128x128xf32, #tpu.memory_space<vmem>>)
      "tpu.region"() ({
        %run_scoped3A = tpu.sem_alloc : memref<!tpu.dma_semaphore, #tpu.memory_space<semaphore_mem>>
        %dma_start3A_51 = arith.constant 0 : i32
        %dma_start3A_52 = arith.constant 0 : i32
        %dma_start3A_53 = tpu.memref_slice %arg11[%dma_start3A_51, %dma_start3A_52] : memref<10240x128xf32, #tpu.memory_space<vmem_shared>> -> memref<10240x128xf32, #tpu.memory_space<vmem_shared>>
        tpu.enqueue_indirect_dma source(%arg9 : memref<128x128xf32, #tpu.memory_space<vmem>>) target(%dma_start3A_53 : memref<10240x128xf32, #tpu.memory_space<vmem_shared>>) offsets(%arg8 : memref<128xi32, #tpu.memory_space<vmem>>) semaphore(%run_scoped3A : memref<!tpu.dma_semaphore, #tpu.memory_space<semaphore_mem>>) {add = true}
        %dma_wait3A_54 = arith.constant 0 : i32
        %dma_wait3A_55 = arith.constant 0 : i32
        %dma_wait3A_56 = tpu.memref_slice %arg11[%dma_wait3A_54, %dma_wait3A_55] : memref<10240x128xf32, #tpu.memory_space<vmem_shared>> -> memref<10240x128xf32, #tpu.memory_space<vmem_shared>>
        tpu.wait_indirect_dma semaphore(%run_scoped3A : memref<!tpu.dma_semaphore, #tpu.memory_space<semaphore_mem>>) src(%arg9 : memref<128x128xf32, #tpu.memory_space<vmem>>) dst(%dma_wait3A_56 : memref<10240x128xf32, #tpu.memory_space<vmem_shared>>)
        tpu.yield
      }) : () -> ()
    }
    %scan3A_24 = arith.constant 79 : i32
    %barrier3A_25 = arith.constant 0 : index
    tpu.barrier barrier_id(%barrier3A_25)
    %mul3A_26 = arith.constant 640 : i32
    %mul3A_27 = arith.muli %arg1, %mul3A_26 : i32
    %add3A_28 = arith.constant 0 : i32
    %add3A_29 = arith.addi %mul3A_27, %add3A_28 : i32
    "tpu.region"() ({
      %run_scoped3A = tpu.sem_alloc : memref<!tpu.dma_semaphore, #tpu.memory_space<semaphore_mem>>
      %dma_start3A = arith.constant 0 : i32
      %dma_start3A_46 = arith.constant 0 : i32
      %dma_start3A_47 = tpu.memref_slice %arg6[%arg0, %dma_start3A, %dma_start3A_46] : memref<2x10240x128xf32, #tpu.memory_space<hbm>> -> memref<1x10240x128xf32, #tpu.memory_space<hbm>>
      %dma_start3A_48 = tpu.memref_squeeze %dma_start3A_47 : memref<1x10240x128xf32, #tpu.memory_space<hbm>> -> memref<10240x128xf32, #tpu.memory_space<hbm>>
      %dma_start3A_49 = arith.constant 0 : i32
      %dma_start3A_50 = tpu.memref_slice %dma_start3A_48[%add3A_29, %dma_start3A_49] : memref<10240x128xf32, #tpu.memory_space<hbm>> -> memref<128x128xf32, #tpu.memory_space<hbm>>
      %dma_start3A_51 = arith.constant 0 : i32
      %dma_start3A_52 = tpu.memref_slice %arg11[%add3A_29, %dma_start3A_51] : memref<10240x128xf32, #tpu.memory_space<vmem_shared>> -> memref<128x128xf32, #tpu.memory_space<vmem_shared>>
      tpu.enqueue_dma source(%dma_start3A_52 : memref<128x128xf32, #tpu.memory_space<vmem_shared>>) target(%dma_start3A_50 : memref<128x128xf32, #tpu.memory_space<hbm>>) target_semaphore(%run_scoped3A : memref<!tpu.dma_semaphore, #tpu.memory_space<semaphore_mem>>)
      %dma_wait3A = arith.constant 0 : i32
      %dma_wait3A_53 = arith.constant 0 : i32
      %dma_wait3A_54 = tpu.memref_slice %arg6[%arg0, %dma_wait3A, %dma_wait3A_53] : memref<2x10240x128xf32, #tpu.memory_space<hbm>> -> memref<1x10240x128xf32, #tpu.memory_space<hbm>>
      %dma_wait3A_55 = tpu.memref_squeeze %dma_wait3A_54 : memref<1x10240x128xf32, #tpu.memory_space<hbm>> -> memref<10240x128xf32, #tpu.memory_space<hbm>>
      %dma_wait3A_56 = arith.constant 0 : i32
      %dma_wait3A_57 = tpu.memref_slice %dma_wait3A_55[%add3A_29, %dma_wait3A_56] : memref<10240x128xf32, #tpu.memory_space<hbm>> -> memref<128x128xf32, #tpu.memory_space<hbm>>
      %dma_wait3A_58 = arith.constant 0 : i32
      %dma_wait3A_59 = tpu.memref_slice %arg11[%add3A_29, %dma_wait3A_58] : memref<10240x128xf32, #tpu.memory_space<vmem_shared>> -> memref<128x128xf32, #tpu.memory_space<vmem_shared>>
      tpu.wait_dma2 semaphore(%run_scoped3A : memref<!tpu.dma_semaphore, #tpu.memory_space<semaphore_mem>>) src(%dma_wait3A_59 : memref<128x128xf32, #tpu.memory_space<vmem_shared>>) dst(%dma_wait3A_57 : memref<128x128xf32, #tpu.memory_space<hbm>>)
      tpu.yield
    }) : () -> ()
    %mul3A_30 = arith.constant 640 : i32
    %mul3A_31 = arith.muli %arg1, %mul3A_30 : i32
    %add3A_32 = arith.constant 128 : i32
    %add3A_33 = arith.addi %mul3A_31, %add3A_32 : i32
    "tpu.region"() ({
      %run_scoped3A = tpu.sem_alloc : memref<!tpu.dma_semaphore, #tpu.memory_space<semaphore_mem>>
      %dma_start3A = arith.constant 0 : i32
      %dma_start3A_46 = arith.constant 0 : i32
      %dma_start3A_47 = tpu.memref_slice %arg6[%arg0, %dma_start3A, %dma_start3A_46] : memref<2x10240x128xf32, #tpu.memory_space<hbm>> -> memref<1x10240x128xf32, #tpu.memory_space<hbm>>
      %dma_start3A_48 = tpu.memref_squeeze %dma_start3A_47 : memref<1x10240x128xf32, #tpu.memory_space<hbm>> -> memref<10240x128xf32, #tpu.memory_space<hbm>>
      %dma_start3A_49 = arith.constant 0 : i32
      %dma_start3A_50 = tpu.memref_slice %dma_start3A_48[%add3A_33, %dma_start3A_49] : memref<10240x128xf32, #tpu.memory_space<hbm>> -> memref<128x128xf32, #tpu.memory_space<hbm>>
      %dma_start3A_51 = arith.constant 0 : i32
      %dma_start3A_52 = tpu.memref_slice %arg11[%add3A_33, %dma_start3A_51] : memref<10240x128xf32, #tpu.memory_space<vmem_shared>> -> memref<128x128xf32, #tpu.memory_space<vmem_shared>>
      tpu.enqueue_dma source(%dma_start3A_52 : memref<128x128xf32, #tpu.memory_space<vmem_shared>>) target(%dma_start3A_50 : memref<128x128xf32, #tpu.memory_space<hbm>>) target_semaphore(%run_scoped3A : memref<!tpu.dma_semaphore, #tpu.memory_space<semaphore_mem>>)
      %dma_wait3A = arith.constant 0 : i32
      %dma_wait3A_53 = arith.constant 0 : i32
      %dma_wait3A_54 = tpu.memref_slice %arg6[%arg0, %dma_wait3A, %dma_wait3A_53] : memref<2x10240x128xf32, #tpu.memory_space<hbm>> -> memref<1x10240x128xf32, #tpu.memory_space<hbm>>
      %dma_wait3A_55 = tpu.memref_squeeze %dma_wait3A_54 : memref<1x10240x128xf32, #tpu.memory_space<hbm>> -> memref<10240x128xf32, #tpu.memory_space<hbm>>
      %dma_wait3A_56 = arith.constant 0 : i32
      %dma_wait3A_57 = tpu.memref_slice %dma_wait3A_55[%add3A_33, %dma_wait3A_56] : memref<10240x128xf32, #tpu.memory_space<hbm>> -> memref<128x128xf32, #tpu.memory_space<hbm>>
      %dma_wait3A_58 = arith.constant 0 : i32
      %dma_wait3A_59 = tpu.memref_slice %arg11[%add3A_33, %dma_wait3A_58] : memref<10240x128xf32, #tpu.memory_space<vmem_shared>> -> memref<128x128xf32, #tpu.memory_space<vmem_shared>>
      tpu.wait_dma2 semaphore(%run_scoped3A : memref<!tpu.dma_semaphore, #tpu.memory_space<semaphore_mem>>) src(%dma_wait3A_59 : memref<128x128xf32, #tpu.memory_space<vmem_shared>>) dst(%dma_wait3A_57 : memref<128x128xf32, #tpu.memory_space<hbm>>)
      tpu.yield
    }) : () -> ()
    %mul3A_34 = arith.constant 640 : i32
    %mul3A_35 = arith.muli %arg1, %mul3A_34 : i32
    %add3A_36 = arith.constant 256 : i32
    %add3A_37 = arith.addi %mul3A_35, %add3A_36 : i32
    "tpu.region"() ({
      %run_scoped3A = tpu.sem_alloc : memref<!tpu.dma_semaphore, #tpu.memory_space<semaphore_mem>>
      %dma_start3A = arith.constant 0 : i32
      %dma_start3A_46 = arith.constant 0 : i32
      %dma_start3A_47 = tpu.memref_slice %arg6[%arg0, %dma_start3A, %dma_start3A_46] : memref<2x10240x128xf32, #tpu.memory_space<hbm>> -> memref<1x10240x128xf32, #tpu.memory_space<hbm>>
      %dma_start3A_48 = tpu.memref_squeeze %dma_start3A_47 : memref<1x10240x128xf32, #tpu.memory_space<hbm>> -> memref<10240x128xf32, #tpu.memory_space<hbm>>
      %dma_start3A_49 = arith.constant 0 : i32
      %dma_start3A_50 = tpu.memref_slice %dma_start3A_48[%add3A_37, %dma_start3A_49] : memref<10240x128xf32, #tpu.memory_space<hbm>> -> memref<128x128xf32, #tpu.memory_space<hbm>>
      %dma_start3A_51 = arith.constant 0 : i32
      %dma_start3A_52 = tpu.memref_slice %arg11[%add3A_37, %dma_start3A_51] : memref<10240x128xf32, #tpu.memory_space<vmem_shared>> -> memref<128x128xf32, #tpu.memory_space<vmem_shared>>
      tpu.enqueue_dma source(%dma_start3A_52 : memref<128x128xf32, #tpu.memory_space<vmem_shared>>) target(%dma_start3A_50 : memref<128x128xf32, #tpu.memory_space<hbm>>) target_semaphore(%run_scoped3A : memref<!tpu.dma_semaphore, #tpu.memory_space<semaphore_mem>>)
      %dma_wait3A = arith.constant 0 : i32
      %dma_wait3A_53 = arith.constant 0 : i32
      %dma_wait3A_54 = tpu.memref_slice %arg6[%arg0, %dma_wait3A, %dma_wait3A_53] : memref<2x10240x128xf32, #tpu.memory_space<hbm>> -> memref<1x10240x128xf32, #tpu.memory_space<hbm>>
      %dma_wait3A_55 = tpu.memref_squeeze %dma_wait3A_54 : memref<1x10240x128xf32, #tpu.memory_space<hbm>> -> memref<10240x128xf32, #tpu.memory_space<hbm>>
      %dma_wait3A_56 = arith.constant 0 : i32
      %dma_wait3A_57 = tpu.memref_slice %dma_wait3A_55[%add3A_37, %dma_wait3A_56] : memref<10240x128xf32, #tpu.memory_space<hbm>> -> memref<128x128xf32, #tpu.memory_space<hbm>>
      %dma_wait3A_58 = arith.constant 0 : i32
      %dma_wait3A_59 = tpu.memref_slice %arg11[%add3A_37, %dma_wait3A_58] : memref<10240x128xf32, #tpu.memory_space<vmem_shared>> -> memref<128x128xf32, #tpu.memory_space<vmem_shared>>
      tpu.wait_dma2 semaphore(%run_scoped3A : memref<!tpu.dma_semaphore, #tpu.memory_space<semaphore_mem>>) src(%dma_wait3A_59 : memref<128x128xf32, #tpu.memory_space<vmem_shared>>) dst(%dma_wait3A_57 : memref<128x128xf32, #tpu.memory_space<hbm>>)
      tpu.yield
    }) : () -> ()
    %mul3A_38 = arith.constant 640 : i32
    %mul3A_39 = arith.muli %arg1, %mul3A_38 : i32
    %add3A_40 = arith.constant 384 : i32
    %add3A_41 = arith.addi %mul3A_39, %add3A_40 : i32
    "tpu.region"() ({
      %run_scoped3A = tpu.sem_alloc : memref<!tpu.dma_semaphore, #tpu.memory_space<semaphore_mem>>
      %dma_start3A = arith.constant 0 : i32
      %dma_start3A_46 = arith.constant 0 : i32
      %dma_start3A_47 = tpu.memref_slice %arg6[%arg0, %dma_start3A, %dma_start3A_46] : memref<2x10240x128xf32, #tpu.memory_space<hbm>> -> memref<1x10240x128xf32, #tpu.memory_space<hbm>>
      %dma_start3A_48 = tpu.memref_squeeze %dma_start3A_47 : memref<1x10240x128xf32, #tpu.memory_space<hbm>> -> memref<10240x128xf32, #tpu.memory_space<hbm>>
      %dma_start3A_49 = arith.constant 0 : i32
      %dma_start3A_50 = tpu.memref_slice %dma_start3A_48[%add3A_41, %dma_start3A_49] : memref<10240x128xf32, #tpu.memory_space<hbm>> -> memref<128x128xf32, #tpu.memory_space<hbm>>
      %dma_start3A_51 = arith.constant 0 : i32
      %dma_start3A_52 = tpu.memref_slice %arg11[%add3A_41, %dma_start3A_51] : memref<10240x128xf32, #tpu.memory_space<vmem_shared>> -> memref<128x128xf32, #tpu.memory_space<vmem_shared>>
      tpu.enqueue_dma source(%dma_start3A_52 : memref<128x128xf32, #tpu.memory_space<vmem_shared>>) target(%dma_start3A_50 : memref<128x128xf32, #tpu.memory_space<hbm>>) target_semaphore(%run_scoped3A : memref<!tpu.dma_semaphore, #tpu.memory_space<semaphore_mem>>)
      %dma_wait3A = arith.constant 0 : i32
      %dma_wait3A_53 = arith.constant 0 : i32
      %dma_wait3A_54 = tpu.memref_slice %arg6[%arg0, %dma_wait3A, %dma_wait3A_53] : memref<2x10240x128xf32, #tpu.memory_space<hbm>> -> memref<1x10240x128xf32, #tpu.memory_space<hbm>>
      %dma_wait3A_55 = tpu.memref_squeeze %dma_wait3A_54 : memref<1x10240x128xf32, #tpu.memory_space<hbm>> -> memref<10240x128xf32, #tpu.memory_space<hbm>>
      %dma_wait3A_56 = arith.constant 0 : i32
      %dma_wait3A_57 = tpu.memref_slice %dma_wait3A_55[%add3A_41, %dma_wait3A_56] : memref<10240x128xf32, #tpu.memory_space<hbm>> -> memref<128x128xf32, #tpu.memory_space<hbm>>
      %dma_wait3A_58 = arith.constant 0 : i32
      %dma_wait3A_59 = tpu.memref_slice %arg11[%add3A_41, %dma_wait3A_58] : memref<10240x128xf32, #tpu.memory_space<vmem_shared>> -> memref<128x128xf32, #tpu.memory_space<vmem_shared>>
      tpu.wait_dma2 semaphore(%run_scoped3A : memref<!tpu.dma_semaphore, #tpu.memory_space<semaphore_mem>>) src(%dma_wait3A_59 : memref<128x128xf32, #tpu.memory_space<vmem_shared>>) dst(%dma_wait3A_57 : memref<128x128xf32, #tpu.memory_space<hbm>>)
      tpu.yield
    }) : () -> ()
    %mul3A_42 = arith.constant 640 : i32
    %mul3A_43 = arith.muli %arg1, %mul3A_42 : i32
    %add3A_44 = arith.constant 512 : i32
    %add3A_45 = arith.addi %mul3A_43, %add3A_44 : i32
    "tpu.region"() ({
      %run_scoped3A = tpu.sem_alloc : memref<!tpu.dma_semaphore, #tpu.memory_space<semaphore_mem>>
      %dma_start3A = arith.constant 0 : i32
      %dma_start3A_46 = arith.constant 0 : i32
      %dma_start3A_47 = tpu.memref_slice %arg6[%arg0, %dma_start3A, %dma_start3A_46] : memref<2x10240x128xf32, #tpu.memory_space<hbm>> -> memref<1x10240x128xf32, #tpu.memory_space<hbm>>
      %dma_start3A_48 = tpu.memref_squeeze %dma_start3A_47 : memref<1x10240x128xf32, #tpu.memory_space<hbm>> -> memref<10240x128xf32, #tpu.memory_space<hbm>>
      %dma_start3A_49 = arith.constant 0 : i32
      %dma_start3A_50 = tpu.memref_slice %dma_start3A_48[%add3A_45, %dma_start3A_49] : memref<10240x128xf32, #tpu.memory_space<hbm>> -> memref<128x128xf32, #tpu.memory_space<hbm>>
      %dma_start3A_51 = arith.constant 0 : i32
      %dma_start3A_52 = tpu.memref_slice %arg11[%add3A_45, %dma_start3A_51] : memref<10240x128xf32, #tpu.memory_space<vmem_shared>> -> memref<128x128xf32, #tpu.memory_space<vmem_shared>>
      tpu.enqueue_dma source(%dma_start3A_52 : memref<128x128xf32, #tpu.memory_space<vmem_shared>>) target(%dma_start3A_50 : memref<128x128xf32, #tpu.memory_space<hbm>>) target_semaphore(%run_scoped3A : memref<!tpu.dma_semaphore, #tpu.memory_space<semaphore_mem>>)
      %dma_wait3A = arith.constant 0 : i32
      %dma_wait3A_53 = arith.constant 0 : i32
      %dma_wait3A_54 = tpu.memref_slice %arg6[%arg0, %dma_wait3A, %dma_wait3A_53] : memref<2x10240x128xf32, #tpu.memory_space<hbm>> -> memref<1x10240x128xf32, #tpu.memory_space<hbm>>
      %dma_wait3A_55 = tpu.memref_squeeze %dma_wait3A_54 : memref<1x10240x128xf32, #tpu.memory_space<hbm>> -> memref<10240x128xf32, #tpu.memory_space<hbm>>
      %dma_wait3A_56 = arith.constant 0 : i32
      %dma_wait3A_57 = tpu.memref_slice %dma_wait3A_55[%add3A_45, %dma_wait3A_56] : memref<10240x128xf32, #tpu.memory_space<hbm>> -> memref<128x128xf32, #tpu.memory_space<hbm>>
      %dma_wait3A_58 = arith.constant 0 : i32
      %dma_wait3A_59 = tpu.memref_slice %arg11[%add3A_45, %dma_wait3A_58] : memref<10240x128xf32, #tpu.memory_space<vmem_shared>> -> memref<128x128xf32, #tpu.memory_space<vmem_shared>>
      tpu.wait_dma2 semaphore(%run_scoped3A : memref<!tpu.dma_semaphore, #tpu.memory_space<semaphore_mem>>) src(%dma_wait3A_59 : memref<128x128xf32, #tpu.memory_space<vmem_shared>>) dst(%dma_wait3A_57 : memref<128x128xf32, #tpu.memory_space<hbm>>)
      tpu.yield
    }) : () -> ()
    return
  }
}

#map = affine_map<(d0, d1) -> (0, 0)>
#map1 = affine_map<(d0, d1) -> (0, 0, 0)>
module attributes {stable_mosaic.version = 14 : i64} {
  func.func @_sc_segment_sum_body(%arg0: i32, %arg1: i32, %arg2: memref<10000x128xf32, #tpu.memory_space<hbm>>, %arg3: memref<32x79x128xi32, #tpu.memory_space<hbm>>, %arg4: memref<32x79x128xi32, #tpu.memory_space<hbm>>, %arg5: memref<128x128xf32, #tpu.memory_space<hbm>>, %arg6: memref<2x10240x128xf32, #tpu.memory_space<hbm>>, %arg7: memref<128xi32, #tpu.memory_space<vmem>>, %arg8: memref<128xi32, #tpu.memory_space<vmem>>, %arg9: memref<128x128xf32, #tpu.memory_space<vmem>>, %arg10: memref<128x128xf32, #tpu.memory_space<vmem>>, %arg11: memref<10240x128xf32, #tpu.memory_space<vmem_shared>>, %arg12: memref<!tpu.dma_semaphore, #tpu.memory_space<semaphore_mem>>) attributes {dimension_semantics = [#tpu.dimension_semantics<core_parallel>, #tpu.dimension_semantics<subcore_parallel>], iteration_bounds = array<i64: 2, 16>, scalar_prefetch = 0 : i64, scratch_operands = 6 : i64, tpu.core_type = #tpu.core_type<sc_vector_subcore>, window_params = [{transform_indices = #map}, {transform_indices = #map1}, {transform_indices = #map1}, {transform_indices = #map}, {transform_indices = #map1}]} {
    %mul3A = arith.constant 16 : i32
    %mul3A_0 = arith.muli %arg0, %mul3A : i32
    %add3A = arith.addi %mul3A_0, %arg1 : i32
    "tpu.region"() ({
      %run_scoped3A = tpu.sem_alloc : memref<!tpu.dma_semaphore, #tpu.memory_space<semaphore_mem>>
      tpu.enqueue_dma source(%arg5 : memref<128x128xf32, #tpu.memory_space<hbm>>) target(%arg10 : memref<128x128xf32, #tpu.memory_space<vmem>>) target_semaphore(%run_scoped3A : memref<!tpu.dma_semaphore, #tpu.memory_space<semaphore_mem>>)
      tpu.wait_dma2 semaphore(%run_scoped3A : memref<!tpu.dma_semaphore, #tpu.memory_space<semaphore_mem>>) src(%arg5 : memref<128x128xf32, #tpu.memory_space<hbm>>) dst(%arg10 : memref<128x128xf32, #tpu.memory_space<vmem>>)
      tpu.yield
    }) : () -> ()
    %mul3A_1 = arith.constant 640 : i32
    %mul3A_2 = arith.muli %arg1, %mul3A_1 : i32
    %add3A_3 = arith.constant 0 : i32
    %add3A_4 = arith.addi %mul3A_2, %add3A_3 : i32
    "tpu.region"() ({
      %run_scoped3A = tpu.sem_alloc : memref<!tpu.dma_semaphore, #tpu.memory_space<semaphore_mem>>
      %dma_start3A = arith.constant 0 : i32
      %dma_start3A_46 = tpu.memref_slice %arg11[%add3A_4, %dma_start3A] : memref<10240x128xf32, #tpu.memory_space<vmem_shared>> -> memref<128x128xf32, #tpu.memory_space<vmem_shared>>
      %dma_start3A_47 = arith.constant 0 : i32
      %dma_start3A_48 = tpu.memref_slice %arg11[%add3A_4, %dma_start3A_47] : memref<10240x128xf32, #tpu.memory_space<vmem_shared>> -> memref<128x128xf32, #tpu.memory_space<vmem_shared>>
      tpu.enqueue_dma source(%arg10 : memref<128x128xf32, #tpu.memory_space<vmem>>) target(%dma_start3A_48 : memref<128x128xf32, #tpu.memory_space<vmem_shared>>) target_semaphore(%run_scoped3A : memref<!tpu.dma_semaphore, #tpu.memory_space<semaphore_mem>>)
      %dma_wait3A = arith.constant 0 : i32
      %dma_wait3A_49 = tpu.memref_slice %arg11[%add3A_4, %dma_wait3A] : memref<10240x128xf32, #tpu.memory_space<vmem_shared>> -> memref<128x128xf32, #tpu.memory_space<vmem_shared>>
      %dma_wait3A_50 = arith.constant 0 : i32
      %dma_wait3A_51 = tpu.memref_slice %arg11[%add3A_4, %dma_wait3A_50] : memref<10240x128xf32, #tpu.memory_space<vmem_shared>> -> memref<128x128xf32, #tpu.memory_space<vmem_shared>>
      tpu.wait_dma2 semaphore(%run_scoped3A : memref<!tpu.dma_semaphore, #tpu.memory_space<semaphore_mem>>) src(%arg10 : memref<128x128xf32, #tpu.memory_space<vmem>>) dst(%dma_wait3A_51 : memref<128x128xf32, #tpu.memory_space<vmem_shared>>)
      tpu.yield
    }) : () -> ()
    %mul3A_5 = arith.constant 640 : i32
    %mul3A_6 = arith.muli %arg1, %mul3A_5 : i32
    %add3A_7 = arith.constant 128 : i32
    %add3A_8 = arith.addi %mul3A_6, %add3A_7 : i32
    "tpu.region"() ({
      %run_scoped3A = tpu.sem_alloc : memref<!tpu.dma_semaphore, #tpu.memory_space<semaphore_mem>>
      %dma_start3A = arith.constant 0 : i32
      %dma_start3A_46 = tpu.memref_slice %arg11[%add3A_8, %dma_start3A] : memref<10240x128xf32, #tpu.memory_space<vmem_shared>> -> memref<128x128xf32, #tpu.memory_space<vmem_shared>>
      %dma_start3A_47 = arith.constant 0 : i32
      %dma_start3A_48 = tpu.memref_slice %arg11[%add3A_8, %dma_start3A_47] : memref<10240x128xf32, #tpu.memory_space<vmem_shared>> -> memref<128x128xf32, #tpu.memory_space<vmem_shared>>
      tpu.enqueue_dma source(%arg10 : memref<128x128xf32, #tpu.memory_space<vmem>>) target(%dma_start3A_48 : memref<128x128xf32, #tpu.memory_space<vmem_shared>>) target_semaphore(%run_scoped3A : memref<!tpu.dma_semaphore, #tpu.memory_space<semaphore_mem>>)
      %dma_wait3A = arith.constant 0 : i32
      %dma_wait3A_49 = tpu.memref_slice %arg11[%add3A_8, %dma_wait3A] : memref<10240x128xf32, #tpu.memory_space<vmem_shared>> -> memref<128x128xf32, #tpu.memory_space<vmem_shared>>
      %dma_wait3A_50 = arith.constant 0 : i32
      %dma_wait3A_51 = tpu.memref_slice %arg11[%add3A_8, %dma_wait3A_50] : memref<10240x128xf32, #tpu.memory_space<vmem_shared>> -> memref<128x128xf32, #tpu.memory_space<vmem_shared>>
      tpu.wait_dma2 semaphore(%run_scoped3A : memref<!tpu.dma_semaphore, #tpu.memory_space<semaphore_mem>>) src(%arg10 : memref<128x128xf32, #tpu.memory_space<vmem>>) dst(%dma_wait3A_51 : memref<128x128xf32, #tpu.memory_space<vmem_shared>>)
      tpu.yield
    }) : () -> ()
    %mul3A_9 = arith.constant 640 : i32
    %mul3A_10 = arith.muli %arg1, %mul3A_9 : i32
    %add3A_11 = arith.constant 256 : i32
    %add3A_12 = arith.addi %mul3A_10, %add3A_11 : i32
    "tpu.region"() ({
      %run_scoped3A = tpu.sem_alloc : memref<!tpu.dma_semaphore, #tpu.memory_space<semaphore_mem>>
      %dma_start3A = arith.constant 0 : i32
      %dma_start3A_46 = tpu.memref_slice %arg11[%add3A_12, %dma_start3A] : memref<10240x128xf32, #tpu.memory_space<vmem_shared>> -> memref<128x128xf32, #tpu.memory_space<vmem_shared>>
      %dma_start3A_47 = arith.constant 0 : i32
      %dma_start3A_48 = tpu.memref_slice %arg11[%add3A_12, %dma_start3A_47] : memref<10240x128xf32, #tpu.memory_space<vmem_shared>> -> memref<128x128xf32, #tpu.memory_space<vmem_shared>>
      tpu.enqueue_dma source(%arg10 : memref<128x128xf32, #tpu.memory_space<vmem>>) target(%dma_start3A_48 : memref<128x128xf32, #tpu.memory_space<vmem_shared>>) target_semaphore(%run_scoped3A : memref<!tpu.dma_semaphore, #tpu.memory_space<semaphore_mem>>)
      %dma_wait3A = arith.constant 0 : i32
      %dma_wait3A_49 = tpu.memref_slice %arg11[%add3A_12, %dma_wait3A] : memref<10240x128xf32, #tpu.memory_space<vmem_shared>> -> memref<128x128xf32, #tpu.memory_space<vmem_shared>>
      %dma_wait3A_50 = arith.constant 0 : i32
      %dma_wait3A_51 = tpu.memref_slice %arg11[%add3A_12, %dma_wait3A_50] : memref<10240x128xf32, #tpu.memory_space<vmem_shared>> -> memref<128x128xf32, #tpu.memory_space<vmem_shared>>
      tpu.wait_dma2 semaphore(%run_scoped3A : memref<!tpu.dma_semaphore, #tpu.memory_space<semaphore_mem>>) src(%arg10 : memref<128x128xf32, #tpu.memory_space<vmem>>) dst(%dma_wait3A_51 : memref<128x128xf32, #tpu.memory_space<vmem_shared>>)
      tpu.yield
    }) : () -> ()
    %mul3A_13 = arith.constant 640 : i32
    %mul3A_14 = arith.muli %arg1, %mul3A_13 : i32
    %add3A_15 = arith.constant 384 : i32
    %add3A_16 = arith.addi %mul3A_14, %add3A_15 : i32
    "tpu.region"() ({
      %run_scoped3A = tpu.sem_alloc : memref<!tpu.dma_semaphore, #tpu.memory_space<semaphore_mem>>
      %dma_start3A = arith.constant 0 : i32
      %dma_start3A_46 = tpu.memref_slice %arg11[%add3A_16, %dma_start3A] : memref<10240x128xf32, #tpu.memory_space<vmem_shared>> -> memref<128x128xf32, #tpu.memory_space<vmem_shared>>
      %dma_start3A_47 = arith.constant 0 : i32
      %dma_start3A_48 = tpu.memref_slice %arg11[%add3A_16, %dma_start3A_47] : memref<10240x128xf32, #tpu.memory_space<vmem_shared>> -> memref<128x128xf32, #tpu.memory_space<vmem_shared>>
      tpu.enqueue_dma source(%arg10 : memref<128x128xf32, #tpu.memory_space<vmem>>) target(%dma_start3A_48 : memref<128x128xf32, #tpu.memory_space<vmem_shared>>) target_semaphore(%run_scoped3A : memref<!tpu.dma_semaphore, #tpu.memory_space<semaphore_mem>>)
      %dma_wait3A = arith.constant 0 : i32
      %dma_wait3A_49 = tpu.memref_slice %arg11[%add3A_16, %dma_wait3A] : memref<10240x128xf32, #tpu.memory_space<vmem_shared>> -> memref<128x128xf32, #tpu.memory_space<vmem_shared>>
      %dma_wait3A_50 = arith.constant 0 : i32
      %dma_wait3A_51 = tpu.memref_slice %arg11[%add3A_16, %dma_wait3A_50] : memref<10240x128xf32, #tpu.memory_space<vmem_shared>> -> memref<128x128xf32, #tpu.memory_space<vmem_shared>>
      tpu.wait_dma2 semaphore(%run_scoped3A : memref<!tpu.dma_semaphore, #tpu.memory_space<semaphore_mem>>) src(%arg10 : memref<128x128xf32, #tpu.memory_space<vmem>>) dst(%dma_wait3A_51 : memref<128x128xf32, #tpu.memory_space<vmem_shared>>)
      tpu.yield
    }) : () -> ()
    %mul3A_17 = arith.constant 640 : i32
    %mul3A_18 = arith.muli %arg1, %mul3A_17 : i32
    %add3A_19 = arith.constant 512 : i32
    %add3A_20 = arith.addi %mul3A_18, %add3A_19 : i32
    "tpu.region"() ({
      %run_scoped3A = tpu.sem_alloc : memref<!tpu.dma_semaphore, #tpu.memory_space<semaphore_mem>>
      %dma_start3A = arith.constant 0 : i32
      %dma_start3A_46 = tpu.memref_slice %arg11[%add3A_20, %dma_start3A] : memref<10240x128xf32, #tpu.memory_space<vmem_shared>> -> memref<128x128xf32, #tpu.memory_space<vmem_shared>>
      %dma_start3A_47 = arith.constant 0 : i32
      %dma_start3A_48 = tpu.memref_slice %arg11[%add3A_20, %dma_start3A_47] : memref<10240x128xf32, #tpu.memory_space<vmem_shared>> -> memref<128x128xf32, #tpu.memory_space<vmem_shared>>
      tpu.enqueue_dma source(%arg10 : memref<128x128xf32, #tpu.memory_space<vmem>>) target(%dma_start3A_48 : memref<128x128xf32, #tpu.memory_space<vmem_shared>>) target_semaphore(%run_scoped3A : memref<!tpu.dma_semaphore, #tpu.memory_space<semaphore_mem>>)
      %dma_wait3A = arith.constant 0 : i32
      %dma_wait3A_49 = tpu.memref_slice %arg11[%add3A_20, %dma_wait3A] : memref<10240x128xf32, #tpu.memory_space<vmem_shared>> -> memref<128x128xf32, #tpu.memory_space<vmem_shared>>
      %dma_wait3A_50 = arith.constant 0 : i32
      %dma_wait3A_51 = tpu.memref_slice %arg11[%add3A_20, %dma_wait3A_50] : memref<10240x128xf32, #tpu.memory_space<vmem_shared>> -> memref<128x128xf32, #tpu.memory_space<vmem_shared>>
      tpu.wait_dma2 semaphore(%run_scoped3A : memref<!tpu.dma_semaphore, #tpu.memory_space<semaphore_mem>>) src(%arg10 : memref<128x128xf32, #tpu.memory_space<vmem>>) dst(%dma_wait3A_51 : memref<128x128xf32, #tpu.memory_space<vmem_shared>>)
      tpu.yield
    }) : () -> ()
    %barrier3A = arith.constant 0 : index
    tpu.barrier barrier_id(%barrier3A)
    %scan3A = arith.constant 0 : i32
    %scan3A_21 = arith.constant 79 : i32
    %scan3A_22 = arith.addi %scan3A, %scan3A_21 : i32
    %scan3A_23 = arith.constant 1 : i32
    scf.for %scan3A_46 = %scan3A to %scan3A_22 step %scan3A_23  : i32 {
      "tpu.region"() ({
        %run_scoped3A = tpu.sem_alloc : memref<!tpu.dma_semaphore, #tpu.memory_space<semaphore_mem>>
        %dma_start3A_51 = arith.constant 0 : i32
        %dma_start3A_52 = tpu.memref_slice %arg3[%add3A, %scan3A_46, %dma_start3A_51] : memref<32x79x128xi32, #tpu.memory_space<hbm>> -> memref<1x1x128xi32, #tpu.memory_space<hbm>>
        %dma_start3A_53 = tpu.memref_squeeze %dma_start3A_52 : memref<1x1x128xi32, #tpu.memory_space<hbm>> -> memref<128xi32, #tpu.memory_space<hbm>>
        %dma_start3A_54 = arith.constant 0 : i32
        %dma_start3A_55 = tpu.memref_slice %arg3[%add3A, %scan3A_46, %dma_start3A_54] : memref<32x79x128xi32, #tpu.memory_space<hbm>> -> memref<1x1x128xi32, #tpu.memory_space<hbm>>
        %dma_start3A_56 = tpu.memref_squeeze %dma_start3A_55 : memref<1x1x128xi32, #tpu.memory_space<hbm>> -> memref<128xi32, #tpu.memory_space<hbm>>
        tpu.enqueue_dma source(%dma_start3A_56 : memref<128xi32, #tpu.memory_space<hbm>>) target(%arg7 : memref<128xi32, #tpu.memory_space<vmem>>) target_semaphore(%run_scoped3A : memref<!tpu.dma_semaphore, #tpu.memory_space<semaphore_mem>>)
        %dma_wait3A_57 = arith.constant 0 : i32
        %dma_wait3A_58 = tpu.memref_slice %arg3[%add3A, %scan3A_46, %dma_wait3A_57] : memref<32x79x128xi32, #tpu.memory_space<hbm>> -> memref<1x1x128xi32, #tpu.memory_space<hbm>>
        %dma_wait3A_59 = tpu.memref_squeeze %dma_wait3A_58 : memref<1x1x128xi32, #tpu.memory_space<hbm>> -> memref<128xi32, #tpu.memory_space<hbm>>
        %dma_wait3A_60 = arith.constant 0 : i32
        %dma_wait3A_61 = tpu.memref_slice %arg3[%add3A, %scan3A_46, %dma_wait3A_60] : memref<32x79x128xi32, #tpu.memory_space<hbm>> -> memref<1x1x128xi32, #tpu.memory_space<hbm>>
        %dma_wait3A_62 = tpu.memref_squeeze %dma_wait3A_61 : memref<1x1x128xi32, #tpu.memory_space<hbm>> -> memref<128xi32, #tpu.memory_space<hbm>>
        tpu.wait_dma2 semaphore(%run_scoped3A : memref<!tpu.dma_semaphore, #tpu.memory_space<semaphore_mem>>) src(%dma_wait3A_62 : memref<128xi32, #tpu.memory_space<hbm>>) dst(%arg7 : memref<128xi32, #tpu.memory_space<vmem>>)
        tpu.yield
      }) : () -> ()
      "tpu.region"() ({
        %run_scoped3A = tpu.sem_alloc : memref<!tpu.dma_semaphore, #tpu.memory_space<semaphore_mem>>
        %dma_start3A_51 = arith.constant 0 : i32
        %dma_start3A_52 = tpu.memref_slice %arg4[%add3A, %scan3A_46, %dma_start3A_51] : memref<32x79x128xi32, #tpu.memory_space<hbm>> -> memref<1x1x128xi32, #tpu.memory_space<hbm>>
        %dma_start3A_53 = tpu.memref_squeeze %dma_start3A_52 : memref<1x1x128xi32, #tpu.memory_space<hbm>> -> memref<128xi32, #tpu.memory_space<hbm>>
        %dma_start3A_54 = arith.constant 0 : i32
        %dma_start3A_55 = tpu.memref_slice %arg4[%add3A, %scan3A_46, %dma_start3A_54] : memref<32x79x128xi32, #tpu.memory_space<hbm>> -> memref<1x1x128xi32, #tpu.memory_space<hbm>>
        %dma_start3A_56 = tpu.memref_squeeze %dma_start3A_55 : memref<1x1x128xi32, #tpu.memory_space<hbm>> -> memref<128xi32, #tpu.memory_space<hbm>>
        tpu.enqueue_dma source(%dma_start3A_56 : memref<128xi32, #tpu.memory_space<hbm>>) target(%arg8 : memref<128xi32, #tpu.memory_space<vmem>>) target_semaphore(%run_scoped3A : memref<!tpu.dma_semaphore, #tpu.memory_space<semaphore_mem>>)
        %dma_wait3A_57 = arith.constant 0 : i32
        %dma_wait3A_58 = tpu.memref_slice %arg4[%add3A, %scan3A_46, %dma_wait3A_57] : memref<32x79x128xi32, #tpu.memory_space<hbm>> -> memref<1x1x128xi32, #tpu.memory_space<hbm>>
        %dma_wait3A_59 = tpu.memref_squeeze %dma_wait3A_58 : memref<1x1x128xi32, #tpu.memory_space<hbm>> -> memref<128xi32, #tpu.memory_space<hbm>>
        %dma_wait3A_60 = arith.constant 0 : i32
        %dma_wait3A_61 = tpu.memref_slice %arg4[%add3A, %scan3A_46, %dma_wait3A_60] : memref<32x79x128xi32, #tpu.memory_space<hbm>> -> memref<1x1x128xi32, #tpu.memory_space<hbm>>
        %dma_wait3A_62 = tpu.memref_squeeze %dma_wait3A_61 : memref<1x1x128xi32, #tpu.memory_space<hbm>> -> memref<128xi32, #tpu.memory_space<hbm>>
        tpu.wait_dma2 semaphore(%run_scoped3A : memref<!tpu.dma_semaphore, #tpu.memory_space<semaphore_mem>>) src(%dma_wait3A_62 : memref<128xi32, #tpu.memory_space<hbm>>) dst(%arg8 : memref<128xi32, #tpu.memory_space<vmem>>)
        tpu.yield
      }) : () -> ()
      %dma_start3A = arith.constant 0 : i32
      %dma_start3A_47 = arith.constant 0 : i32
      %dma_start3A_48 = tpu.memref_slice %arg2[%dma_start3A, %dma_start3A_47] : memref<10000x128xf32, #tpu.memory_space<hbm>> -> memref<10000x128xf32, #tpu.memory_space<hbm>>
      tpu.enqueue_indirect_dma source(%dma_start3A_48 : memref<10000x128xf32, #tpu.memory_space<hbm>>) target(%arg9 : memref<128x128xf32, #tpu.memory_space<vmem>>) offsets(%arg7 : memref<128xi32, #tpu.memory_space<vmem>>) semaphore(%arg12 : memref<!tpu.dma_semaphore, #tpu.memory_space<semaphore_mem>>)
      %dma_wait3A = arith.constant 0 : i32
      %dma_wait3A_49 = arith.constant 0 : i32
      %dma_wait3A_50 = tpu.memref_slice %arg2[%dma_wait3A, %dma_wait3A_49] : memref<10000x128xf32, #tpu.memory_space<hbm>> -> memref<10000x128xf32, #tpu.memory_space<hbm>>
      tpu.wait_indirect_dma semaphore(%arg12 : memref<!tpu.dma_semaphore, #tpu.memory_space<semaphore_mem>>) src(%dma_wait3A_50 : memref<10000x128xf32, #tpu.memory_space<hbm>>) dst(%arg9 : memref<128x128xf32, #tpu.memory_space<vmem>>)
      "tpu.region"() ({
        %run_scoped3A = tpu.sem_alloc : memref<!tpu.dma_semaphore, #tpu.memory_space<semaphore_mem>>
        %dma_start3A_51 = arith.constant 0 : i32
        %dma_start3A_52 = arith.constant 0 : i32
        %dma_start3A_53 = tpu.memref_slice %arg11[%dma_start3A_51, %dma_start3A_52] : memref<10240x128xf32, #tpu.memory_space<vmem_shared>> -> memref<10240x128xf32, #tpu.memory_space<vmem_shared>>
        tpu.enqueue_indirect_dma source(%arg9 : memref<128x128xf32, #tpu.memory_space<vmem>>) target(%dma_start3A_53 : memref<10240x128xf32, #tpu.memory_space<vmem_shared>>) offsets(%arg8 : memref<128xi32, #tpu.memory_space<vmem>>) semaphore(%run_scoped3A : memref<!tpu.dma_semaphore, #tpu.memory_space<semaphore_mem>>) {add = true}
        %dma_wait3A_54 = arith.constant 0 : i32
        %dma_wait3A_55 = arith.constant 0 : i32
        %dma_wait3A_56 = tpu.memref_slice %arg11[%dma_wait3A_54, %dma_wait3A_55] : memref<10240x128xf32, #tpu.memory_space<vmem_shared>> -> memref<10240x128xf32, #tpu.memory_space<vmem_shared>>
        tpu.wait_indirect_dma semaphore(%run_scoped3A : memref<!tpu.dma_semaphore, #tpu.memory_space<semaphore_mem>>) src(%arg9 : memref<128x128xf32, #tpu.memory_space<vmem>>) dst(%dma_wait3A_56 : memref<10240x128xf32, #tpu.memory_space<vmem_shared>>)
        tpu.yield
      }) : () -> ()
    }
    %scan3A_24 = arith.constant 79 : i32
    %barrier3A_25 = arith.constant 0 : index
    tpu.barrier barrier_id(%barrier3A_25)
    %mul3A_26 = arith.constant 640 : i32
    %mul3A_27 = arith.muli %arg1, %mul3A_26 : i32
    %add3A_28 = arith.constant 0 : i32
    %add3A_29 = arith.addi %mul3A_27, %add3A_28 : i32
    "tpu.region"() ({
      %run_scoped3A = tpu.sem_alloc : memref<!tpu.dma_semaphore, #tpu.memory_space<semaphore_mem>>
      %dma_start3A = arith.constant 0 : i32
      %dma_start3A_46 = arith.constant 0 : i32
      %dma_start3A_47 = tpu.memref_slice %arg6[%arg0, %dma_start3A, %dma_start3A_46] : memref<2x10240x128xf32, #tpu.memory_space<hbm>> -> memref<1x10240x128xf32, #tpu.memory_space<hbm>>
      %dma_start3A_48 = tpu.memref_squeeze %dma_start3A_47 : memref<1x10240x128xf32, #tpu.memory_space<hbm>> -> memref<10240x128xf32, #tpu.memory_space<hbm>>
      %dma_start3A_49 = arith.constant 0 : i32
      %dma_start3A_50 = tpu.memref_slice %dma_start3A_48[%add3A_29, %dma_start3A_49] : memref<10240x128xf32, #tpu.memory_space<hbm>> -> memref<128x128xf32, #tpu.memory_space<hbm>>
      %dma_start3A_51 = arith.constant 0 : i32
      %dma_start3A_52 = tpu.memref_slice %arg11[%add3A_29, %dma_start3A_51] : memref<10240x128xf32, #tpu.memory_space<vmem_shared>> -> memref<128x128xf32, #tpu.memory_space<vmem_shared>>
      tpu.enqueue_dma source(%dma_start3A_52 : memref<128x128xf32, #tpu.memory_space<vmem_shared>>) target(%dma_start3A_50 : memref<128x128xf32, #tpu.memory_space<hbm>>) target_semaphore(%run_scoped3A : memref<!tpu.dma_semaphore, #tpu.memory_space<semaphore_mem>>)
      %dma_wait3A = arith.constant 0 : i32
      %dma_wait3A_53 = arith.constant 0 : i32
      %dma_wait3A_54 = tpu.memref_slice %arg6[%arg0, %dma_wait3A, %dma_wait3A_53] : memref<2x10240x128xf32, #tpu.memory_space<hbm>> -> memref<1x10240x128xf32, #tpu.memory_space<hbm>>
      %dma_wait3A_55 = tpu.memref_squeeze %dma_wait3A_54 : memref<1x10240x128xf32, #tpu.memory_space<hbm>> -> memref<10240x128xf32, #tpu.memory_space<hbm>>
      %dma_wait3A_56 = arith.constant 0 : i32
      %dma_wait3A_57 = tpu.memref_slice %dma_wait3A_55[%add3A_29, %dma_wait3A_56] : memref<10240x128xf32, #tpu.memory_space<hbm>> -> memref<128x128xf32, #tpu.memory_space<hbm>>
      %dma_wait3A_58 = arith.constant 0 : i32
      %dma_wait3A_59 = tpu.memref_slice %arg11[%add3A_29, %dma_wait3A_58] : memref<10240x128xf32, #tpu.memory_space<vmem_shared>> -> memref<128x128xf32, #tpu.memory_space<vmem_shared>>
      tpu.wait_dma2 semaphore(%run_scoped3A : memref<!tpu.dma_semaphore, #tpu.memory_space<semaphore_mem>>) src(%dma_wait3A_59 : memref<128x128xf32, #tpu.memory_space<vmem_shared>>) dst(%dma_wait3A_57 : memref<128x128xf32, #tpu.memory_space<hbm>>)
      tpu.yield
    }) : () -> ()
    %mul3A_30 = arith.constant 640 : i32
    %mul3A_31 = arith.muli %arg1, %mul3A_30 : i32
    %add3A_32 = arith.constant 128 : i32
    %add3A_33 = arith.addi %mul3A_31, %add3A_32 : i32
    "tpu.region"() ({
      %run_scoped3A = tpu.sem_alloc : memref<!tpu.dma_semaphore, #tpu.memory_space<semaphore_mem>>
      %dma_start3A = arith.constant 0 : i32
      %dma_start3A_46 = arith.constant 0 : i32
      %dma_start3A_47 = tpu.memref_slice %arg6[%arg0, %dma_start3A, %dma_start3A_46] : memref<2x10240x128xf32, #tpu.memory_space<hbm>> -> memref<1x10240x128xf32, #tpu.memory_space<hbm>>
      %dma_start3A_48 = tpu.memref_squeeze %dma_start3A_47 : memref<1x10240x128xf32, #tpu.memory_space<hbm>> -> memref<10240x128xf32, #tpu.memory_space<hbm>>
      %dma_start3A_49 = arith.constant 0 : i32
      %dma_start3A_50 = tpu.memref_slice %dma_start3A_48[%add3A_33, %dma_start3A_49] : memref<10240x128xf32, #tpu.memory_space<hbm>> -> memref<128x128xf32, #tpu.memory_space<hbm>>
      %dma_start3A_51 = arith.constant 0 : i32
      %dma_start3A_52 = tpu.memref_slice %arg11[%add3A_33, %dma_start3A_51] : memref<10240x128xf32, #tpu.memory_space<vmem_shared>> -> memref<128x128xf32, #tpu.memory_space<vmem_shared>>
      tpu.enqueue_dma source(%dma_start3A_52 : memref<128x128xf32, #tpu.memory_space<vmem_shared>>) target(%dma_start3A_50 : memref<128x128xf32, #tpu.memory_space<hbm>>) target_semaphore(%run_scoped3A : memref<!tpu.dma_semaphore, #tpu.memory_space<semaphore_mem>>)
      %dma_wait3A = arith.constant 0 : i32
      %dma_wait3A_53 = arith.constant 0 : i32
      %dma_wait3A_54 = tpu.memref_slice %arg6[%arg0, %dma_wait3A, %dma_wait3A_53] : memref<2x10240x128xf32, #tpu.memory_space<hbm>> -> memref<1x10240x128xf32, #tpu.memory_space<hbm>>
      %dma_wait3A_55 = tpu.memref_squeeze %dma_wait3A_54 : memref<1x10240x128xf32, #tpu.memory_space<hbm>> -> memref<10240x128xf32, #tpu.memory_space<hbm>>
      %dma_wait3A_56 = arith.constant 0 : i32
      %dma_wait3A_57 = tpu.memref_slice %dma_wait3A_55[%add3A_33, %dma_wait3A_56] : memref<10240x128xf32, #tpu.memory_space<hbm>> -> memref<128x128xf32, #tpu.memory_space<hbm>>
      %dma_wait3A_58 = arith.constant 0 : i32
      %dma_wait3A_59 = tpu.memref_slice %arg11[%add3A_33, %dma_wait3A_58] : memref<10240x128xf32, #tpu.memory_space<vmem_shared>> -> memref<128x128xf32, #tpu.memory_space<vmem_shared>>
      tpu.wait_dma2 semaphore(%run_scoped3A : memref<!tpu.dma_semaphore, #tpu.memory_space<semaphore_mem>>) src(%dma_wait3A_59 : memref<128x128xf32, #tpu.memory_space<vmem_shared>>) dst(%dma_wait3A_57 : memref<128x128xf32, #tpu.memory_space<hbm>>)
      tpu.yield
    }) : () -> ()
    %mul3A_34 = arith.constant 640 : i32
    %mul3A_35 = arith.muli %arg1, %mul3A_34 : i32
    %add3A_36 = arith.constant 256 : i32
    %add3A_37 = arith.addi %mul3A_35, %add3A_36 : i32
    "tpu.region"() ({
      %run_scoped3A = tpu.sem_alloc : memref<!tpu.dma_semaphore, #tpu.memory_space<semaphore_mem>>
      %dma_start3A = arith.constant 0 : i32
      %dma_start3A_46 = arith.constant 0 : i32
      %dma_start3A_47 = tpu.memref_slice %arg6[%arg0, %dma_start3A, %dma_start3A_46] : memref<2x10240x128xf32, #tpu.memory_space<hbm>> -> memref<1x10240x128xf32, #tpu.memory_space<hbm>>
      %dma_start3A_48 = tpu.memref_squeeze %dma_start3A_47 : memref<1x10240x128xf32, #tpu.memory_space<hbm>> -> memref<10240x128xf32, #tpu.memory_space<hbm>>
      %dma_start3A_49 = arith.constant 0 : i32
      %dma_start3A_50 = tpu.memref_slice %dma_start3A_48[%add3A_37, %dma_start3A_49] : memref<10240x128xf32, #tpu.memory_space<hbm>> -> memref<128x128xf32, #tpu.memory_space<hbm>>
      %dma_start3A_51 = arith.constant 0 : i32
      %dma_start3A_52 = tpu.memref_slice %arg11[%add3A_37, %dma_start3A_51] : memref<10240x128xf32, #tpu.memory_space<vmem_shared>> -> memref<128x128xf32, #tpu.memory_space<vmem_shared>>
      tpu.enqueue_dma source(%dma_start3A_52 : memref<128x128xf32, #tpu.memory_space<vmem_shared>>) target(%dma_start3A_50 : memref<128x128xf32, #tpu.memory_space<hbm>>) target_semaphore(%run_scoped3A : memref<!tpu.dma_semaphore, #tpu.memory_space<semaphore_mem>>)
      %dma_wait3A = arith.constant 0 : i32
      %dma_wait3A_53 = arith.constant 0 : i32
      %dma_wait3A_54 = tpu.memref_slice %arg6[%arg0, %dma_wait3A, %dma_wait3A_53] : memref<2x10240x128xf32, #tpu.memory_space<hbm>> -> memref<1x10240x128xf32, #tpu.memory_space<hbm>>
      %dma_wait3A_55 = tpu.memref_squeeze %dma_wait3A_54 : memref<1x10240x128xf32, #tpu.memory_space<hbm>> -> memref<10240x128xf32, #tpu.memory_space<hbm>>
      %dma_wait3A_56 = arith.constant 0 : i32
      %dma_wait3A_57 = tpu.memref_slice %dma_wait3A_55[%add3A_37, %dma_wait3A_56] : memref<10240x128xf32, #tpu.memory_space<hbm>> -> memref<128x128xf32, #tpu.memory_space<hbm>>
      %dma_wait3A_58 = arith.constant 0 : i32
      %dma_wait3A_59 = tpu.memref_slice %arg11[%add3A_37, %dma_wait3A_58] : memref<10240x128xf32, #tpu.memory_space<vmem_shared>> -> memref<128x128xf32, #tpu.memory_space<vmem_shared>>
      tpu.wait_dma2 semaphore(%run_scoped3A : memref<!tpu.dma_semaphore, #tpu.memory_space<semaphore_mem>>) src(%dma_wait3A_59 : memref<128x128xf32, #tpu.memory_space<vmem_shared>>) dst(%dma_wait3A_57 : memref<128x128xf32, #tpu.memory_space<hbm>>)
      tpu.yield
    }) : () -> ()
    %mul3A_38 = arith.constant 640 : i32
    %mul3A_39 = arith.muli %arg1, %mul3A_38 : i32
    %add3A_40 = arith.constant 384 : i32
    %add3A_41 = arith.addi %mul3A_39, %add3A_40 : i32
    "tpu.region"() ({
      %run_scoped3A = tpu.sem_alloc : memref<!tpu.dma_semaphore, #tpu.memory_space<semaphore_mem>>
      %dma_start3A = arith.constant 0 : i32
      %dma_start3A_46 = arith.constant 0 : i32
      %dma_start3A_47 = tpu.memref_slice %arg6[%arg0, %dma_start3A, %dma_start3A_46] : memref<2x10240x128xf32, #tpu.memory_space<hbm>> -> memref<1x10240x128xf32, #tpu.memory_space<hbm>>
      %dma_start3A_48 = tpu.memref_squeeze %dma_start3A_47 : memref<1x10240x128xf32, #tpu.memory_space<hbm>> -> memref<10240x128xf32, #tpu.memory_space<hbm>>
      %dma_start3A_49 = arith.constant 0 : i32
      %dma_start3A_50 = tpu.memref_slice %dma_start3A_48[%add3A_41, %dma_start3A_49] : memref<10240x128xf32, #tpu.memory_space<hbm>> -> memref<128x128xf32, #tpu.memory_space<hbm>>
      %dma_start3A_51 = arith.constant 0 : i32
      %dma_start3A_52 = tpu.memref_slice %arg11[%add3A_41, %dma_start3A_51] : memref<10240x128xf32, #tpu.memory_space<vmem_shared>> -> memref<128x128xf32, #tpu.memory_space<vmem_shared>>
      tpu.enqueue_dma source(%dma_start3A_52 : memref<128x128xf32, #tpu.memory_space<vmem_shared>>) target(%dma_start3A_50 : memref<128x128xf32, #tpu.memory_space<hbm>>) target_semaphore(%run_scoped3A : memref<!tpu.dma_semaphore, #tpu.memory_space<semaphore_mem>>)
      %dma_wait3A = arith.constant 0 : i32
      %dma_wait3A_53 = arith.constant 0 : i32
      %dma_wait3A_54 = tpu.memref_slice %arg6[%arg0, %dma_wait3A, %dma_wait3A_53] : memref<2x10240x128xf32, #tpu.memory_space<hbm>> -> memref<1x10240x128xf32, #tpu.memory_space<hbm>>
      %dma_wait3A_55 = tpu.memref_squeeze %dma_wait3A_54 : memref<1x10240x128xf32, #tpu.memory_space<hbm>> -> memref<10240x128xf32, #tpu.memory_space<hbm>>
      %dma_wait3A_56 = arith.constant 0 : i32
      %dma_wait3A_57 = tpu.memref_slice %dma_wait3A_55[%add3A_41, %dma_wait3A_56] : memref<10240x128xf32, #tpu.memory_space<hbm>> -> memref<128x128xf32, #tpu.memory_space<hbm>>
      %dma_wait3A_58 = arith.constant 0 : i32
      %dma_wait3A_59 = tpu.memref_slice %arg11[%add3A_41, %dma_wait3A_58] : memref<10240x128xf32, #tpu.memory_space<vmem_shared>> -> memref<128x128xf32, #tpu.memory_space<vmem_shared>>
      tpu.wait_dma2 semaphore(%run_scoped3A : memref<!tpu.dma_semaphore, #tpu.memory_space<semaphore_mem>>) src(%dma_wait3A_59 : memref<128x128xf32, #tpu.memory_space<vmem_shared>>) dst(%dma_wait3A_57 : memref<128x128xf32, #tpu.memory_space<hbm>>)
      tpu.yield
    }) : () -> ()
    %mul3A_42 = arith.constant 640 : i32
    %mul3A_43 = arith.muli %arg1, %mul3A_42 : i32
    %add3A_44 = arith.constant 512 : i32
    %add3A_45 = arith.addi %mul3A_43, %add3A_44 : i32
    "tpu.region"() ({
      %run_scoped3A = tpu.sem_alloc : memref<!tpu.dma_semaphore, #tpu.memory_space<semaphore_mem>>
      %dma_start3A = arith.constant 0 : i32
      %dma_start3A_46 = arith.constant 0 : i32
      %dma_start3A_47 = tpu.memref_slice %arg6[%arg0, %dma_start3A, %dma_start3A_46] : memref<2x10240x128xf32, #tpu.memory_space<hbm>> -> memref<1x10240x128xf32, #tpu.memory_space<hbm>>
      %dma_start3A_48 = tpu.memref_squeeze %dma_start3A_47 : memref<1x10240x128xf32, #tpu.memory_space<hbm>> -> memref<10240x128xf32, #tpu.memory_space<hbm>>
      %dma_start3A_49 = arith.constant 0 : i32
      %dma_start3A_50 = tpu.memref_slice %dma_start3A_48[%add3A_45, %dma_start3A_49] : memref<10240x128xf32, #tpu.memory_space<hbm>> -> memref<128x128xf32, #tpu.memory_space<hbm>>
      %dma_start3A_51 = arith.constant 0 : i32
      %dma_start3A_52 = tpu.memref_slice %arg11[%add3A_45, %dma_start3A_51] : memref<10240x128xf32, #tpu.memory_space<vmem_shared>> -> memref<128x128xf32, #tpu.memory_space<vmem_shared>>
      tpu.enqueue_dma source(%dma_start3A_52 : memref<128x128xf32, #tpu.memory_space<vmem_shared>>) target(%dma_start3A_50 : memref<128x128xf32, #tpu.memory_space<hbm>>) target_semaphore(%run_scoped3A : memref<!tpu.dma_semaphore, #tpu.memory_space<semaphore_mem>>)
      %dma_wait3A = arith.constant 0 : i32
      %dma_wait3A_53 = arith.constant 0 : i32
      %dma_wait3A_54 = tpu.memref_slice %arg6[%arg0, %dma_wait3A, %dma_wait3A_53] : memref<2x10240x128xf32, #tpu.memory_space<hbm>> -> memref<1x10240x128xf32, #tpu.memory_space<hbm>>
      %dma_wait3A_55 = tpu.memref_squeeze %dma_wait3A_54 : memref<1x10240x128xf32, #tpu.memory_space<hbm>> -> memref<10240x128xf32, #tpu.memory_space<hbm>>
      %dma_wait3A_56 = arith.constant 0 : i32
      %dma_wait3A_57 = tpu.memref_slice %dma_wait3A_55[%add3A_45, %dma_wait3A_56] : memref<10240x128xf32, #tpu.memory_space<hbm>> -> memref<128x128xf32, #tpu.memory_space<hbm>>
      %dma_wait3A_58 = arith.constant 0 : i32
      %dma_wait3A_59 = tpu.memref_slice %arg11[%add3A_45, %dma_wait3A_58] : memref<10240x128xf32, #tpu.memory_space<vmem_shared>> -> memref<128x128xf32, #tpu.memory_space<vmem_shared>>
      tpu.wait_dma2 semaphore(%run_scoped3A : memref<!tpu.dma_semaphore, #tpu.memory_space<semaphore_mem>>) src(%dma_wait3A_59 : memref<128x128xf32, #tpu.memory_space<vmem_shared>>) dst(%dma_wait3A_57 : memref<128x128xf32, #tpu.memory_space<hbm>>)
      tpu.yield
    }) : () -> ()
    return
  }
}

module attributes {stable_mosaic.version = 14 : i64} {
  func.func @_tc_layer_body(%arg0: memref<10000x128xf32, #tpu.memory_space<vmem>>, %arg1: memref<2x10240x128xf32, #tpu.memory_space<vmem>>, %arg2: memref<128x128xf32, #tpu.memory_space<vmem>>, %arg3: memref<1x128xf32, #tpu.memory_space<vmem>>, %arg4: memref<128x128xf32, #tpu.memory_space<vmem>>, %arg5: memref<1x128xf32, #tpu.memory_space<vmem>>, %arg6: memref<1x128xf32, #tpu.memory_space<vmem>>, %arg7: memref<1x128xf32, #tpu.memory_space<vmem>>, %arg8: memref<10000x128xf32, #tpu.memory_space<vmem>>) attributes {dimension_semantics = [], scalar_prefetch = 0 : i64, scratch_operands = 0 : i64, tpu.core_type = #tpu.core_type<tc>} {
    %get3A = arith.constant 0 : index
    %get3A_0 = arith.constant 0 : index
    %get3A_1 = vector.load %arg0[%get3A, %get3A_0] : memref<10000x128xf32, #tpu.memory_space<vmem>>, vector<10000x128xf32>
    %get3A_2 = arith.constant 0 : index
    %get3A_3 = arith.constant 0 : index
    %get3A_4 = arith.constant 0 : index
    %get3A_5 = vector.load %arg1[%get3A_2, %get3A_3, %get3A_4] : memref<2x10240x128xf32, #tpu.memory_space<vmem>>, vector<1x10000x128xf32>
    %get3A_6 = vector.shape_cast %get3A_5 : vector<1x10000x128xf32> to vector<10000x128xf32>
    %add3A = arith.addf %get3A_1, %get3A_6 : vector<10000x128xf32>
    %get3A_7 = arith.constant 1 : index
    %get3A_8 = arith.constant 0 : index
    %get3A_9 = arith.constant 0 : index
    %get3A_10 = vector.load %arg1[%get3A_7, %get3A_8, %get3A_9] : memref<2x10240x128xf32, #tpu.memory_space<vmem>>, vector<1x10000x128xf32>
    %get3A_11 = vector.shape_cast %get3A_10 : vector<1x10000x128xf32> to vector<10000x128xf32>
    %add3A_12 = arith.addf %add3A, %get3A_11 : vector<10000x128xf32>
    %get3A_13 = arith.constant 0 : index
    %get3A_14 = arith.constant 0 : index
    %get3A_15 = vector.load %arg2[%get3A_13, %get3A_14] : memref<128x128xf32, #tpu.memory_space<vmem>>, vector<128x128xf32>
    %dot_general3A = arith.constant dense<0.000000e+00> : vector<10000x128xf32>
    %dot_general3A_16 = tpu.matmul %add3A_12, %get3A_15, %dot_general3A {dimension_numbers = #tpu.dot_dimension_numbers<[1], [0], [0], [1], [0, 0, 1, 1], [], []>, transpose_lhs_hint = false} : vector<10000x128xf32>, vector<128x128xf32>, vector<10000x128xf32> -> vector<10000x128xf32>
    %get3A_17 = arith.constant 0 : index
    %get3A_18 = arith.constant 0 : index
    %get3A_19 = vector.load %arg3[%get3A_17, %get3A_18] : memref<1x128xf32, #tpu.memory_space<vmem>>, vector<1x128xf32>
    %add3A_20 = vector.broadcast %get3A_19 : vector<1x128xf32> to vector<10000x128xf32>
    %add3A_21 = arith.addf %dot_general3A_16, %add3A_20 : vector<10000x128xf32>
    %max3A = arith.constant 0.000000e+00 : f32
    %max3A_22 = vector.broadcast %max3A : f32 to vector<10000x128xf32>
    %max3A_23 = arith.maximumf %add3A_21, %max3A_22 : vector<10000x128xf32>
    %get3A_24 = arith.constant 0 : index
    %get3A_25 = arith.constant 0 : index
    %get3A_26 = vector.load %arg4[%get3A_24, %get3A_25] : memref<128x128xf32, #tpu.memory_space<vmem>>, vector<128x128xf32>
    %dot_general3A_27 = arith.constant dense<0.000000e+00> : vector<10000x128xf32>
    %dot_general3A_28 = tpu.matmul %max3A_23, %get3A_26, %dot_general3A_27 {dimension_numbers = #tpu.dot_dimension_numbers<[1], [0], [0], [1], [0, 0, 1, 1], [], []>, transpose_lhs_hint = false} : vector<10000x128xf32>, vector<128x128xf32>, vector<10000x128xf32> -> vector<10000x128xf32>
    %get3A_29 = arith.constant 0 : index
    %get3A_30 = arith.constant 0 : index
    %get3A_31 = vector.load %arg5[%get3A_29, %get3A_30] : memref<1x128xf32, #tpu.memory_space<vmem>>, vector<1x128xf32>
    %add3A_32 = vector.broadcast %get3A_31 : vector<1x128xf32> to vector<10000x128xf32>
    %add3A_33 = arith.addf %dot_general3A_28, %add3A_32 : vector<10000x128xf32>
    %reduce_sum3A = arith.constant dense<0.000000e+00> : vector<128xf32>
    %reduce_sum3A_34 = vector.multi_reduction <add>, %add3A_33, %reduce_sum3A [0] : vector<10000x128xf32> to vector<128xf32>
    %broadcast_in_dim3A = vector.shape_cast %reduce_sum3A_34 : vector<128xf32> to vector<1x128xf32>
    %div3A = arith.constant 1.000000e+04 : f32
    %div3A_35 = vector.broadcast %div3A : f32 to vector<1x128xf32>
    %div3A_36 = arith.divf %broadcast_in_dim3A, %div3A_35 : vector<1x128xf32>
    %sub3A = vector.broadcast %div3A_36 : vector<1x128xf32> to vector<10000x128xf32>
    %sub3A_37 = arith.subf %add3A_33, %sub3A : vector<10000x128xf32>
    %sub3A_38 = vector.broadcast %div3A_36 : vector<1x128xf32> to vector<10000x128xf32>
    %sub3A_39 = arith.subf %add3A_33, %sub3A_38 : vector<10000x128xf32>
    %mul3A = arith.mulf %sub3A_37, %sub3A_39 : vector<10000x128xf32>
    %reduce_sum3A_40 = arith.constant dense<0.000000e+00> : vector<128xf32>
    %reduce_sum3A_41 = vector.multi_reduction <add>, %mul3A, %reduce_sum3A_40 [0] : vector<10000x128xf32> to vector<128xf32>
    %broadcast_in_dim3A_42 = vector.shape_cast %reduce_sum3A_41 : vector<128xf32> to vector<1x128xf32>
    %div3A_43 = arith.constant 1.000000e+04 : f32
    %div3A_44 = vector.broadcast %div3A_43 : f32 to vector<1x128xf32>
    %div3A_45 = arith.divf %broadcast_in_dim3A_42, %div3A_44 : vector<1x128xf32>
    %sub3A_46 = vector.broadcast %div3A_36 : vector<1x128xf32> to vector<10000x128xf32>
    %sub3A_47 = arith.subf %add3A_33, %sub3A_46 : vector<10000x128xf32>
    %add3A_48 = arith.constant 9.99999974E-6 : f32
    %add3A_49 = vector.broadcast %add3A_48 : f32 to vector<1x128xf32>
    %add3A_50 = arith.addf %div3A_45, %add3A_49 : vector<1x128xf32>
    %rsqrt3A = math.rsqrt %add3A_50 : vector<1x128xf32>
    %mul3A_51 = vector.broadcast %rsqrt3A : vector<1x128xf32> to vector<10000x128xf32>
    %mul3A_52 = arith.mulf %sub3A_47, %mul3A_51 : vector<10000x128xf32>
    %get3A_53 = arith.constant 0 : index
    %get3A_54 = arith.constant 0 : index
    %get3A_55 = vector.load %arg6[%get3A_53, %get3A_54] : memref<1x128xf32, #tpu.memory_space<vmem>>, vector<1x128xf32>
    %mul3A_56 = vector.broadcast %get3A_55 : vector<1x128xf32> to vector<10000x128xf32>
    %mul3A_57 = arith.mulf %mul3A_52, %mul3A_56 : vector<10000x128xf32>
    %get3A_58 = arith.constant 0 : index
    %get3A_59 = arith.constant 0 : index
    %get3A_60 = vector.load %arg7[%get3A_58, %get3A_59] : memref<1x128xf32, #tpu.memory_space<vmem>>, vector<1x128xf32>
    %add3A_61 = vector.broadcast %get3A_60 : vector<1x128xf32> to vector<10000x128xf32>
    %add3A_62 = arith.addf %mul3A_57, %add3A_61 : vector<10000x128xf32>
    %max3A_63 = arith.constant 0.000000e+00 : f32
    %max3A_64 = vector.broadcast %max3A_63 : f32 to vector<10000x128xf32>
    %max3A_65 = arith.maximumf %add3A_62, %max3A_64 : vector<10000x128xf32>
    %swap3A = arith.constant 0 : index
    %swap3A_66 = arith.constant 0 : index
    %swap3A_67 = vector.load %arg8[%swap3A, %swap3A_66] : memref<10000x128xf32, #tpu.memory_space<vmem>>, vector<10000x128xf32>
    tpu.vector_store %arg8[%swap3A, %swap3A_66], %max3A_65 {strides = array<i32>} : memref<10000x128xf32, #tpu.memory_space<vmem>>, vector<10000x128xf32>,
    return
  }
}

module attributes {stable_mosaic.version = 14 : i64} {
  func.func @_tc_head_body(%arg0: memref<10000x128xf32, #tpu.memory_space<vmem>>, %arg1: memref<1x10000xi32, #tpu.memory_space<vmem>>, %arg2: memref<128x128xf32, #tpu.memory_space<vmem>>, %arg3: memref<1x128xf32, #tpu.memory_space<vmem>>, %arg4: memref<128x128xf32, #tpu.memory_space<vmem>>, %arg5: memref<1x128xf32, #tpu.memory_space<vmem>>, %arg6: memref<64x128xf32, #tpu.memory_space<vmem>>) attributes {dimension_semantics = [], scalar_prefetch = 0 : i64, scratch_operands = 0 : i64, tpu.core_type = #tpu.core_type<tc>} {
    %iota3A = tpu.iota {dimensions = array<i32: 0>} : vector<64x10000xi32>
    %get3A = arith.constant 0 : index
    %get3A_0 = arith.constant 0 : index
    %get3A_1 = vector.load %arg1[%get3A, %get3A_0] : memref<1x10000xi32, #tpu.memory_space<vmem>>, vector<1x10000xi32>
    %eq3A = vector.broadcast %get3A_1 : vector<1x10000xi32> to vector<64x10000xi32>
    %eq3A_2 = arith.cmpi eq, %iota3A, %eq3A : vector<64x10000xi32>
    %jit3A = arith.constant 1.000000e+00 : f32
    %jit3A_3 = arith.constant 0.000000e+00 : f32
    %broadcast_in_dim3A = vector.broadcast %jit3A : f32 to vector<64x10000xf32>
    %broadcast_in_dim3A_4 = vector.broadcast %jit3A_3 : f32 to vector<64x10000xf32>
    %select_n3A = arith.select %eq3A_2, %broadcast_in_dim3A, %broadcast_in_dim3A_4 : vector<64x10000xi1>, vector<64x10000xf32>
    %get3A_5 = arith.constant 0 : index
    %get3A_6 = arith.constant 0 : index
    %get3A_7 = vector.load %arg0[%get3A_5, %get3A_6] : memref<10000x128xf32, #tpu.memory_space<vmem>>, vector<10000x128xf32>
    %dot_general3A = arith.constant dense<0.000000e+00> : vector<64x128xf32>
    %dot_general3A_8 = tpu.matmul %select_n3A, %get3A_7, %dot_general3A {dimension_numbers = #tpu.dot_dimension_numbers<[1], [0], [0], [1], [0, 0, 1, 1], [], []>, transpose_lhs_hint = false} : vector<64x10000xf32>, vector<10000x128xf32>, vector<64x128xf32> -> vector<64x128xf32>
    %reduce_sum3A = arith.constant dense<0.000000e+00> : vector<64xf32>
    %reduce_sum3A_9 = vector.multi_reduction <add>, %select_n3A, %reduce_sum3A [1] : vector<64x10000xf32> to vector<64xf32>
    %broadcast_in_dim3A_10 = vector.shape_cast %reduce_sum3A_9 : vector<64xf32> to vector<64x1xf32>
    %max3A = arith.constant 1.000000e+00 : f32
    %max3A_11 = vector.broadcast %max3A : f32 to vector<64x1xf32>
    %max3A_12 = arith.maximumf %broadcast_in_dim3A_10, %max3A_11 : vector<64x1xf32>
    %div3A = vector.broadcast %max3A_12 : vector<64x1xf32> to vector<64x128xf32>
    %div3A_13 = arith.divf %dot_general3A_8, %div3A : vector<64x128xf32>
    %get3A_14 = arith.constant 0 : index
    %get3A_15 = arith.constant 0 : index
    %get3A_16 = vector.load %arg2[%get3A_14, %get3A_15] : memref<128x128xf32, #tpu.memory_space<vmem>>, vector<128x128xf32>
    %dot_general3A_17 = arith.constant dense<0.000000e+00> : vector<64x128xf32>
    %dot_general3A_18 = tpu.matmul %div3A_13, %get3A_16, %dot_general3A_17 {dimension_numbers = #tpu.dot_dimension_numbers<[1], [0], [0], [1], [0, 0, 1, 1], [], []>, transpose_lhs_hint = false} : vector<64x128xf32>, vector<128x128xf32>, vector<64x128xf32> -> vector<64x128xf32>
    %get3A_19 = arith.constant 0 : index
    %get3A_20 = arith.constant 0 : index
    %get3A_21 = vector.load %arg3[%get3A_19, %get3A_20] : memref<1x128xf32, #tpu.memory_space<vmem>>, vector<1x128xf32>
    %add3A = vector.broadcast %get3A_21 : vector<1x128xf32> to vector<64x128xf32>
    %add3A_22 = arith.addf %dot_general3A_18, %add3A : vector<64x128xf32>
    %max3A_23 = arith.constant 0.000000e+00 : f32
    %max3A_24 = vector.broadcast %max3A_23 : f32 to vector<64x128xf32>
    %max3A_25 = arith.maximumf %add3A_22, %max3A_24 : vector<64x128xf32>
    %get3A_26 = arith.constant 0 : index
    %get3A_27 = arith.constant 0 : index
    %get3A_28 = vector.load %arg4[%get3A_26, %get3A_27] : memref<128x128xf32, #tpu.memory_space<vmem>>, vector<128x128xf32>
    %dot_general3A_29 = arith.constant dense<0.000000e+00> : vector<64x128xf32>
    %dot_general3A_30 = tpu.matmul %max3A_25, %get3A_28, %dot_general3A_29 {dimension_numbers = #tpu.dot_dimension_numbers<[1], [0], [0], [1], [0, 0, 1, 1], [], []>, transpose_lhs_hint = false} : vector<64x128xf32>, vector<128x128xf32>, vector<64x128xf32> -> vector<64x128xf32>
    %get3A_31 = arith.constant 0 : index
    %get3A_32 = arith.constant 0 : index
    %get3A_33 = vector.load %arg5[%get3A_31, %get3A_32] : memref<1x128xf32, #tpu.memory_space<vmem>>, vector<1x128xf32>
    %add3A_34 = vector.broadcast %get3A_33 : vector<1x128xf32> to vector<64x128xf32>
    %add3A_35 = arith.addf %dot_general3A_30, %add3A_34 : vector<64x128xf32>
    %swap3A = arith.constant 0 : index
    %swap3A_36 = arith.constant 0 : index
    %swap3A_37 = vector.load %arg6[%swap3A, %swap3A_36] : memref<64x128xf32, #tpu.memory_space<vmem>>, vector<64x128xf32>
    tpu.vector_store %arg6[%swap3A, %swap3A_36], %add3A_35 {strides = array<i32>} : memref<64x128xf32, #tpu.memory_space<vmem>>, vector<64x128xf32>,
    return
  }
}

</mosaic_0001>

<sc_bundles>
// kernel: kernel.13.cloned.1.call-start
scs
__scs_entry_jumppad:
0x0: {  	(pc) =	sbr.rel $0x88, $3  }
0x1: {  	(tag) =	ssettag $0x0;
	lr =	simm.s32 $0x1  }
0x2: {  	[smem:$0x3F7C] =	sst lr;
	_ =	strace $0xD0000000  }
0x3: {  	_ = 	snop  }
0x4: {  	_ = 	snop  }
0x5: {  	_ = 	snop  }
0x6: {  	_ = 	snop  }
0x7: {  	_ = 	snop  }
__scs_overlays_trampoline_lowered:
0x8: {  	[smem:$0x3F8B] =	sst s0  }
0x9: {  	[smem:$0x3F8C] =	sst s1  }
0xa: {  	[smem:$0x3F8D] =	sst s2  }
0xb: {  	[smem:$0x3F8E] =	sst s3  }
0xc: {  	[smem:$0x3F8F] =	sst s4  }
0xd: {  	[smem:$0x3F90] =	sst s5  }
0xe: {  	[smem:$0x3F91] =	sst s6  }
0xf: {  	[smem:$0x3F92] =	sst s7  }
0x10: {  	[smem:$0x3F93] =	sst s8  }
0x11: {  	[smem:$0x3F94] =	sst s9;
	s0 =	simm.s32 @!p0 $0x0  }
0x12: {  	s1 =	sld [smem:$0x3F7A];
	s0 =	simm.s32 @p0 $0x1  }
0x13: {  	[smem:$0x3F95] =	sst s0;
	s0 =	simm.s32 @!p1 $0x0  }
0x14: {  	s2 =	sld [smem:$0x3F79];
	s0 =	simm.s32 @p1 $0x1  }
0x15: {  	[smem:$0x3F96] =	sst s0;
	s0 =	simm.s32 @!p2 $0x0  }
0x16: {  	s3 =	sld [smem:$0x3FDB];
	s0 =	simm.s32 @p2 $0x1  }
0x17: {  	s4 =	simm.s32 $0x1BF5;
	[smem:$0x3F98] =	sst s0  }
0x18: {  	s0 =	sld [smem:$0x3F7B];
	_ =	swait.ge [sflag:s4], $0x0  }
0x19: {  	s7 =	sld [smem:$0x3F7C]  }
0x1a: {  	s8 =	sadd.s32 $0xFFFFE003, lr  }
0x1b: {  	s9 =	sadd.s32 $0xFFFFFEF7, lr;
	s5 =	simm.s32 $0xFFFFFFFF;
	p2 =	slt.u32 s8, $0xFFFFF086  }
0x1c: {  	p1 =	slt.u32 s9, $0xF7A;
	s5 =	simm.s32 @!p2 $0x0  }
0x1d: {  	s5 =	simm.s32 @p1 $0x1;
	p0 =	seq.s32 s7, s2  }
0x1e: {  	s7 =	smul.u32 @!p0 $0xF7A, s2;
	p2 =	seq.s32 @!p0 s5, $0x0  }
0x1f: {  	s9 =	smul.u32 $0xF7A, s1;
	s8 =	simm.s32 @!p0 $0x1BF5;
	p2 =	por !p2, p0  }
0x20: {  	[sflag:s8] =	ssyncset.s32 @!p0 $0xFFFFF086;
	s6 =	sadd.s32 @!p0 s3, s7;
	s7 =	simm.s32 @!p0 $0x108  }
0x21: {  	s3 =	sadd.s32 s3, s9;
	s6 =	sadd.s32 @!p0 $0x88, s6;
	s7 =	simm.s32 @p2 $0x1082  }
0x22: {  	[simem:s7], [sflag:s8] =	dma.local @!p0 [hbm:s6], $0xF7A  }
0x23: {  	s9 =	sor.u32 $0xD0000000, s2;
	s6 =	simm.s32 $0x108;
	_ =	swait.ge @!p0 [sflag:s8], $0x0  }
0x24: {  	s3 =	sadd.s32 $0x88, s3;
	s6 =	simm.s32 @!p1 $0x1082;
	[sflag:s4] =	ssyncset.s32 $0xFFFFF086  }
0x25: {  	[simem:s6], [sflag:s4] =	dma.local [hbm:s3], $0xF7A  }
0x26: {  	[smem:$0x3F7C] =	sst s1;
	(tag) =	ssettag s2;
	_ =	strace s9  }
0x27: {  	s1 =	sld [smem:$0x3F8C]  }
0x28: {  	s2 =	sld [smem:$0x3F8D]  }
0x29: {  	s4 =	sld [smem:$0x3F8F]  }
0x2a: {  	p0 =	seq.s32 s5, $0x0;
	s5 =	sld [smem:$0x3F90]  }
0x2b: {  	s6 =	sld [smem:$0x3F91]  }
0x2c: {  	s7 =	sld [smem:$0x3F92]  }
0x2d: {  	s3 =	simm.s32 $0x108;
	s8 =	sld [smem:$0x3F93]  }
0x2e: {  	s3 =	simm.s32 @!p0 $0x1082;
	s9 =	sld [smem:$0x3F94]  }
0x2f: {  	lr =	sadd.s32 s0, s3;
	s0 =	sld [smem:$0x3F8B]  }
0x30: {  	s3 =	sld [smem:$0x3F8E]  }
0x31: {  	[smem:$0x3F97] =	sst s10  }
0x32: {  	s10 =	sld [smem:$0x3F95];
	_ =	sdelay $0x3  }
0x33: {  	p0 =	seq.s32 s10, $0x1;
	s10 =	sld [smem:$0x3F97];
	_ =	sdelay $0x3  }
0x34: {  	[smem:$0x3F97] =	sst s10  }
0x35: {  	s10 =	sld [smem:$0x3F96];
	_ =	sdelay $0x3  }
0x36: {  	p1 =	seq.s32 s10, $0x1;
	s10 =	sld [smem:$0x3F97];
	_ =	sdelay $0x3  }
0x37: {  	[smem:$0x3F97] =	sst s10  }
0x38: {  	s10 =	sld [smem:$0x3F98]  }
0x39: {  	_ = 	snop;
	(pc) =	sbr.ind lr, $3  }
0x3a: {  	_ = 	snop  }
0x3b: {  	_ = 	snop  }
0x3c: {  	p2 =	seq.s32 s10, $0x1;
	s10 =	sld [smem:$0x3F97]  }
0x3d: {  	_ =	shalt  }
0x3e: {  	_ =	shalt  }
0x3f: {  	_ =	shalt  }
0x40: {  	_ =	shalt  }
0x41: {  	_ =	shalt  }
0x42: {  	_ =	shalt  }
0x43: {  	_ =	shalt  }
0x44: {  	_ =	shalt  }
0x45: {  	_ =	shalt  }
0x46: {  	_ =	shalt  }
0x47: {  	_ =	shalt  }
0x48: {  	_ =	shalt  }
0x49: {  	_ =	shalt  }
0x4a: {  	_ =	shalt  }
0x4b: {  	_ =	shalt  }
0x4c: {  	_ =	shalt  }
0x4d: {  	_ =	shalt  }
0x4e: {  	_ =	shalt  }
0x4f: {  	_ =	shalt  }
0x50: {  	_ =	shalt  }
0x51: {  	_ =	shalt  }
0x52: {  	_ =	shalt  }
0x53: {  	_ =	shalt  }
0x54: {  	_ =	shalt  }
0x55: {  	_ =	shalt  }
0x56: {  	_ =	shalt  }
0x57: {  	_ =	shalt  }
0x58: {  	_ =	shalt  }
0x59: {  	_ =	shalt  }
0x5a: {  	_ =	shalt  }
0x5b: {  	_ =	shalt  }
0x5c: {  	_ =	shalt  }
0x5d: {  	_ =	shalt  }
0x5e: {  	_ =	shalt  }
0x5f: {  	_ =	shalt  }
0x60: {  	_ =	shalt  }
0x61: {  	_ =	shalt  }
0x62: {  	_ =	shalt  }
0x63: {  	_ =	shalt  }
0x64: {  	_ =	shalt  }
0x65: {  	_ =	shalt  }
0x66: {  	_ =	shalt  }
0x67: {  	_ =	shalt  }
0x68: {  	_ =	shalt  }
0x69: {  	_ =	shalt  }
0x6a: {  	_ =	shalt  }
0x6b: {  	_ =	shalt  }
0x6c: {  	_ =	shalt  }
0x6d: {  	_ =	shalt  }
0x6e: {  	_ =	shalt  }
0x6f: {  	_ =	shalt  }
0x70: {  	_ =	shalt  }
0x71: {  	_ =	shalt  }
0x72: {  	_ =	shalt  }
0x73: {  	_ =	shalt  }
0x74: {  	_ =	shalt  }
0x75: {  	_ =	shalt  }
0x76: {  	_ =	shalt  }
0x77: {  	_ =	shalt  }
0x78: {  	_ =	shalt  }
0x79: {  	_ =	shalt  }
0x7a: {  	_ =	shalt  }
0x7b: {  	_ =	shalt  }
0x7c: {  	_ =	shalt  }
0x7d: {  	_ =	shalt  }
0x7e: {  	_ =	shalt  }
0x7f: {  	_ =	shalt  }
0x80: {  	_ =	shalt  }
0x81: {  	_ =	shalt  }
0x82: {  	_ =	shalt  }
0x83: {  	_ =	shalt  }
0x84: {  	_ =	shalt  }
0x85: {  	_ =	shalt  }
0x86: {  	_ =	shalt  }
0x87: {  	_ =	shalt  }
.Lfunc_end0:
.L_simem_size_0:
called_computation_lowered:
.L_overlay_start_0:
0x88: {  	s2 =	sld [smem:$0x3FD9]  }
0x89: {  	s3 =	sld [smem:$0x3FFE];
	_ =	sdelay $0x1  }
0x8a: {  	s1 =	srdreg.scid  }
0x8b: {  	s0 =	sand.u32 $0x1, s1  }
0x8c: {  	s17 =	sshll.u32 s0, $0xA;
	s2 =	sadd.s32 s3, s2  }
0x8d: {  	s2 =	sadd.s32 s2, s17  }
0x8e: {  	[smem:$0x3FA3] =	sst s2  }
0x8f: {  	_ = 	snop  }
0x90: {  	s2 =	sld [smem:$0x3FC9];
	(tm) =	ssettm $0x1  }
0x91: {  	s18 =	sld [smem:$0x3FFB];
	_ =	sdelay $0x3  }
0x92: {  	_ =	strace s18  }
0x93: {  	s3 =	sld [smem:$0x3FFC];
	_ =	sdelay $0x3  }
0x94: {  	_ =	strace s3  }
0x95: {  	s3 =	sld [smem:$0x3FFD];
	_ =	sdelay $0x3  }
0x96: {  	_ =	strace s3  }
0x97: {  	_ =	strace $0x8FFFFFFF  }
0x98: {  	s19 =	sld [smem:$0x3FDB];
	_ =	sdelay $0x1  }
0x99: {  	s4 =	simm.s32 $_scs_section_size  }
0x9a: {  	s5 =	simm.s32 $_size__tile_overlayer_lowered;
	s6 =	simm.s32 $_tile_overlayer_lowered  }
0x9b: {  	s22 =	simm.s32 $0x1BFF;
	s21 =	sshll.u32 s6, $0x1;
	s3 =	sadd.s32 s4, s19  }
0x9c: {  	s7 =	simm.s32 $0x0;
	s20 =	sshll.u32 s5, $0x1;
	s5 =	sadd.s32 s21, s3  }
0x9d: {  	[timem:s7], [sflag:s22] =	dma.local [hbm:s5], s20  }
0x9e: {  	_ =	swait.ge [sflag:s22], s20  }
0x9f: {  	s4 =	ssub.s32 $0x0, s20;
	[sflag:s22] =	ssyncset.done $0x0  }
0xa0: {  	[sflag:s22] =	ssyncadd.s32 s4;
	_ =	sdelay $0x1  }
0xa1: {  	s23 =	simm.s32 $0x1B8B  }
0xa2: {  	_ =	swait.ge [sflag:s23], $0x1  }
0xa3: {  	[sflag:s23] =	ssyncset.done $0x0  }
0xa4: {  	s25 =	simm.s32 $0x1B8E;
	s24 =	sld [smem:$0x3FFE];
	[sflag:s23] =	ssyncadd.s32 $0xFFFFFFFF  }
0xa5: {  	s26 =	simm.s32 $execute0_lowered;
	[smem:$0x3FD2] =	sst s25  }
0xa6: {  	s5 =	sshll.u32 s26, $0x1;
	_ =	strace $0x80000046;
	[dreg:$0x1] =	wrdreg $0xFFFFFFFF  }
0xa7: {  	s28 =	simm.s32 $_size_execute0_lowered;
	s3 =	sadd.s32 s3, s5;
	[dreg:$0x0] =	wrdreg $0x0  }
0xa8: {  	s5 =	sshll.u32 s28, $0x1;
	[dreg:$0x2] =	wrdreg s3  }
0xa9: {  	[dreg:$0x3] =	wrdreg s5  }
0xaa: {  	[dreg:$0x4] =	wrdreg $0xC0  }
0xab: {  	_ =	task [dreg:s7], $0x5FFFF  }
0xac: {  	[dreg:$0x1] =	wrdreg $0xFFFFFFFF  }
0xad: {  	[dreg:$0x0] =	wrdreg $0x60  }
0xae: {  	[dreg:$0x2] =	wrdreg s2  }
0xaf: {  	[dreg:$0x3] =	wrdreg s24  }
0xb0: {  	[dreg:$0x4] =	wrdreg $0x81000  }
0xb1: {  	[dreg:$0x5] =	wrdreg $0x9  }
0xb2: {  	_ =	task.clear_ibuf [dreg:s7], $0x6FFFF;
	_ =	strace $0x90000046  }
0xb3: {  	s29 =	simm.s32 $0x9;
	_ =	strace $0x80000048  }
0xb4: {  	_ =	swait.ge [sflag:s29], $0x1  }
0xb5: {  	[sflag:s29] =	ssyncadd.s32 $0xFFFFFFFF  }
0xb6: {  	_ =	strace $0x90000048  }
0xb7: {  	_ =	sfence  }
0xb8: {  	s30 =	sld [smem:$0x0];
	_ =	sdelay $0x2  }
0xb9: {  	s31 =	sshll.u32 s1, $0xD;
	s1 =	sshrl.u32 s1, $0x2  }
0xba: {  	s3 =	sand.u32 $0x4000, s31;
	s1 =	sadd.s32 s1, s30  }
0xbb: {  	s0 =	sor.u32 s3, s0;
	s1 =	sshll.u32 s1, $0x11  }
0xbc: {  	s0 =	sor.u32 s1, s0  }
0xbd: {  	s0 =	sadd.s32 $0x8F2B, s0  }
0xbe: {  	[sflag:s0] =	ssyncadd.remote.s32 $0x1  }
0xbf: {  	_ =	sfence.sel $0xFFFF  }
0xc0: {  	[dreg:$0x0] =	wrdreg $0xFFFFFFFF;
	(pc) =	sbr.abs _section_cstart, $3  }
0xc1: {  	[dreg:$0x1] =	wrdreg $0xFFFFFFFF  }
0xc2: {  	_ =	task.clear_ibuf [dreg:s7], $0x2FFFF;
	_ =	strace $0x9FFFFFFF  }
0xc3: {  	(tm) =	ssettm $0x7FFFFFFF  }
tec
execute0_lowered:
.L_overlay_start_1:
0x0: {  	(tag) =	ssettag $0x1  }
0x1: {  	s1 =	rddreg [dreg:$0x0]  }
0x2: {  	s8 =	rddreg [dreg:$0x1]  }
0x3: {  	s2 =	rddreg [dreg:$0x2]  }
0x4: {  	s0 =	rddreg [dreg:$0x3];
	s3 =	simm.s32 $0x0;
	s4 =	srdreg.scid  }
0x5: {  	[smem:$0x7FF] =	sst s3;
	s9 =	sand.u32 $0x1, s4  }
0x6: {  	s4 =	stileid.u32;
	s10 =	smul.u32 $0x28000, s9  }
0x7: {  	s5 =	sadd.s32 $0x11400, s8;
	s6 =	sadd.s32 $0x7400, s8;
	s12 =	smul.u32 $0x280, s4  }
0x8: {  	s7 =	sadd.s32 $0x1B400, s8;
	_ =	strace $0x80000047;
	s25 =	smul.u32 $0x50000, s4  }
0x9: {  	s11 =	ssub.s32 $0x2, s9;
	s26 =	sshll.u32 s9, $0x4;
	s20 =	smul.u32 $0x2800, s4  }
0xa: {  	s24 =	sshrl.u32 s11, $0x1;
	s13 =	sor.u32 s4, s26;
	s14 =	sadd.s32 s10, s8  }
0xb: {  	s15 =	ssub.s32 s11, s24;
	s16 =	sadd.s32 $0x80, s12;
	s28 =	sshrl.u32 s25, $0x2  }
0xc: {  	s17 =	sadd.s32 $0x100, s12;
	s18 =	sadd.s32 $0x180, s12;
	s19 =	sadd.s32 $0x200, s12  }
0xd: {  	s13 =	smul.u32 $0x2800, s13;
	s29 =	sshll.u32 s16, $0x7;
	s8 =	sadd.s32 s28, s2  }
0xe: {  	s30 =	sshll.u32 s17, $0x7;
	s31 =	sshll.u32 s18, $0x7;
	s12 =	sshll.u32 s19, $0x7  }
0xf: {  	s24 =	sadd.s32 $0x1BC00, s14;
	s21 =	sshll.u32 s16, $0x4;
	s22 =	sshll.u32 s17, $0x4  }
0x10: {  	s23 =	sshll.u32 s18, $0x4;
	s25 =	sshll.u32 s19, $0x4;
	s14 =	smax.u32 s15, $0x1  }
0x11: {  	s15 =	simm.s32 $0x4100;
	s16 =	simm.s32 $0x2;
	s17 =	simm.s32 $0x80  }
0x12: {  	s18 =	simm.s32 $0x100;
	s19 =	simm.s32 $0x1;
	s9 =	sadd.s32 s29, s2  }
0x13: {  	s10 =	sadd.s32 s30, s2;
	s11 =	sadd.s32 s31, s2;
	s12 =	sadd.s32 s12, s2  }
0x14: {  	s20 =	sadd.s32 s20, s24;
	s21 =	sadd.s32 s21, s24;
	s22 =	sadd.s32 s22, s24  }
0x15: {  	s23 =	sadd.s32 s23, s24;
	s24 =	sadd.s32 s25, s24;
	s25 =	simm.s32 $0x0  }
.LBB2_1:
0x16: {  	[tilespmem:s15], [sflag:$0x2] =	stream.linear.gather [hbm4b:s7+s3], $0x4000, $0x38;
	[tilespmem:$0x1C100] =	vst v63  }
0x17: {  	_ =	swait.ge [sflag:s16], $0x4000  }
0x18: {  	[sflag:s16] =	ssyncset.done $0x0  }
0x19: {  	[sflag:s16] =	ssyncadd.s32 $0xFFFFC000  }
0x1a: {  	[spmem:s8] =	stream.linear.scatter [tilespmem:s15], [sflag:$0x2], $0x4000, $0x38;
	[tilespmem:$0x1C100] =	vst v63  }
0x1b: {  	_ =	swait.ge [sflag:s16], $0x4000  }
0x1c: {  	[sflag:s16] =	ssyncset.done $0x0  }
0x1d: {  	[sflag:s16] =	ssyncadd.s32 $0xFFFFC000  }
0x1e: {  	[spmem:s9] =	stream.linear.scatter [tilespmem:s15], [sflag:$0x2], $0x4000, $0x38;
	[tilespmem:$0x1C100] =	vst v63  }
0x1f: {  	_ =	swait.ge [sflag:s16], $0x4000  }
0x20: {  	[sflag:s16] =	ssyncset.done $0x0  }
0x21: {  	[sflag:s16] =	ssyncadd.s32 $0xFFFFC000  }
0x22: {  	[spmem:s10] =	stream.linear.scatter [tilespmem:s15], [sflag:$0x2], $0x4000, $0x38;
	[tilespmem:$0x1C100] =	vst v63  }
0x23: {  	_ =	swait.ge [sflag:s16], $0x4000  }
0x24: {  	[sflag:s16] =	ssyncset.done $0x0  }
0x25: {  	[sflag:s16] =	ssyncadd.s32 $0xFFFFC000  }
0x26: {  	[spmem:s11] =	stream.linear.scatter [tilespmem:s15], [sflag:$0x2], $0x4000, $0x38;
	[tilespmem:$0x1C100] =	vst v63  }
0x27: {  	_ =	swait.ge [sflag:s16], $0x4000  }
0x28: {  	[sflag:s16] =	ssyncset.done $0x0  }
0x29: {  	s26 =	sand.u32 $0x3C00, s3;
	[sflag:s16] =	ssyncadd.s32 $0xFFFFC000  }
0x2a: {  	[spmem:s12] =	stream.linear.scatter [tilespmem:s15], [sflag:$0x2], $0x4000, $0x38;
	[tilespmem:$0x1C100] =	vst v63  }
0x2b: {  	s28 =	sand.u32 $0x380, s3;
	s26 =	sadd.s32 s13, s26;
	_ =	swait.ge [sflag:s16], $0x4000  }
0x2c: {  	s26 =	sor.u32 s28, s26;
	[sflag:s16] =	ssyncset.done $0x0  }
0x2d: {  	s26 =	sshrl.u32 s26, $0x3;
	[sflag:s16] =	ssyncadd.s32 $0xFFFFC000  }
0x2e: {  	s28 =	sadd.s32 s5, s26;
	[bflag:$0x0] =	sbarrier.arrive $0xFFFF  }
0x2f: {  	[tilespmem:s3], [sflag:$0x2] =	stream.linear.gather [hbm4b:s28+s3], $0x80, $0x38;
	[tilespmem:$0x1C100] =	vst v63  }
0x30: {  	_ =	swait.ge [sflag:s16], $0x80  }
0x31: {  	[sflag:s16] =	ssyncset.done $0x0  }
0x32: {  	s26 =	sadd.s32 s6, s26;
	[sflag:s16] =	ssyncadd.s32 $0xFFFFFF80  }
0x33: {  	[tilespmem:s17], [sflag:$0x2] =	stream.linear.gather [hbm4b:s26+s3], $0x80, $0x38;
	[tilespmem:$0x1C100] =	vst v63  }
0x34: {  	_ =	swait.ge [sflag:s16], $0x80  }
0x35: {  	[sflag:s16] =	ssyncset.done $0x0  }
0x36: {  	[sflag:s16] =	ssyncadd.s32 $0xFFFFFF80  }
0x37: {  	[tilespmem:s18], [sflag:$0x1] =	stream.indirect.gather [hbm4b:s1+s17], $0x80, s3, s17, $0xb8;
	[tilespmem:$0x1C100] =	vst v63  }
0x38: {  	_ =	swait.ge [sflag:s19], $0x4000  }
0x39: {  	s31 =	simm.s32 $0x80;
	[sflag:s19] =	ssyncset.done $0x0  }
0x3a: {  	s28 =	sand.u32 $0x3C00, s31;
	[sflag:s19] =	ssyncadd.s32 $0xFFFFC000  }
0x3b: {  	[spmem:s2] =	stream.indirect.scatter.add.f32 [tilespmem:s18], [sflag:$0x2], $0x80, s17, s17, $0xb8;
	[tilespmem:$0x1C100] =	vst v63  }
0x3c: {  	s29 =	sand.u32 $0x380, s31;
	s28 =	sadd.s32 s13, s28;
	_ =	swait.ge [sflag:s16], $0x4000  }
0x3d: {  	s28 =	sor.u32 s29, s28;
	s26 =	simm.s32 $0x100;
	[sflag:s16] =	ssyncset.done $0x0  }
.LBB2_2:
0x3e: {  	s28 =	sshrl.u32 s28, $0x3  }
0x3f: {  	[sflag:s16] =	ssyncadd.s32 $0xFFFFC000;
	s29 =	smov.u32 s26;
	s30 =	sadd.s32 $0x80, s26  }
0x40: {  	p0 =	sne.s32 s26, $0x2700;
	s26 =	sadd.s32 s5, s28  }
0x41: {  	[tilespmem:s3], [sflag:$0x2] =	stream.linear.gather [hbm4b:s26+s3], $0x80, $0x38;
	[tilespmem:$0x1C100] =	vst v63  }
0x42: {  	_ =	swait.ge [sflag:s16], $0x80  }
0x43: {  	[sflag:s16] =	ssyncset.done $0x0  }
0x44: {  	s26 =	sadd.s32 s6, s28;
	[sflag:s16] =	ssyncadd.s32 $0xFFFFFF80  }
0x45: {  	[tilespmem:s17], [sflag:$0x2] =	stream.linear.gather [hbm4b:s26+s3], $0x80, $0x38;
	[tilespmem:$0x1C100] =	vst v63  }
0x46: {  	_ =	swait.ge [sflag:s16], $0x80  }
0x47: {  	[sflag:s16] =	ssyncset.done $0x0  }
0x48: {  	[sflag:s16] =	ssyncadd.s32 $0xFFFFFF80  }
0x49: {  	[tilespmem:s18], [sflag:$0x1] =	stream.indirect.gather [hbm4b:s1+s17], $0x80, s3, s17, $0xb8;
	[tilespmem:$0x1C100] =	vst v63  }
0x4a: {  	_ =	swait.ge [sflag:s19], $0x4000  }
.Ltmp0:
0x4b: {  	[sflag:s19] =	ssyncset.done $0x0;
	(pc) =	sbr.rel @p0 .LBB2_2-.Ltmp0, $4  }
0x4c: {  	s26 =	sand.u32 $0x3C00, s29;
	[sflag:s19] =	ssyncadd.s32 $0xFFFFC000  }
0x4d: {  	[spmem:s2] =	stream.indirect.scatter.add.f32 [tilespmem:s18], [sflag:$0x2], $0x80, s17, s17, $0xb8;
	[tilespmem:$0x1C100] =	vst v63  }
0x4e: {  	s28 =	sand.u32 $0x380, s29;
	s26 =	sadd.s32 s13, s26;
	_ =	swait.ge [sflag:s16], $0x4000  }
0x4f: {  	s28 =	sor.u32 s28, s26;
	s26 =	smov.u32 s30;
	[sflag:s16] =	ssyncset.done $0x0  }
0x50: {  	s26 =	sshrl.u32 s28, $0x3  }
0x51: {  	[sflag:s16] =	ssyncadd.s32 $0xFFFFC000;
	s28 =	sadd.s32 s5, s26  }
0x52: {  	[tilespmem:s3], [sflag:$0x2] =	stream.linear.gather [hbm4b:s28+s3], $0x80, $0x38;
	[tilespmem:$0x1C100] =	vst v63  }
0x53: {  	_ =	swait.ge [sflag:s16], $0x80  }
0x54: {  	[sflag:s16] =	ssyncset.done $0x0  }
0x55: {  	s26 =	sadd.s32 s6, s26;
	[sflag:s16] =	ssyncadd.s32 $0xFFFFFF80  }
0x56: {  	[tilespmem:s17], [sflag:$0x2] =	stream.linear.gather [hbm4b:s26+s3], $0x80, $0x38;
	[tilespmem:$0x1C100] =	vst v63  }
0x57: {  	_ =	swait.ge [sflag:s16], $0x80  }
0x58: {  	[sflag:s16] =	ssyncset.done $0x0  }
0x59: {  	[sflag:s16] =	ssyncadd.s32 $0xFFFFFF80  }
0x5a: {  	[tilespmem:s18], [sflag:$0x1] =	stream.indirect.gather [hbm4b:s1+s17], $0x80, s3, s17, $0xb8;
	[tilespmem:$0x1C100] =	vst v63  }
0x5b: {  	_ =	swait.ge [sflag:s19], $0x4000  }
0x5c: {  	[sflag:s19] =	ssyncset.done $0x0  }
0x5d: {  	[sflag:s19] =	ssyncadd.s32 $0xFFFFC000  }
0x5e: {  	[spmem:s2] =	stream.indirect.scatter.add.f32 [tilespmem:s18], [sflag:$0x2], $0x80, s17, s17, $0xb8;
	[tilespmem:$0x1C100] =	vst v63  }
0x5f: {  	_ =	swait.ge [sflag:s16], $0x4000  }
0x60: {  	[sflag:s16] =	ssyncset.done $0x0  }
0x61: {  	s29 =	sshll.u32 s4, $0x6;
	[sflag:s16] =	ssyncadd.s32 $0xFFFFC000  }
0x62: {  	s30 =	sshrl.u32 s8, $0x3;
	s26 =	sor.u32 $0x1C02, s29;
	[bflag:$0x0] =	sbarrier.arrive $0xFFFF  }
0x63: {  	[hbm:s20], [sflag:s26] =	dma.local [spmem:s30], $0x800  }
0x64: {  	_ =	swait.ge [sflag:s16], $0x800  }
0x65: {  	[sflag:s16] =	ssyncset.done $0x0  }
0x66: {  	s31 =	sshrl.u32 s9, $0x3;
	[sflag:s16] =	ssyncadd.s32 $0xFFFFF800  }
0x67: {  	[hbm:s21], [sflag:s26] =	dma.local [spmem:s31], $0x800  }
0x68: {  	_ =	swait.ge [sflag:s16], $0x800  }
0x69: {  	[sflag:s16] =	ssyncset.done $0x0  }
0x6a: {  	s29 =	sshrl.u32 s10, $0x3;
	[sflag:s16] =	ssyncadd.s32 $0xFFFFF800  }
0x6b: {  	[hbm:s22], [sflag:s26] =	dma.local [spmem:s29], $0x800  }
0x6c: {  	_ =	swait.ge [sflag:s16], $0x800  }
0x6d: {  	[sflag:s16] =	ssyncset.done $0x0  }
0x6e: {  	s30 =	sshrl.u32 s11, $0x3;
	[sflag:s16] =	ssyncadd.s32 $0xFFFFF800  }
0x6f: {  	[hbm:s23], [sflag:s26] =	dma.local [spmem:s30], $0x800  }
0x70: {  	s25 =	sadd.s32 $0x1, s25;
	_ =	swait.ge [sflag:s16], $0x800  }
0x71: {  	p0 =	sne.s32 s25, s14;
	[sflag:s16] =	ssyncset.done $0x0  }
.Ltmp1:
0x72: {  	s31 =	sshrl.u32 s12, $0x3;
	[sflag:s16] =	ssyncadd.s32 $0xFFFFF800;
	(pc) =	sbr.rel @p0 .LBB2_1-.Ltmp1, $4  }
0x73: {  	[hbm:s24], [sflag:s26] =	dma.local [spmem:s31], $0x800  }
0x74: {  	_ =	swait.ge [sflag:s16], $0x800  }
0x75: {  	[sflag:s16] =	ssyncset.done $0x0  }
0x76: {  	[sflag:s16] =	ssyncadd.s32 $0xFFFFF800  }
0x77: {  	_ =	sfence.sel $0x180000  }
0x78: {  	[bflag:$0x0] =	sbarrier.arrive $0xFFFF  }
0x79: {  	p0 =	sne.s32 s4, $0x0;
	_ =	strace $0x90000047  }
0x7a: {  	s0 =	sadd.s32 @!p0 $0x100000, s0;
	[bflag:$0x2] =	sbarrier.arrive $0xFFFF  }
0x7b: {  	[sflag:s0] =	ssyncadd.tile.s32 @!p0 $0x1;
	_ =	shalt  }
.Lfunc_end2:
_tile_overlayer_lowered:
.L_overlay_start_2:
0x7c: {  	(tag) =	ssettag $0x2  }
0x7d: {  	s0 =	rddreg [dreg:$0x0];
	s2 =	stileid.u32  }
0x7e: {  	s1 =	rddreg [dreg:$0x1];
	p0 =	sne.s32 s2, $0x0  }
0x7f: {  	s3 =	rddreg [dreg:$0x2];
	[bflag:$0x3] =	sbarrier.arrive $0xFFFF;
	s2 =	simm.s32 @!p0 $0x1C02  }
0x80: {  	[timem:s3], [sflag:s2] =	dma.local @!p0 [hbm:s0], s1  }
0x81: {  	s0 =	simm.s32 @!p0 $0x2  }
0x82: {  	_ =	swait.ge @!p0 [sflag:s0], s1  }
0x83: {  	s1 =	ssub.s32 @!p0 $0x0, s1;
	[sflag:s0] =	ssyncset.done @!p0 $0x0  }
0x84: {  	[sflag:s0] =	ssyncadd.s32 @!p0 s1  }
0x85: {  	[bflag:$0x3] =	sbarrier.arrive $0xFFFF  }
0x86: {  	_ =	shalt  }

// kernel: kernel.16.cloned.1.call-start
scs
__scs_entry_jumppad:
0x0: {  	(pc) =	sbr.rel $0x88, $3  }
0x1: {  	(tag) =	ssettag $0x0;
	lr =	simm.s32 $0x1  }
0x2: {  	[smem:$0x3F7C] =	sst lr;
	_ =	strace $0xD0000000  }
0x3: {  	_ = 	snop  }
0x4: {  	_ = 	snop  }
0x5: {  	_ = 	snop  }
0x6: {  	_ = 	snop  }
0x7: {  	_ = 	snop  }
__scs_overlays_trampoline_lowered:
0x8: {  	[smem:$0x3F8B] =	sst s0  }
0x9: {  	[smem:$0x3F8C] =	sst s1  }
0xa: {  	[smem:$0x3F8D] =	sst s2  }
0xb: {  	[smem:$0x3F8E] =	sst s3  }
0xc: {  	[smem:$0x3F8F] =	sst s4  }
0xd: {  	[smem:$0x3F90] =	sst s5  }
0xe: {  	[smem:$0x3F91] =	sst s6  }
0xf: {  	[smem:$0x3F92] =	sst s7  }
0x10: {  	[smem:$0x3F93] =	sst s8  }
0x11: {  	[smem:$0x3F94] =	sst s9;
	s0 =	simm.s32 @!p0 $0x0  }
0x12: {  	s1 =	sld [smem:$0x3F7A];
	s0 =	simm.s32 @p0 $0x1  }
0x13: {  	[smem:$0x3F95] =	sst s0;
	s0 =	simm.s32 @!p1 $0x0  }
0x14: {  	s2 =	sld [smem:$0x3F79];
	s0 =	simm.s32 @p1 $0x1  }
0x15: {  	[smem:$0x3F96] =	sst s0;
	s0 =	simm.s32 @!p2 $0x0  }
0x16: {  	s3 =	sld [smem:$0x3FDB];
	s0 =	simm.s32 @p2 $0x1  }
0x17: {  	s4 =	simm.s32 $0x1BF5;
	[smem:$0x3F98] =	sst s0  }
0x18: {  	s0 =	sld [smem:$0x3F7B];
	_ =	swait.ge [sflag:s4], $0x0  }
0x19: {  	s7 =	sld [smem:$0x3F7C]  }
0x1a: {  	s8 =	sadd.s32 $0xFFFFE003, lr  }
0x1b: {  	s9 =	sadd.s32 $0xFFFFFEF7, lr;
	s5 =	simm.s32 $0xFFFFFFFF;
	p2 =	slt.u32 s8, $0xFFFFF086  }
0x1c: {  	p1 =	slt.u32 s9, $0xF7A;
	s5 =	simm.s32 @!p2 $0x0  }
0x1d: {  	s5 =	simm.s32 @p1 $0x1;
	p0 =	seq.s32 s7, s2  }
0x1e: {  	s7 =	smul.u32 @!p0 $0xF7A, s2;
	p2 =	seq.s32 @!p0 s5, $0x0  }
0x1f: {  	s9 =	smul.u32 $0xF7A, s1;
	s8 =	simm.s32 @!p0 $0x1BF5;
	p2 =	por !p2, p0  }
0x20: {  	[sflag:s8] =	ssyncset.s32 @!p0 $0xFFFFF086;
	s6 =	sadd.s32 @!p0 s3, s7;
	s7 =	simm.s32 @!p0 $0x108  }
0x21: {  	s3 =	sadd.s32 s3, s9;
	s6 =	sadd.s32 @!p0 $0x88, s6;
	s7 =	simm.s32 @p2 $0x1082  }
0x22: {  	[simem:s7], [sflag:s8] =	dma.local @!p0 [hbm:s6], $0xF7A  }
0x23: {  	s9 =	sor.u32 $0xD0000000, s2;
	s6 =	simm.s32 $0x108;
	_ =	swait.ge @!p0 [sflag:s8], $0x0  }
0x24: {  	s3 =	sadd.s32 $0x88, s3;
	s6 =	simm.s32 @!p1 $0x1082;
	[sflag:s4] =	ssyncset.s32 $0xFFFFF086  }
0x25: {  	[simem:s6], [sflag:s4] =	dma.local [hbm:s3], $0xF7A  }
0x26: {  	[smem:$0x3F7C] =	sst s1;
	(tag) =	ssettag s2;
	_ =	strace s9  }
0x27: {  	s1 =	sld [smem:$0x3F8C]  }
0x28: {  	s2 =	sld [smem:$0x3F8D]  }
0x29: {  	s4 =	sld [smem:$0x3F8F]  }
0x2a: {  	p0 =	seq.s32 s5, $0x0;
	s5 =	sld [smem:$0x3F90]  }
0x2b: {  	s6 =	sld [smem:$0x3F91]  }
0x2c: {  	s7 =	sld [smem:$0x3F92]  }
0x2d: {  	s3 =	simm.s32 $0x108;
	s8 =	sld [smem:$0x3F93]  }
0x2e: {  	s3 =	simm.s32 @!p0 $0x1082;
	s9 =	sld [smem:$0x3F94]  }
0x2f: {  	lr =	sadd.s32 s0, s3;
	s0 =	sld [smem:$0x3F8B]  }
0x30: {  	s3 =	sld [smem:$0x3F8E]  }
0x31: {  	[smem:$0x3F97] =	sst s10  }
0x32: {  	s10 =	sld [smem:$0x3F95];
	_ =	sdelay $0x3  }
0x33: {  	p0 =	seq.s32 s10, $0x1;
	s10 =	sld [smem:$0x3F97];
	_ =	sdelay $0x3  }
0x34: {  	[smem:$0x3F97] =	sst s10  }
0x35: {  	s10 =	sld [smem:$0x3F96];
	_ =	sdelay $0x3  }
0x36: {  	p1 =	seq.s32 s10, $0x1;
	s10 =	sld [smem:$0x3F97];
	_ =	sdelay $0x3  }
0x37: {  	[smem:$0x3F97] =	sst s10  }
0x38: {  	s10 =	sld [smem:$0x3F98]  }
0x39: {  	_ = 	snop;
	(pc) =	sbr.ind lr, $3  }
0x3a: {  	_ = 	snop  }
0x3b: {  	_ = 	snop  }
0x3c: {  	p2 =	seq.s32 s10, $0x1;
	s10 =	sld [smem:$0x3F97]  }
0x3d: {  	_ =	shalt  }
0x3e: {  	_ =	shalt  }
0x3f: {  	_ =	shalt  }
0x40: {  	_ =	shalt  }
0x41: {  	_ =	shalt  }
0x42: {  	_ =	shalt  }
0x43: {  	_ =	shalt  }
0x44: {  	_ =	shalt  }
0x45: {  	_ =	shalt  }
0x46: {  	_ =	shalt  }
0x47: {  	_ =	shalt  }
0x48: {  	_ =	shalt  }
0x49: {  	_ =	shalt  }
0x4a: {  	_ =	shalt  }
0x4b: {  	_ =	shalt  }
0x4c: {  	_ =	shalt  }
0x4d: {  	_ =	shalt  }
0x4e: {  	_ =	shalt  }
0x4f: {  	_ =	shalt  }
0x50: {  	_ =	shalt  }
0x51: {  	_ =	shalt  }
0x52: {  	_ =	shalt  }
0x53: {  	_ =	shalt  }
0x54: {  	_ =	shalt  }
0x55: {  	_ =	shalt  }
0x56: {  	_ =	shalt  }
0x57: {  	_ =	shalt  }
0x58: {  	_ =	shalt  }
0x59: {  	_ =	shalt  }
0x5a: {  	_ =	shalt  }
0x5b: {  	_ =	shalt  }
0x5c: {  	_ =	shalt  }
0x5d: {  	_ =	shalt  }
0x5e: {  	_ =	shalt  }
0x5f: {  	_ =	shalt  }
0x60: {  	_ =	shalt  }
0x61: {  	_ =	shalt  }
0x62: {  	_ =	shalt  }
0x63: {  	_ =	shalt  }
0x64: {  	_ =	shalt  }
0x65: {  	_ =	shalt  }
0x66: {  	_ =	shalt  }
0x67: {  	_ =	shalt  }
0x68: {  	_ =	shalt  }
0x69: {  	_ =	shalt  }
0x6a: {  	_ =	shalt  }
0x6b: {  	_ =	shalt  }
0x6c: {  	_ =	shalt  }
0x6d: {  	_ =	shalt  }
0x6e: {  	_ =	shalt  }
0x6f: {  	_ =	shalt  }
0x70: {  	_ =	shalt  }
0x71: {  	_ =	shalt  }
0x72: {  	_ =	shalt  }
0x73: {  	_ =	shalt  }
0x74: {  	_ =	shalt  }
0x75: {  	_ =	shalt  }
0x76: {  	_ =	shalt  }
0x77: {  	_ =	shalt  }
0x78: {  	_ =	shalt  }
0x79: {  	_ =	shalt  }
0x7a: {  	_ =	shalt  }
0x7b: {  	_ =	shalt  }
0x7c: {  	_ =	shalt  }
0x7d: {  	_ =	shalt  }
0x7e: {  	_ =	shalt  }
0x7f: {  	_ =	shalt  }
0x80: {  	_ =	shalt  }
0x81: {  	_ =	shalt  }
0x82: {  	_ =	shalt  }
0x83: {  	_ =	shalt  }
0x84: {  	_ =	shalt  }
0x85: {  	_ =	shalt  }
0x86: {  	_ =	shalt  }
0x87: {  	_ =	shalt  }
.Lfunc_end0:
.L_simem_size_0:
called_computation.1_lowered:
.L_overlay_start_0:
0x88: {  	s2 =	sld [smem:$0x3FD9]  }
0x89: {  	s3 =	sld [smem:$0x3FFE];
	_ =	sdelay $0x1  }
0x8a: {  	s1 =	srdreg.scid  }
0x8b: {  	s0 =	sand.u32 $0x1, s1  }
0x8c: {  	s16 =	sshll.u32 s0, $0xA;
	s2 =	sadd.s32 s3, s2  }
0x8d: {  	s2 =	sadd.s32 s2, s16  }
0x8e: {  	[smem:$0x3FA3] =	sst s2  }
0x8f: {  	_ = 	snop  }
0x90: {  	(tm) =	ssettm $0x1  }
0x91: {  	s17 =	sld [smem:$0x3FFB];
	_ =	sdelay $0x3  }
0x92: {  	_ =	strace s17  }
0x93: {  	s2 =	sld [smem:$0x3FFC];
	_ =	sdelay $0x3  }
0x94: {  	_ =	strace s2  }
0x95: {  	s2 =	sld [smem:$0x3FFD];
	_ =	sdelay $0x3  }
0x96: {  	_ =	strace s2  }
0x97: {  	_ =	strace $0x8FFFFFFF  }
0x98: {  	s18 =	sld [smem:$0x3FDB];
	_ =	sdelay $0x1  }
0x99: {  	s19 =	simm.s32 $_scs_section_size  }
0x9a: {  	s4 =	simm.s32 $_size__tile_overlayer_lowered;
	s5 =	simm.s32 $_tile_overlayer_lowered  }
0x9b: {  	s22 =	simm.s32 $0x1BFF;
	s21 =	sshll.u32 s5, $0x1;
	s2 =	sadd.s32 s19, s18  }
0x9c: {  	s6 =	simm.s32 $0x0;
	s20 =	sshll.u32 s4, $0x1;
	s4 =	sadd.s32 s21, s2  }
0x9d: {  	[timem:s6], [sflag:s22] =	dma.local [hbm:s4], s20  }
0x9e: {  	_ =	swait.ge [sflag:s22], s20  }
0x9f: {  	s3 =	ssub.s32 $0x0, s20;
	[sflag:s22] =	ssyncset.done $0x0  }
0xa0: {  	[sflag:s22] =	ssyncadd.s32 s3;
	_ =	sdelay $0x1  }
0xa1: {  	s23 =	simm.s32 $0x1B8B  }
0xa2: {  	_ =	swait.ge [sflag:s23], $0x1  }
0xa3: {  	[sflag:s23] =	ssyncset.done $0x0  }
0xa4: {  	s25 =	simm.s32 $0x1B8E;
	s24 =	sld [smem:$0x3FFE];
	[sflag:s23] =	ssyncadd.s32 $0xFFFFFFFF  }
0xa5: {  	s26 =	simm.s32 $execute0_lowered;
	[smem:$0x3FD2] =	sst s25  }
0xa6: {  	s4 =	sshll.u32 s26, $0x1;
	_ =	strace $0x80000049;
	[dreg:$0x1] =	wrdreg $0xFFFFFFFF  }
0xa7: {  	s28 =	simm.s32 $_size_execute0_lowered;
	s2 =	sadd.s32 s2, s4;
	[dreg:$0x0] =	wrdreg $0x0  }
0xa8: {  	s4 =	sshll.u32 s28, $0x1;
	[dreg:$0x2] =	wrdreg s2  }
0xa9: {  	[dreg:$0x3] =	wrdreg s4  }
0xaa: {  	[dreg:$0x4] =	wrdreg $0xC0  }
0xab: {  	_ =	task [dreg:s6], $0x5FFFF  }
0xac: {  	[dreg:$0x1] =	wrdreg $0xFFFFFFFF  }
0xad: {  	[dreg:$0x0] =	wrdreg $0x60  }
0xae: {  	[dreg:$0x2] =	wrdreg s24  }
0xaf: {  	[dreg:$0x3] =	wrdreg $0x81000  }
0xb0: {  	[dreg:$0x4] =	wrdreg $0x9  }
0xb1: {  	_ =	task.clear_ibuf [dreg:s6], $0x5FFFF;
	_ =	strace $0x90000049  }
0xb2: {  	s29 =	simm.s32 $0x9;
	_ =	strace $0x8000004B  }
0xb3: {  	_ =	swait.ge [sflag:s29], $0x1  }
0xb4: {  	[sflag:s29] =	ssyncadd.s32 $0xFFFFFFFF  }
0xb5: {  	_ =	strace $0x9000004B  }
0xb6: {  	_ =	sfence  }
0xb7: {  	s30 =	sld [smem:$0x0];
	_ =	sdelay $0x2  }
0xb8: {  	s31 =	sshll.u32 s1, $0xD;
	s1 =	sshrl.u32 s1, $0x2  }
0xb9: {  	s3 =	sand.u32 $0x4000, s31;
	s1 =	sadd.s32 s1, s30  }
0xba: {  	s0 =	sor.u32 s3, s0;
	s1 =	sshll.u32 s1, $0x11  }
0xbb: {  	s0 =	sor.u32 s1, s0  }
0xbc: {  	s0 =	sadd.s32 $0x8F2B, s0  }
0xbd: {  	[sflag:s0] =	ssyncadd.remote.s32 $0x1  }
0xbe: {  	_ =	sfence.sel $0xFFFF  }
0xbf: {  	[dreg:$0x0] =	wrdreg $0xFFFFFFFF;
	(pc) =	sbr.abs _section_cstart, $3  }
0xc0: {  	[dreg:$0x1] =	wrdreg $0xFFFFFFFF  }
0xc1: {  	_ =	task.clear_ibuf [dreg:s6], $0x2FFFF;
	_ =	strace $0x9FFFFFFF  }
0xc2: {  	(tm) =	ssettm $0x7FFFFFFF  }
0xc3: {  	_ =	shalt  }
tec
execute0_lowered:
.L_overlay_start_1:
0x0: {  	(tag) =	ssettag $0x1  }
0x1: {  	s8 =	rddreg [dreg:$0x0]  }
0x2: {  	s1 =	rddreg [dreg:$0x1]  }
0x3: {  	s0 =	rddreg [dreg:$0x2];
	s2 =	simm.s32 $0x0;
	s4 =	srdreg.scid  }
0x4: {  	[smem:$0x7FF] =	sst s2;
	s9 =	sand.u32 $0x1, s4  }
0x5: {  	s3 =	sadd.s32 $0x1BC00, s8;
	s4 =	stileid.u32;
	s10 =	smul.u32 $0x28000, s9  }
0x6: {  	s5 =	sadd.s32 $0x11400, s8;
	s6 =	sadd.s32 $0x7400, s8;
	s12 =	smul.u32 $0x280, s4  }
0x7: {  	s7 =	sadd.s32 $0x1B400, s8;
	_ =	strace $0x8000004A;
	s25 =	smul.u32 $0x50000, s4  }
0x8: {  	s11 =	ssub.s32 $0x2, s9;
	s26 =	sshll.u32 s9, $0x4;
	s20 =	smul.u32 $0x2800, s4  }
0x9: {  	s24 =	sshrl.u32 s11, $0x1;
	s13 =	sor.u32 s4, s26;
	s14 =	sadd.s32 s10, s8  }
0xa: {  	s15 =	ssub.s32 s11, s24;
	s16 =	sadd.s32 $0x80, s12;
	s28 =	sshrl.u32 s25, $0x2  }
0xb: {  	s17 =	sadd.s32 $0x100, s12;
	s18 =	sadd.s32 $0x180, s12;
	s19 =	sadd.s32 $0x200, s12  }
0xc: {  	s13 =	smul.u32 $0x2800, s13;
	s29 =	sshll.u32 s16, $0x7;
	s8 =	sadd.s32 s28, s1  }
0xd: {  	s30 =	sshll.u32 s17, $0x7;
	s31 =	sshll.u32 s18, $0x7;
	s12 =	sshll.u32 s19, $0x7  }
0xe: {  	s24 =	sadd.s32 $0x42E00, s14;
	s21 =	sshll.u32 s16, $0x4;
	s22 =	sshll.u32 s17, $0x4  }
0xf: {  	s23 =	sshll.u32 s18, $0x4;
	s25 =	sshll.u32 s19, $0x4;
	s14 =	smax.u32 s15, $0x1  }
0x10: {  	s15 =	simm.s32 $0x4100;
	s16 =	simm.s32 $0x2;
	s17 =	simm.s32 $0x80  }
0x11: {  	s18 =	simm.s32 $0x100;
	s19 =	simm.s32 $0x1;
	s9 =	sadd.s32 s29, s1  }
0x12: {  	s10 =	sadd.s32 s30, s1;
	s11 =	sadd.s32 s31, s1;
	s12 =	sadd.s32 s12, s1  }
0x13: {  	s20 =	sadd.s32 s20, s24;
	s21 =	sadd.s32 s21, s24;
	s22 =	sadd.s32 s22, s24  }
0x14: {  	s23 =	sadd.s32 s23, s24;
	s24 =	sadd.s32 s25, s24;
	s25 =	simm.s32 $0x0  }
.LBB2_1:
0x15: {  	[tilespmem:s15], [sflag:$0x2] =	stream.linear.gather [hbm4b:s7+s2], $0x4000, $0x38;
	[tilespmem:$0x1C100] =	vst v63  }
0x16: {  	_ =	swait.ge [sflag:s16], $0x4000  }
0x17: {  	[sflag:s16] =	ssyncset.done $0x0  }
0x18: {  	[sflag:s16] =	ssyncadd.s32 $0xFFFFC000  }
0x19: {  	[spmem:s8] =	stream.linear.scatter [tilespmem:s15], [sflag:$0x2], $0x4000, $0x38;
	[tilespmem:$0x1C100] =	vst v63  }
0x1a: {  	_ =	swait.ge [sflag:s16], $0x4000  }
0x1b: {  	[sflag:s16] =	ssyncset.done $0x0  }
0x1c: {  	[sflag:s16] =	ssyncadd.s32 $0xFFFFC000  }
0x1d: {  	[spmem:s9] =	stream.linear.scatter [tilespmem:s15], [sflag:$0x2], $0x4000, $0x38;
	[tilespmem:$0x1C100] =	vst v63  }
0x1e: {  	_ =	swait.ge [sflag:s16], $0x4000  }
0x1f: {  	[sflag:s16] =	ssyncset.done $0x0  }
0x20: {  	[sflag:s16] =	ssyncadd.s32 $0xFFFFC000  }
0x21: {  	[spmem:s10] =	stream.linear.scatter [tilespmem:s15], [sflag:$0x2], $0x4000, $0x38;
	[tilespmem:$0x1C100] =	vst v63  }
0x22: {  	_ =	swait.ge [sflag:s16], $0x4000  }
0x23: {  	[sflag:s16] =	ssyncset.done $0x0  }
0x24: {  	[sflag:s16] =	ssyncadd.s32 $0xFFFFC000  }
0x25: {  	[spmem:s11] =	stream.linear.scatter [tilespmem:s15], [sflag:$0x2], $0x4000, $0x38;
	[tilespmem:$0x1C100] =	vst v63  }
0x26: {  	_ =	swait.ge [sflag:s16], $0x4000  }
0x27: {  	[sflag:s16] =	ssyncset.done $0x0  }
0x28: {  	s26 =	sand.u32 $0x3C00, s2;
	[sflag:s16] =	ssyncadd.s32 $0xFFFFC000  }
0x29: {  	[spmem:s12] =	stream.linear.scatter [tilespmem:s15], [sflag:$0x2], $0x4000, $0x38;
	[tilespmem:$0x1C100] =	vst v63  }
0x2a: {  	s28 =	sand.u32 $0x380, s2;
	s26 =	sadd.s32 s13, s26;
	_ =	swait.ge [sflag:s16], $0x4000  }
0x2b: {  	s26 =	sor.u32 s28, s26;
	[sflag:s16] =	ssyncset.done $0x0  }
0x2c: {  	s26 =	sshrl.u32 s26, $0x3;
	[sflag:s16] =	ssyncadd.s32 $0xFFFFC000  }
0x2d: {  	s28 =	sadd.s32 s5, s26;
	[bflag:$0x0] =	sbarrier.arrive $0xFFFF  }
0x2e: {  	[tilespmem:s2], [sflag:$0x2] =	stream.linear.gather [hbm4b:s28+s2], $0x80, $0x38;
	[tilespmem:$0x1C100] =	vst v63  }
0x2f: {  	_ =	swait.ge [sflag:s16], $0x80  }
0x30: {  	[sflag:s16] =	ssyncset.done $0x0  }
0x31: {  	s26 =	sadd.s32 s6, s26;
	[sflag:s16] =	ssyncadd.s32 $0xFFFFFF80  }
0x32: {  	[tilespmem:s17], [sflag:$0x2] =	stream.linear.gather [hbm4b:s26+s2], $0x80, $0x38;
	[tilespmem:$0x1C100] =	vst v63  }
0x33: {  	_ =	swait.ge [sflag:s16], $0x80  }
0x34: {  	[sflag:s16] =	ssyncset.done $0x0  }
0x35: {  	[sflag:s16] =	ssyncadd.s32 $0xFFFFFF80  }
0x36: {  	[tilespmem:s18], [sflag:$0x1] =	stream.indirect.gather [hbm4b:s3+s17], $0x80, s2, s17, $0xb8;
	[tilespmem:$0x1C100] =	vst v63  }
0x37: {  	_ =	swait.ge [sflag:s19], $0x4000  }
0x38: {  	s31 =	simm.s32 $0x80;
	[sflag:s19] =	ssyncset.done $0x0  }
0x39: {  	s28 =	sand.u32 $0x3C00, s31;
	[sflag:s19] =	ssyncadd.s32 $0xFFFFC000  }
0x3a: {  	[spmem:s1] =	stream.indirect.scatter.add.f32 [tilespmem:s18], [sflag:$0x2], $0x80, s17, s17, $0xb8;
	[tilespmem:$0x1C100] =	vst v63  }
0x3b: {  	s29 =	sand.u32 $0x380, s31;
	s28 =	sadd.s32 s13, s28;
	_ =	swait.ge [sflag:s16], $0x4000  }
0x3c: {  	s28 =	sor.u32 s29, s28;
	s26 =	simm.s32 $0x100;
	[sflag:s16] =	ssyncset.done $0x0  }
.LBB2_2:
0x3d: {  	s28 =	sshrl.u32 s28, $0x3  }
0x3e: {  	[sflag:s16] =	ssyncadd.s32 $0xFFFFC000;
	s29 =	smov.u32 s26;
	s30 =	sadd.s32 $0x80, s26  }
0x3f: {  	p0 =	sne.s32 s26, $0x2700;
	s26 =	sadd.s32 s5, s28  }
0x40: {  	[tilespmem:s2], [sflag:$0x2] =	stream.linear.gather [hbm4b:s26+s2], $0x80, $0x38;
	[tilespmem:$0x1C100] =	vst v63  }
0x41: {  	_ =	swait.ge [sflag:s16], $0x80  }
0x42: {  	[sflag:s16] =	ssyncset.done $0x0  }
0x43: {  	s26 =	sadd.s32 s6, s28;
	[sflag:s16] =	ssyncadd.s32 $0xFFFFFF80  }
0x44: {  	[tilespmem:s17], [sflag:$0x2] =	stream.linear.gather [hbm4b:s26+s2], $0x80, $0x38;
	[tilespmem:$0x1C100] =	vst v63  }
0x45: {  	_ =	swait.ge [sflag:s16], $0x80  }
0x46: {  	[sflag:s16] =	ssyncset.done $0x0  }
0x47: {  	[sflag:s16] =	ssyncadd.s32 $0xFFFFFF80  }
0x48: {  	[tilespmem:s18], [sflag:$0x1] =	stream.indirect.gather [hbm4b:s3+s17], $0x80, s2, s17, $0xb8;
	[tilespmem:$0x1C100] =	vst v63  }
0x49: {  	_ =	swait.ge [sflag:s19], $0x4000  }
.Ltmp0:
0x4a: {  	[sflag:s19] =	ssyncset.done $0x0;
	(pc) =	sbr.rel @p0 .LBB2_2-.Ltmp0, $4  }
0x4b: {  	s26 =	sand.u32 $0x3C00, s29;
	[sflag:s19] =	ssyncadd.s32 $0xFFFFC000  }
0x4c: {  	[spmem:s1] =	stream.indirect.scatter.add.f32 [tilespmem:s18], [sflag:$0x2], $0x80, s17, s17, $0xb8;
	[tilespmem:$0x1C100] =	vst v63  }
0x4d: {  	s28 =	sand.u32 $0x380, s29;
	s26 =	sadd.s32 s13, s26;
	_ =	swait.ge [sflag:s16], $0x4000  }
0x4e: {  	s28 =	sor.u32 s28, s26;
	s26 =	smov.u32 s30;
	[sflag:s16] =	ssyncset.done $0x0  }
0x4f: {  	s26 =	sshrl.u32 s28, $0x3  }
0x50: {  	[sflag:s16] =	ssyncadd.s32 $0xFFFFC000;
	s28 =	sadd.s32 s5, s26  }
0x51: {  	[tilespmem:s2], [sflag:$0x2] =	stream.linear.gather [hbm4b:s28+s2], $0x80, $0x38;
	[tilespmem:$0x1C100] =	vst v63  }
0x52: {  	_ =	swait.ge [sflag:s16], $0x80  }
0x53: {  	[sflag:s16] =	ssyncset.done $0x0  }
0x54: {  	s26 =	sadd.s32 s6, s26;
	[sflag:s16] =	ssyncadd.s32 $0xFFFFFF80  }
0x55: {  	[tilespmem:s17], [sflag:$0x2] =	stream.linear.gather [hbm4b:s26+s2], $0x80, $0x38;
	[tilespmem:$0x1C100] =	vst v63  }
0x56: {  	_ =	swait.ge [sflag:s16], $0x80  }
0x57: {  	[sflag:s16] =	ssyncset.done $0x0  }
0x58: {  	[sflag:s16] =	ssyncadd.s32 $0xFFFFFF80  }
0x59: {  	[tilespmem:s18], [sflag:$0x1] =	stream.indirect.gather [hbm4b:s3+s17], $0x80, s2, s17, $0xb8;
	[tilespmem:$0x1C100] =	vst v63  }
0x5a: {  	_ =	swait.ge [sflag:s19], $0x4000  }
0x5b: {  	[sflag:s19] =	ssyncset.done $0x0  }
0x5c: {  	[sflag:s19] =	ssyncadd.s32 $0xFFFFC000  }
0x5d: {  	[spmem:s1] =	stream.indirect.scatter.add.f32 [tilespmem:s18], [sflag:$0x2], $0x80, s17, s17, $0xb8;
	[tilespmem:$0x1C100] =	vst v63  }
0x5e: {  	_ =	swait.ge [sflag:s16], $0x4000  }
0x5f: {  	[sflag:s16] =	ssyncset.done $0x0  }
0x60: {  	s29 =	sshll.u32 s4, $0x6;
	[sflag:s16] =	ssyncadd.s32 $0xFFFFC000  }
0x61: {  	s30 =	sshrl.u32 s8, $0x3;
	s26 =	sor.u32 $0x1C02, s29;
	[bflag:$0x0] =	sbarrier.arrive $0xFFFF  }
0x62: {  	[hbm:s20], [sflag:s26] =	dma.local [spmem:s30], $0x800  }
0x63: {  	_ =	swait.ge [sflag:s16], $0x800  }
0x64: {  	[sflag:s16] =	ssyncset.done $0x0  }
0x65: {  	s31 =	sshrl.u32 s9, $0x3;
	[sflag:s16] =	ssyncadd.s32 $0xFFFFF800  }
0x66: {  	[hbm:s21], [sflag:s26] =	dma.local [spmem:s31], $0x800  }
0x67: {  	_ =	swait.ge [sflag:s16], $0x800  }
0x68: {  	[sflag:s16] =	ssyncset.done $0x0  }
0x69: {  	s29 =	sshrl.u32 s10, $0x3;
	[sflag:s16] =	ssyncadd.s32 $0xFFFFF800  }
0x6a: {  	[hbm:s22], [sflag:s26] =	dma.local [spmem:s29], $0x800  }
0x6b: {  	_ =	swait.ge [sflag:s16], $0x800  }
0x6c: {  	[sflag:s16] =	ssyncset.done $0x0  }
0x6d: {  	s30 =	sshrl.u32 s11, $0x3;
	[sflag:s16] =	ssyncadd.s32 $0xFFFFF800  }
0x6e: {  	[hbm:s23], [sflag:s26] =	dma.local [spmem:s30], $0x800  }
0x6f: {  	s25 =	sadd.s32 $0x1, s25;
	_ =	swait.ge [sflag:s16], $0x800  }
0x70: {  	p0 =	sne.s32 s25, s14;
	[sflag:s16] =	ssyncset.done $0x0  }
.Ltmp1:
0x71: {  	s31 =	sshrl.u32 s12, $0x3;
	[sflag:s16] =	ssyncadd.s32 $0xFFFFF800;
	(pc) =	sbr.rel @p0 .LBB2_1-.Ltmp1, $4  }
0x72: {  	[hbm:s24], [sflag:s26] =	dma.local [spmem:s31], $0x800  }
0x73: {  	_ =	swait.ge [sflag:s16], $0x800  }
0x74: {  	[sflag:s16] =	ssyncset.done $0x0  }
0x75: {  	[sflag:s16] =	ssyncadd.s32 $0xFFFFF800  }
0x76: {  	_ =	sfence.sel $0x180000  }
0x77: {  	[bflag:$0x0] =	sbarrier.arrive $0xFFFF  }
0x78: {  	p0 =	sne.s32 s4, $0x0;
	_ =	strace $0x9000004A  }
0x79: {  	s0 =	sadd.s32 @!p0 $0x100000, s0;
	[bflag:$0x2] =	sbarrier.arrive $0xFFFF  }
0x7a: {  	[sflag:s0] =	ssyncadd.tile.s32 @!p0 $0x1;
	_ =	shalt  }
.Lfunc_end2:
_tile_overlayer_lowered:
.L_overlay_start_2:
0x7b: {  	(tag) =	ssettag $0x2  }
0x7c: {  	s0 =	rddreg [dreg:$0x0];
	s2 =	stileid.u32  }
0x7d: {  	s1 =	rddreg [dreg:$0x1];
	p0 =	sne.s32 s2, $0x0  }
0x7e: {  	s3 =	rddreg [dreg:$0x2];
	[bflag:$0x3] =	sbarrier.arrive $0xFFFF;
	s2 =	simm.s32 @!p0 $0x1C02  }
0x7f: {  	[timem:s3], [sflag:s2] =	dma.local @!p0 [hbm:s0], s1  }
0x80: {  	s0 =	simm.s32 @!p0 $0x2  }
0x81: {  	_ =	swait.ge @!p0 [sflag:s0], s1  }
0x82: {  	s1 =	ssub.s32 @!p0 $0x0, s1;
	[sflag:s0] =	ssyncset.done @!p0 $0x0  }
0x83: {  	[sflag:s0] =	ssyncadd.s32 @!p0 s1  }
0x84: {  	[bflag:$0x3] =	sbarrier.arrive $0xFFFF  }
0x85: {  	_ =	shalt  }

// kernel: kernel.19.cloned.1.call-start
scs
__scs_entry_jumppad:
0x0: {  	(pc) =	sbr.rel $0x88, $3  }
0x1: {  	(tag) =	ssettag $0x0;
	lr =	simm.s32 $0x1  }
0x2: {  	[smem:$0x3F7C] =	sst lr;
	_ =	strace $0xD0000000  }
0x3: {  	_ = 	snop  }
0x4: {  	_ = 	snop  }
0x5: {  	_ = 	snop  }
0x6: {  	_ = 	snop  }
0x7: {  	_ = 	snop  }
__scs_overlays_trampoline_lowered:
0x8: {  	[smem:$0x3F8B] =	sst s0  }
0x9: {  	[smem:$0x3F8C] =	sst s1  }
0xa: {  	[smem:$0x3F8D] =	sst s2  }
0xb: {  	[smem:$0x3F8E] =	sst s3  }
0xc: {  	[smem:$0x3F8F] =	sst s4  }
0xd: {  	[smem:$0x3F90] =	sst s5  }
0xe: {  	[smem:$0x3F91] =	sst s6  }
0xf: {  	[smem:$0x3F92] =	sst s7  }
0x10: {  	[smem:$0x3F93] =	sst s8  }
0x11: {  	[smem:$0x3F94] =	sst s9;
	s0 =	simm.s32 @!p0 $0x0  }
0x12: {  	s1 =	sld [smem:$0x3F7A];
	s0 =	simm.s32 @p0 $0x1  }
0x13: {  	[smem:$0x3F95] =	sst s0;
	s0 =	simm.s32 @!p1 $0x0  }
0x14: {  	s2 =	sld [smem:$0x3F79];
	s0 =	simm.s32 @p1 $0x1  }
0x15: {  	[smem:$0x3F96] =	sst s0;
	s0 =	simm.s32 @!p2 $0x0  }
0x16: {  	s3 =	sld [smem:$0x3FDB];
	s0 =	simm.s32 @p2 $0x1  }
0x17: {  	s4 =	simm.s32 $0x1BF5;
	[smem:$0x3F98] =	sst s0  }
0x18: {  	s0 =	sld [smem:$0x3F7B];
	_ =	swait.ge [sflag:s4], $0x0  }
0x19: {  	s7 =	sld [smem:$0x3F7C]  }
0x1a: {  	s8 =	sadd.s32 $0xFFFFE003, lr  }
0x1b: {  	s9 =	sadd.s32 $0xFFFFFEF7, lr;
	s5 =	simm.s32 $0xFFFFFFFF;
	p2 =	slt.u32 s8, $0xFFFFF086  }
0x1c: {  	p1 =	slt.u32 s9, $0xF7A;
	s5 =	simm.s32 @!p2 $0x0  }
0x1d: {  	s5 =	simm.s32 @p1 $0x1;
	p0 =	seq.s32 s7, s2  }
0x1e: {  	s7 =	smul.u32 @!p0 $0xF7A, s2;
	p2 =	seq.s32 @!p0 s5, $0x0  }
0x1f: {  	s9 =	smul.u32 $0xF7A, s1;
	s8 =	simm.s32 @!p0 $0x1BF5;
	p2 =	por !p2, p0  }
0x20: {  	[sflag:s8] =	ssyncset.s32 @!p0 $0xFFFFF086;
	s6 =	sadd.s32 @!p0 s3, s7;
	s7 =	simm.s32 @!p0 $0x108  }
0x21: {  	s3 =	sadd.s32 s3, s9;
	s6 =	sadd.s32 @!p0 $0x88, s6;
	s7 =	simm.s32 @p2 $0x1082  }
0x22: {  	[simem:s7], [sflag:s8] =	dma.local @!p0 [hbm:s6], $0xF7A  }
0x23: {  	s9 =	sor.u32 $0xD0000000, s2;
	s6 =	simm.s32 $0x108;
	_ =	swait.ge @!p0 [sflag:s8], $0x0  }
0x24: {  	s3 =	sadd.s32 $0x88, s3;
	s6 =	simm.s32 @!p1 $0x1082;
	[sflag:s4] =	ssyncset.s32 $0xFFFFF086  }
0x25: {  	[simem:s6], [sflag:s4] =	dma.local [hbm:s3], $0xF7A  }
0x26: {  	[smem:$0x3F7C] =	sst s1;
	(tag) =	ssettag s2;
	_ =	strace s9  }
0x27: {  	s1 =	sld [smem:$0x3F8C]  }
0x28: {  	s2 =	sld [smem:$0x3F8D]  }
0x29: {  	s4 =	sld [smem:$0x3F8F]  }
0x2a: {  	p0 =	seq.s32 s5, $0x0;
	s5 =	sld [smem:$0x3F90]  }
0x2b: {  	s6 =	sld [smem:$0x3F91]  }
0x2c: {  	s7 =	sld [smem:$0x3F92]  }
0x2d: {  	s3 =	simm.s32 $0x108;
	s8 =	sld [smem:$0x3F93]  }
0x2e: {  	s3 =	simm.s32 @!p0 $0x1082;
	s9 =	sld [smem:$0x3F94]  }
0x2f: {  	lr =	sadd.s32 s0, s3;
	s0 =	sld [smem:$0x3F8B]  }
0x30: {  	s3 =	sld [smem:$0x3F8E]  }
0x31: {  	[smem:$0x3F97] =	sst s10  }
0x32: {  	s10 =	sld [smem:$0x3F95];
	_ =	sdelay $0x3  }
0x33: {  	p0 =	seq.s32 s10, $0x1;
	s10 =	sld [smem:$0x3F97];
	_ =	sdelay $0x3  }
0x34: {  	[smem:$0x3F97] =	sst s10  }
0x35: {  	s10 =	sld [smem:$0x3F96];
	_ =	sdelay $0x3  }
0x36: {  	p1 =	seq.s32 s10, $0x1;
	s10 =	sld [smem:$0x3F97];
	_ =	sdelay $0x3  }
0x37: {  	[smem:$0x3F97] =	sst s10  }
0x38: {  	s10 =	sld [smem:$0x3F98]  }
0x39: {  	_ = 	snop;
	(pc) =	sbr.ind lr, $3  }
0x3a: {  	_ = 	snop  }
0x3b: {  	_ = 	snop  }
0x3c: {  	p2 =	seq.s32 s10, $0x1;
	s10 =	sld [smem:$0x3F97]  }
0x3d: {  	_ =	shalt  }
0x3e: {  	_ =	shalt  }
0x3f: {  	_ =	shalt  }
0x40: {  	_ =	shalt  }
0x41: {  	_ =	shalt  }
0x42: {  	_ =	shalt  }
0x43: {  	_ =	shalt  }
0x44: {  	_ =	shalt  }
0x45: {  	_ =	shalt  }
0x46: {  	_ =	shalt  }
0x47: {  	_ =	shalt  }
0x48: {  	_ =	shalt  }
0x49: {  	_ =	shalt  }
0x4a: {  	_ =	shalt  }
0x4b: {  	_ =	shalt  }
0x4c: {  	_ =	shalt  }
0x4d: {  	_ =	shalt  }
0x4e: {  	_ =	shalt  }
0x4f: {  	_ =	shalt  }
0x50: {  	_ =	shalt  }
0x51: {  	_ =	shalt  }
0x52: {  	_ =	shalt  }
0x53: {  	_ =	shalt  }
0x54: {  	_ =	shalt  }
0x55: {  	_ =	shalt  }
0x56: {  	_ =	shalt  }
0x57: {  	_ =	shalt  }
0x58: {  	_ =	shalt  }
0x59: {  	_ =	shalt  }
0x5a: {  	_ =	shalt  }
0x5b: {  	_ =	shalt  }
0x5c: {  	_ =	shalt  }
0x5d: {  	_ =	shalt  }
0x5e: {  	_ =	shalt  }
0x5f: {  	_ =	shalt  }
0x60: {  	_ =	shalt  }
0x61: {  	_ =	shalt  }
0x62: {  	_ =	shalt  }
0x63: {  	_ =	shalt  }
0x64: {  	_ =	shalt  }
0x65: {  	_ =	shalt  }
0x66: {  	_ =	shalt  }
0x67: {  	_ =	shalt  }
0x68: {  	_ =	shalt  }
0x69: {  	_ =	shalt  }
0x6a: {  	_ =	shalt  }
0x6b: {  	_ =	shalt  }
0x6c: {  	_ =	shalt  }
0x6d: {  	_ =	shalt  }
0x6e: {  	_ =	shalt  }
0x6f: {  	_ =	shalt  }
0x70: {  	_ =	shalt  }
0x71: {  	_ =	shalt  }
0x72: {  	_ =	shalt  }
0x73: {  	_ =	shalt  }
0x74: {  	_ =	shalt  }
0x75: {  	_ =	shalt  }
0x76: {  	_ =	shalt  }
0x77: {  	_ =	shalt  }
0x78: {  	_ =	shalt  }
0x79: {  	_ =	shalt  }
0x7a: {  	_ =	shalt  }
0x7b: {  	_ =	shalt  }
0x7c: {  	_ =	shalt  }
0x7d: {  	_ =	shalt  }
0x7e: {  	_ =	shalt  }
0x7f: {  	_ =	shalt  }
0x80: {  	_ =	shalt  }
0x81: {  	_ =	shalt  }
0x82: {  	_ =	shalt  }
0x83: {  	_ =	shalt  }
0x84: {  	_ =	shalt  }
0x85: {  	_ =	shalt  }
0x86: {  	_ =	shalt  }
0x87: {  	_ =	shalt  }
.Lfunc_end0:
.L_simem_size_0:
called_computation.2_lowered:
.L_overlay_start_0:
0x88: {  	s2 =	sld [smem:$0x3FD9]  }
0x89: {  	s3 =	sld [smem:$0x3FFE];
	_ =	sdelay $0x1  }
0x8a: {  	s1 =	srdreg.scid  }
0x8b: {  	s0 =	sand.u32 $0x1, s1  }
0x8c: {  	s16 =	sshll.u32 s0, $0xA;
	s2 =	sadd.s32 s3, s2  }
0x8d: {  	s2 =	sadd.s32 s2, s16  }
0x8e: {  	[smem:$0x3FA3] =	sst s2  }
0x8f: {  	_ = 	snop  }
0x90: {  	(tm) =	ssettm $0x1  }
0x91: {  	s17 =	sld [smem:$0x3FFB];
	_ =	sdelay $0x3  }
0x92: {  	_ =	strace s17  }
0x93: {  	s2 =	sld [smem:$0x3FFC];
	_ =	sdelay $0x3  }
0x94: {  	_ =	strace s2  }
0x95: {  	s2 =	sld [smem:$0x3FFD];
	_ =	sdelay $0x3  }
0x96: {  	_ =	strace s2  }
0x97: {  	_ =	strace $0x8FFFFFFF  }
0x98: {  	s18 =	sld [smem:$0x3FDB];
	_ =	sdelay $0x1  }
0x99: {  	s19 =	simm.s32 $_scs_section_size  }
0x9a: {  	s4 =	simm.s32 $_size__tile_overlayer_lowered;
	s5 =	simm.s32 $_tile_overlayer_lowered  }
0x9b: {  	s22 =	simm.s32 $0x1BFF;
	s21 =	sshll.u32 s5, $0x1;
	s2 =	sadd.s32 s19, s18  }
0x9c: {  	s6 =	simm.s32 $0x0;
	s20 =	sshll.u32 s4, $0x1;
	s4 =	sadd.s32 s21, s2  }
0x9d: {  	[timem:s6], [sflag:s22] =	dma.local [hbm:s4], s20  }
0x9e: {  	_ =	swait.ge [sflag:s22], s20  }
0x9f: {  	s3 =	ssub.s32 $0x0, s20;
	[sflag:s22] =	ssyncset.done $0x0  }
0xa0: {  	[sflag:s22] =	ssyncadd.s32 s3;
	_ =	sdelay $0x1  }
0xa1: {  	s23 =	simm.s32 $0x1B8B  }
0xa2: {  	_ =	swait.ge [sflag:s23], $0x1  }
0xa3: {  	[sflag:s23] =	ssyncset.done $0x0  }
0xa4: {  	s25 =	simm.s32 $0x1B8E;
	s24 =	sld [smem:$0x3FFE];
	[sflag:s23] =	ssyncadd.s32 $0xFFFFFFFF  }
0xa5: {  	s26 =	simm.s32 $execute0_lowered;
	[smem:$0x3FD2] =	sst s25  }
0xa6: {  	s4 =	sshll.u32 s26, $0x1;
	_ =	strace $0x8000004C;
	[dreg:$0x1] =	wrdreg $0xFFFFFFFF  }
0xa7: {  	s28 =	simm.s32 $_size_execute0_lowered;
	s2 =	sadd.s32 s2, s4;
	[dreg:$0x0] =	wrdreg $0x0  }
0xa8: {  	s4 =	sshll.u32 s28, $0x1;
	[dreg:$0x2] =	wrdreg s2  }
0xa9: {  	[dreg:$0x3] =	wrdreg s4  }
0xaa: {  	[dreg:$0x4] =	wrdreg $0xC0  }
0xab: {  	_ =	task [dreg:s6], $0x5FFFF  }
0xac: {  	[dreg:$0x1] =	wrdreg $0xFFFFFFFF  }
0xad: {  	[dreg:$0x0] =	wrdreg $0x60  }
0xae: {  	[dreg:$0x2] =	wrdreg s24  }
0xaf: {  	[dreg:$0x3] =	wrdreg $0x81000  }
0xb0: {  	[dreg:$0x4] =	wrdreg $0x9  }
0xb1: {  	_ =	task.clear_ibuf [dreg:s6], $0x5FFFF;
	_ =	strace $0x9000004C  }
0xb2: {  	s29 =	simm.s32 $0x9;
	_ =	strace $0x8000004E  }
0xb3: {  	_ =	swait.ge [sflag:s29], $0x1  }
0xb4: {  	[sflag:s29] =	ssyncadd.s32 $0xFFFFFFFF  }
0xb5: {  	_ =	strace $0x9000004E  }
0xb6: {  	_ =	sfence  }
0xb7: {  	s30 =	sld [smem:$0x0];
	_ =	sdelay $0x2  }
0xb8: {  	s31 =	sshll.u32 s1, $0xD;
	s1 =	sshrl.u32 s1, $0x2  }
0xb9: {  	s3 =	sand.u32 $0x4000, s31;
	s1 =	sadd.s32 s1, s30  }
0xba: {  	s0 =	sor.u32 s3, s0;
	s1 =	sshll.u32 s1, $0x11  }
0xbb: {  	s0 =	sor.u32 s1, s0  }
0xbc: {  	s0 =	sadd.s32 $0x8F2B, s0  }
0xbd: {  	[sflag:s0] =	ssyncadd.remote.s32 $0x1  }
0xbe: {  	_ =	sfence.sel $0xFFFF  }
0xbf: {  	[dreg:$0x0] =	wrdreg $0xFFFFFFFF;
	(pc) =	sbr.abs _section_cstart, $3  }
0xc0: {  	[dreg:$0x1] =	wrdreg $0xFFFFFFFF  }
0xc1: {  	_ =	task.clear_ibuf [dreg:s6], $0x2FFFF;
	_ =	strace $0x9FFFFFFF  }
0xc2: {  	(tm) =	ssettm $0x7FFFFFFF  }
0xc3: {  	_ =	shalt  }
tec
execute0_lowered:
.L_overlay_start_1:
0x0: {  	(tag) =	ssettag $0x1  }
0x1: {  	s8 =	rddreg [dreg:$0x0]  }
0x2: {  	s1 =	rddreg [dreg:$0x1]  }
0x3: {  	s0 =	rddreg [dreg:$0x2];
	s2 =	simm.s32 $0x0;
	s4 =	srdreg.scid  }
0x4: {  	[smem:$0x7FF] =	sst s2;
	s9 =	sand.u32 $0x1, s4  }
0x5: {  	s3 =	sadd.s32 $0x1BC00, s8;
	s4 =	stileid.u32;
	s10 =	smul.u32 $0x28000, s9  }
0x6: {  	s5 =	sadd.s32 $0x11400, s8;
	s6 =	sadd.s32 $0x7400, s8;
	s12 =	smul.u32 $0x280, s4  }
0x7: {  	s7 =	sadd.s32 $0x1B400, s8;
	_ =	strace $0x8000004D;
	s25 =	smul.u32 $0x50000, s4  }
0x8: {  	s11 =	ssub.s32 $0x2, s9;
	s26 =	sshll.u32 s9, $0x4;
	s20 =	smul.u32 $0x2800, s4  }
0x9: {  	s24 =	sshrl.u32 s11, $0x1;
	s13 =	sor.u32 s4, s26;
	s14 =	sadd.s32 s10, s8  }
0xa: {  	s15 =	ssub.s32 s11, s24;
	s16 =	sadd.s32 $0x80, s12;
	s28 =	sshrl.u32 s25, $0x2  }
0xb: {  	s17 =	sadd.s32 $0x100, s12;
	s18 =	sadd.s32 $0x180, s12;
	s19 =	sadd.s32 $0x200, s12  }
0xc: {  	s13 =	smul.u32 $0x2800, s13;
	s29 =	sshll.u32 s16, $0x7;
	s8 =	sadd.s32 s28, s1  }
0xd: {  	s30 =	sshll.u32 s17, $0x7;
	s31 =	sshll.u32 s18, $0x7;
	s12 =	sshll.u32 s19, $0x7  }
0xe: {  	s24 =	sadd.s32 $0x42E00, s14;
	s21 =	sshll.u32 s16, $0x4;
	s22 =	sshll.u32 s17, $0x4  }
0xf: {  	s23 =	sshll.u32 s18, $0x4;
	s25 =	sshll.u32 s19, $0x4;
	s14 =	smax.u32 s15, $0x1  }
0x10: {  	s15 =	simm.s32 $0x4100;
	s16 =	simm.s32 $0x2;
	s17 =	simm.s32 $0x80  }
0x11: {  	s18 =	simm.s32 $0x100;
	s19 =	simm.s32 $0x1;
	s9 =	sadd.s32 s29, s1  }
0x12: {  	s10 =	sadd.s32 s30, s1;
	s11 =	sadd.s32 s31, s1;
	s12 =	sadd.s32 s12, s1  }
0x13: {  	s20 =	sadd.s32 s20, s24;
	s21 =	sadd.s32 s21, s24;
	s22 =	sadd.s32 s22, s24  }
0x14: {  	s23 =	sadd.s32 s23, s24;
	s24 =	sadd.s32 s25, s24;
	s25 =	simm.s32 $0x0  }
.LBB2_1:
0x15: {  	[tilespmem:s15], [sflag:$0x2] =	stream.linear.gather [hbm4b:s7+s2], $0x4000, $0x38;
	[tilespmem:$0x1C100] =	vst v63  }
0x16: {  	_ =	swait.ge [sflag:s16], $0x4000  }
0x17: {  	[sflag:s16] =	ssyncset.done $0x0  }
0x18: {  	[sflag:s16] =	ssyncadd.s32 $0xFFFFC000  }
0x19: {  	[spmem:s8] =	stream.linear.scatter [tilespmem:s15], [sflag:$0x2], $0x4000, $0x38;
	[tilespmem:$0x1C100] =	vst v63  }
0x1a: {  	_ =	swait.ge [sflag:s16], $0x4000  }
0x1b: {  	[sflag:s16] =	ssyncset.done $0x0  }
0x1c: {  	[sflag:s16] =	ssyncadd.s32 $0xFFFFC000  }
0x1d: {  	[spmem:s9] =	stream.linear.scatter [tilespmem:s15], [sflag:$0x2], $0x4000, $0x38;
	[tilespmem:$0x1C100] =	vst v63  }
0x1e: {  	_ =	swait.ge [sflag:s16], $0x4000  }
0x1f: {  	[sflag:s16] =	ssyncset.done $0x0  }
0x20: {  	[sflag:s16] =	ssyncadd.s32 $0xFFFFC000  }
0x21: {  	[spmem:s10] =	stream.linear.scatter [tilespmem:s15], [sflag:$0x2], $0x4000, $0x38;
	[tilespmem:$0x1C100] =	vst v63  }
0x22: {  	_ =	swait.ge [sflag:s16], $0x4000  }
0x23: {  	[sflag:s16] =	ssyncset.done $0x0  }
0x24: {  	[sflag:s16] =	ssyncadd.s32 $0xFFFFC000  }
0x25: {  	[spmem:s11] =	stream.linear.scatter [tilespmem:s15], [sflag:$0x2], $0x4000, $0x38;
	[tilespmem:$0x1C100] =	vst v63  }
0x26: {  	_ =	swait.ge [sflag:s16], $0x4000  }
0x27: {  	[sflag:s16] =	ssyncset.done $0x0  }
0x28: {  	s26 =	sand.u32 $0x3C00, s2;
	[sflag:s16] =	ssyncadd.s32 $0xFFFFC000  }
0x29: {  	[spmem:s12] =	stream.linear.scatter [tilespmem:s15], [sflag:$0x2], $0x4000, $0x38;
	[tilespmem:$0x1C100] =	vst v63  }
0x2a: {  	s28 =	sand.u32 $0x380, s2;
	s26 =	sadd.s32 s13, s26;
	_ =	swait.ge [sflag:s16], $0x4000  }
0x2b: {  	s26 =	sor.u32 s28, s26;
	[sflag:s16] =	ssyncset.done $0x0  }
0x2c: {  	s26 =	sshrl.u32 s26, $0x3;
	[sflag:s16] =	ssyncadd.s32 $0xFFFFC000  }
0x2d: {  	s28 =	sadd.s32 s5, s26;
	[bflag:$0x0] =	sbarrier.arrive $0xFFFF  }
0x2e: {  	[tilespmem:s2], [sflag:$0x2] =	stream.linear.gather [hbm4b:s28+s2], $0x80, $0x38;
	[tilespmem:$0x1C100] =	vst v63  }
0x2f: {  	_ =	swait.ge [sflag:s16], $0x80  }
0x30: {  	[sflag:s16] =	ssyncset.done $0x0  }
0x31: {  	s26 =	sadd.s32 s6, s26;
	[sflag:s16] =	ssyncadd.s32 $0xFFFFFF80  }
0x32: {  	[tilespmem:s17], [sflag:$0x2] =	stream.linear.gather [hbm4b:s26+s2], $0x80, $0x38;
	[tilespmem:$0x1C100] =	vst v63  }
0x33: {  	_ =	swait.ge [sflag:s16], $0x80  }
0x34: {  	[sflag:s16] =	ssyncset.done $0x0  }
0x35: {  	[sflag:s16] =	ssyncadd.s32 $0xFFFFFF80  }
0x36: {  	[tilespmem:s18], [sflag:$0x1] =	stream.indirect.gather [hbm4b:s3+s17], $0x80, s2, s17, $0xb8;
	[tilespmem:$0x1C100] =	vst v63  }
0x37: {  	_ =	swait.ge [sflag:s19], $0x4000  }
0x38: {  	s31 =	simm.s32 $0x80;
	[sflag:s19] =	ssyncset.done $0x0  }
0x39: {  	s28 =	sand.u32 $0x3C00, s31;
	[sflag:s19] =	ssyncadd.s32 $0xFFFFC000  }
0x3a: {  	[spmem:s1] =	stream.indirect.scatter.add.f32 [tilespmem:s18], [sflag:$0x2], $0x80, s17, s17, $0xb8;
	[tilespmem:$0x1C100] =	vst v63  }
0x3b: {  	s29 =	sand.u32 $0x380, s31;
	s28 =	sadd.s32 s13, s28;
	_ =	swait.ge [sflag:s16], $0x4000  }
0x3c: {  	s28 =	sor.u32 s29, s28;
	s26 =	simm.s32 $0x100;
	[sflag:s16] =	ssyncset.done $0x0  }
.LBB2_2:
0x3d: {  	s28 =	sshrl.u32 s28, $0x3  }
0x3e: {  	[sflag:s16] =	ssyncadd.s32 $0xFFFFC000;
	s29 =	smov.u32 s26;
	s30 =	sadd.s32 $0x80, s26  }
0x3f: {  	p0 =	sne.s32 s26, $0x2700;
	s26 =	sadd.s32 s5, s28  }
0x40: {  	[tilespmem:s2], [sflag:$0x2] =	stream.linear.gather [hbm4b:s26+s2], $0x80, $0x38;
	[tilespmem:$0x1C100] =	vst v63  }
0x41: {  	_ =	swait.ge [sflag:s16], $0x80  }
0x42: {  	[sflag:s16] =	ssyncset.done $0x0  }
0x43: {  	s26 =	sadd.s32 s6, s28;
	[sflag:s16] =	ssyncadd.s32 $0xFFFFFF80  }
0x44: {  	[tilespmem:s17], [sflag:$0x2] =	stream.linear.gather [hbm4b:s26+s2], $0x80, $0x38;
	[tilespmem:$0x1C100] =	vst v63  }
0x45: {  	_ =	swait.ge [sflag:s16], $0x80  }
0x46: {  	[sflag:s16] =	ssyncset.done $0x0  }
0x47: {  	[sflag:s16] =	ssyncadd.s32 $0xFFFFFF80  }
0x48: {  	[tilespmem:s18], [sflag:$0x1] =	stream.indirect.gather [hbm4b:s3+s17], $0x80, s2, s17, $0xb8;
	[tilespmem:$0x1C100] =	vst v63  }
0x49: {  	_ =	swait.ge [sflag:s19], $0x4000  }
.Ltmp0:
0x4a: {  	[sflag:s19] =	ssyncset.done $0x0;
	(pc) =	sbr.rel @p0 .LBB2_2-.Ltmp0, $4  }
0x4b: {  	s26 =	sand.u32 $0x3C00, s29;
	[sflag:s19] =	ssyncadd.s32 $0xFFFFC000  }
0x4c: {  	[spmem:s1] =	stream.indirect.scatter.add.f32 [tilespmem:s18], [sflag:$0x2], $0x80, s17, s17, $0xb8;
	[tilespmem:$0x1C100] =	vst v63  }
0x4d: {  	s28 =	sand.u32 $0x380, s29;
	s26 =	sadd.s32 s13, s26;
	_ =	swait.ge [sflag:s16], $0x4000  }
0x4e: {  	s28 =	sor.u32 s28, s26;
	s26 =	smov.u32 s30;
	[sflag:s16] =	ssyncset.done $0x0  }
0x4f: {  	s26 =	sshrl.u32 s28, $0x3  }
0x50: {  	[sflag:s16] =	ssyncadd.s32 $0xFFFFC000;
	s28 =	sadd.s32 s5, s26  }
0x51: {  	[tilespmem:s2], [sflag:$0x2] =	stream.linear.gather [hbm4b:s28+s2], $0x80, $0x38;
	[tilespmem:$0x1C100] =	vst v63  }
0x52: {  	_ =	swait.ge [sflag:s16], $0x80  }
0x53: {  	[sflag:s16] =	ssyncset.done $0x0  }
0x54: {  	s26 =	sadd.s32 s6, s26;
	[sflag:s16] =	ssyncadd.s32 $0xFFFFFF80  }
0x55: {  	[tilespmem:s17], [sflag:$0x2] =	stream.linear.gather [hbm4b:s26+s2], $0x80, $0x38;
	[tilespmem:$0x1C100] =	vst v63  }
0x56: {  	_ =	swait.ge [sflag:s16], $0x80  }
0x57: {  	[sflag:s16] =	ssyncset.done $0x0  }
0x58: {  	[sflag:s16] =	ssyncadd.s32 $0xFFFFFF80  }
0x59: {  	[tilespmem:s18], [sflag:$0x1] =	stream.indirect.gather [hbm4b:s3+s17], $0x80, s2, s17, $0xb8;
	[tilespmem:$0x1C100] =	vst v63  }
0x5a: {  	_ =	swait.ge [sflag:s19], $0x4000  }
0x5b: {  	[sflag:s19] =	ssyncset.done $0x0  }
0x5c: {  	[sflag:s19] =	ssyncadd.s32 $0xFFFFC000  }
0x5d: {  	[spmem:s1] =	stream.indirect.scatter.add.f32 [tilespmem:s18], [sflag:$0x2], $0x80, s17, s17, $0xb8;
	[tilespmem:$0x1C100] =	vst v63  }
0x5e: {  	_ =	swait.ge [sflag:s16], $0x4000  }
0x5f: {  	[sflag:s16] =	ssyncset.done $0x0  }
0x60: {  	s29 =	sshll.u32 s4, $0x6;
	[sflag:s16] =	ssyncadd.s32 $0xFFFFC000  }
0x61: {  	s30 =	sshrl.u32 s8, $0x3;
	s26 =	sor.u32 $0x1C02, s29;
	[bflag:$0x0] =	sbarrier.arrive $0xFFFF  }
0x62: {  	[hbm:s20], [sflag:s26] =	dma.local [spmem:s30], $0x800  }
0x63: {  	_ =	swait.ge [sflag:s16], $0x800  }
0x64: {  	[sflag:s16] =	ssyncset.done $0x0  }
0x65: {  	s31 =	sshrl.u32 s9, $0x3;
	[sflag:s16] =	ssyncadd.s32 $0xFFFFF800  }
0x66: {  	[hbm:s21], [sflag:s26] =	dma.local [spmem:s31], $0x800  }
0x67: {  	_ =	swait.ge [sflag:s16], $0x800  }
0x68: {  	[sflag:s16] =	ssyncset.done $0x0  }
0x69: {  	s29 =	sshrl.u32 s10, $0x3;
	[sflag:s16] =	ssyncadd.s32 $0xFFFFF800  }
0x6a: {  	[hbm:s22], [sflag:s26] =	dma.local [spmem:s29], $0x800  }
0x6b: {  	_ =	swait.ge [sflag:s16], $0x800  }
0x6c: {  	[sflag:s16] =	ssyncset.done $0x0  }
0x6d: {  	s30 =	sshrl.u32 s11, $0x3;
	[sflag:s16] =	ssyncadd.s32 $0xFFFFF800  }
0x6e: {  	[hbm:s23], [sflag:s26] =	dma.local [spmem:s30], $0x800  }
0x6f: {  	s25 =	sadd.s32 $0x1, s25;
	_ =	swait.ge [sflag:s16], $0x800  }
0x70: {  	p0 =	sne.s32 s25, s14;
	[sflag:s16] =	ssyncset.done $0x0  }
.Ltmp1:
0x71: {  	s31 =	sshrl.u32 s12, $0x3;
	[sflag:s16] =	ssyncadd.s32 $0xFFFFF800;
	(pc) =	sbr.rel @p0 .LBB2_1-.Ltmp1, $4  }
0x72: {  	[hbm:s24], [sflag:s26] =	dma.local [spmem:s31], $0x800  }
0x73: {  	_ =	swait.ge [sflag:s16], $0x800  }
0x74: {  	[sflag:s16] =	ssyncset.done $0x0  }
0x75: {  	[sflag:s16] =	ssyncadd.s32 $0xFFFFF800  }
0x76: {  	_ =	sfence.sel $0x180000  }
0x77: {  	[bflag:$0x0] =	sbarrier.arrive $0xFFFF  }
0x78: {  	p0 =	sne.s32 s4, $0x0;
	_ =	strace $0x9000004D  }
0x79: {  	s0 =	sadd.s32 @!p0 $0x100000, s0;
	[bflag:$0x2] =	sbarrier.arrive $0xFFFF  }
0x7a: {  	[sflag:s0] =	ssyncadd.tile.s32 @!p0 $0x1;
	_ =	shalt  }
.Lfunc_end2:
_tile_overlayer_lowered:
.L_overlay_start_2:
0x7b: {  	(tag) =	ssettag $0x2  }
0x7c: {  	s0 =	rddreg [dreg:$0x0];
	s2 =	stileid.u32  }
0x7d: {  	s1 =	rddreg [dreg:$0x1];
	p0 =	sne.s32 s2, $0x0  }
0x7e: {  	s3 =	rddreg [dreg:$0x2];
	[bflag:$0x3] =	sbarrier.arrive $0xFFFF;
	s2 =	simm.s32 @!p0 $0x1C02  }
0x7f: {  	[timem:s3], [sflag:s2] =	dma.local @!p0 [hbm:s0], s1  }
0x80: {  	s0 =	simm.s32 @!p0 $0x2  }
0x81: {  	_ =	swait.ge @!p0 [sflag:s0], s1  }
0x82: {  	s1 =	ssub.s32 @!p0 $0x0, s1;
	[sflag:s0] =	ssyncset.done @!p0 $0x0  }
0x83: {  	[sflag:s0] =	ssyncadd.s32 @!p0 s1  }
0x84: {  	[bflag:$0x3] =	sbarrier.arrive $0xFFFF  }
0x85: {  	_ =	shalt  }

// kernel: kernel.22.cloned.1.call-start
scs
__scs_entry_jumppad:
0x0: {  	(pc) =	sbr.rel $0x88, $3  }
0x1: {  	(tag) =	ssettag $0x0;
	lr =	simm.s32 $0x1  }
0x2: {  	[smem:$0x3F7C] =	sst lr;
	_ =	strace $0xD0000000  }
0x3: {  	_ = 	snop  }
0x4: {  	_ = 	snop  }
0x5: {  	_ = 	snop  }
0x6: {  	_ = 	snop  }
0x7: {  	_ = 	snop  }
__scs_overlays_trampoline_lowered:
0x8: {  	[smem:$0x3F8B] =	sst s0  }
0x9: {  	[smem:$0x3F8C] =	sst s1  }
0xa: {  	[smem:$0x3F8D] =	sst s2  }
0xb: {  	[smem:$0x3F8E] =	sst s3  }
0xc: {  	[smem:$0x3F8F] =	sst s4  }
0xd: {  	[smem:$0x3F90] =	sst s5  }
0xe: {  	[smem:$0x3F91] =	sst s6  }
0xf: {  	[smem:$0x3F92] =	sst s7  }
0x10: {  	[smem:$0x3F93] =	sst s8  }
0x11: {  	[smem:$0x3F94] =	sst s9;
	s0 =	simm.s32 @!p0 $0x0  }
0x12: {  	s1 =	sld [smem:$0x3F7A];
	s0 =	simm.s32 @p0 $0x1  }
0x13: {  	[smem:$0x3F95] =	sst s0;
	s0 =	simm.s32 @!p1 $0x0  }
0x14: {  	s2 =	sld [smem:$0x3F79];
	s0 =	simm.s32 @p1 $0x1  }
0x15: {  	[smem:$0x3F96] =	sst s0;
	s0 =	simm.s32 @!p2 $0x0  }
0x16: {  	s3 =	sld [smem:$0x3FDB];
	s0 =	simm.s32 @p2 $0x1  }
0x17: {  	s4 =	simm.s32 $0x1BF5;
	[smem:$0x3F98] =	sst s0  }
0x18: {  	s0 =	sld [smem:$0x3F7B];
	_ =	swait.ge [sflag:s4], $0x0  }
0x19: {  	s7 =	sld [smem:$0x3F7C]  }
0x1a: {  	s8 =	sadd.s32 $0xFFFFE003, lr  }
0x1b: {  	s9 =	sadd.s32 $0xFFFFFEF7, lr;
	s5 =	simm.s32 $0xFFFFFFFF;
	p2 =	slt.u32 s8, $0xFFFFF086  }
0x1c: {  	p1 =	slt.u32 s9, $0xF7A;
	s5 =	simm.s32 @!p2 $0x0  }
0x1d: {  	s5 =	simm.s32 @p1 $0x1;
	p0 =	seq.s32 s7, s2  }
0x1e: {  	s7 =	smul.u32 @!p0 $0xF7A, s2;
	p2 =	seq.s32 @!p0 s5, $0x0  }
0x1f: {  	s9 =	smul.u32 $0xF7A, s1;
	s8 =	simm.s32 @!p0 $0x1BF5;
	p2 =	por !p2, p0  }
0x20: {  	[sflag:s8] =	ssyncset.s32 @!p0 $0xFFFFF086;
	s6 =	sadd.s32 @!p0 s3, s7;
	s7 =	simm.s32 @!p0 $0x108  }
0x21: {  	s3 =	sadd.s32 s3, s9;
	s6 =	sadd.s32 @!p0 $0x88, s6;
	s7 =	simm.s32 @p2 $0x1082  }
0x22: {  	[simem:s7], [sflag:s8] =	dma.local @!p0 [hbm:s6], $0xF7A  }
0x23: {  	s9 =	sor.u32 $0xD0000000, s2;
	s6 =	simm.s32 $0x108;
	_ =	swait.ge @!p0 [sflag:s8], $0x0  }
0x24: {  	s3 =	sadd.s32 $0x88, s3;
	s6 =	simm.s32 @!p1 $0x1082;
	[sflag:s4] =	ssyncset.s32 $0xFFFFF086  }
0x25: {  	[simem:s6], [sflag:s4] =	dma.local [hbm:s3], $0xF7A  }
0x26: {  	[smem:$0x3F7C] =	sst s1;
	(tag) =	ssettag s2;
	_ =	strace s9  }
0x27: {  	s1 =	sld [smem:$0x3F8C]  }
0x28: {  	s2 =	sld [smem:$0x3F8D]  }
0x29: {  	s4 =	sld [smem:$0x3F8F]  }
0x2a: {  	p0 =	seq.s32 s5, $0x0;
	s5 =	sld [smem:$0x3F90]  }
0x2b: {  	s6 =	sld [smem:$0x3F91]  }
0x2c: {  	s7 =	sld [smem:$0x3F92]  }
0x2d: {  	s3 =	simm.s32 $0x108;
	s8 =	sld [smem:$0x3F93]  }
0x2e: {  	s3 =	simm.s32 @!p0 $0x1082;
	s9 =	sld [smem:$0x3F94]  }
0x2f: {  	lr =	sadd.s32 s0, s3;
	s0 =	sld [smem:$0x3F8B]  }
0x30: {  	s3 =	sld [smem:$0x3F8E]  }
0x31: {  	[smem:$0x3F97] =	sst s10  }
0x32: {  	s10 =	sld [smem:$0x3F95];
	_ =	sdelay $0x3  }
0x33: {  	p0 =	seq.s32 s10, $0x1;
	s10 =	sld [smem:$0x3F97];
	_ =	sdelay $0x3  }
0x34: {  	[smem:$0x3F97] =	sst s10  }
0x35: {  	s10 =	sld [smem:$0x3F96];
	_ =	sdelay $0x3  }
0x36: {  	p1 =	seq.s32 s10, $0x1;
	s10 =	sld [smem:$0x3F97];
	_ =	sdelay $0x3  }
0x37: {  	[smem:$0x3F97] =	sst s10  }
0x38: {  	s10 =	sld [smem:$0x3F98]  }
0x39: {  	_ = 	snop;
	(pc) =	sbr.ind lr, $3  }
0x3a: {  	_ = 	snop  }
0x3b: {  	_ = 	snop  }
0x3c: {  	p2 =	seq.s32 s10, $0x1;
	s10 =	sld [smem:$0x3F97]  }
0x3d: {  	_ =	shalt  }
0x3e: {  	_ =	shalt  }
0x3f: {  	_ =	shalt  }
0x40: {  	_ =	shalt  }
0x41: {  	_ =	shalt  }
0x42: {  	_ =	shalt  }
0x43: {  	_ =	shalt  }
0x44: {  	_ =	shalt  }
0x45: {  	_ =	shalt  }
0x46: {  	_ =	shalt  }
0x47: {  	_ =	shalt  }
0x48: {  	_ =	shalt  }
0x49: {  	_ =	shalt  }
0x4a: {  	_ =	shalt  }
0x4b: {  	_ =	shalt  }
0x4c: {  	_ =	shalt  }
0x4d: {  	_ =	shalt  }
0x4e: {  	_ =	shalt  }
0x4f: {  	_ =	shalt  }
0x50: {  	_ =	shalt  }
0x51: {  	_ =	shalt  }
0x52: {  	_ =	shalt  }
0x53: {  	_ =	shalt  }
0x54: {  	_ =	shalt  }
0x55: {  	_ =	shalt  }
0x56: {  	_ =	shalt  }
0x57: {  	_ =	shalt  }
0x58: {  	_ =	shalt  }
0x59: {  	_ =	shalt  }
0x5a: {  	_ =	shalt  }
0x5b: {  	_ =	shalt  }
0x5c: {  	_ =	shalt  }
0x5d: {  	_ =	shalt  }
0x5e: {  	_ =	shalt  }
0x5f: {  	_ =	shalt  }
0x60: {  	_ =	shalt  }
0x61: {  	_ =	shalt  }
0x62: {  	_ =	shalt  }
0x63: {  	_ =	shalt  }
0x64: {  	_ =	shalt  }
0x65: {  	_ =	shalt  }
0x66: {  	_ =	shalt  }
0x67: {  	_ =	shalt  }
0x68: {  	_ =	shalt  }
0x69: {  	_ =	shalt  }
0x6a: {  	_ =	shalt  }
0x6b: {  	_ =	shalt  }
0x6c: {  	_ =	shalt  }
0x6d: {  	_ =	shalt  }
0x6e: {  	_ =	shalt  }
0x6f: {  	_ =	shalt  }
0x70: {  	_ =	shalt  }
0x71: {  	_ =	shalt  }
0x72: {  	_ =	shalt  }
0x73: {  	_ =	shalt  }
0x74: {  	_ =	shalt  }
0x75: {  	_ =	shalt  }
0x76: {  	_ =	shalt  }
0x77: {  	_ =	shalt  }
0x78: {  	_ =	shalt  }
0x79: {  	_ =	shalt  }
0x7a: {  	_ =	shalt  }
0x7b: {  	_ =	shalt  }
0x7c: {  	_ =	shalt  }
0x7d: {  	_ =	shalt  }
0x7e: {  	_ =	shalt  }
0x7f: {  	_ =	shalt  }
0x80: {  	_ =	shalt  }
0x81: {  	_ =	shalt  }
0x82: {  	_ =	shalt  }
0x83: {  	_ =	shalt  }
0x84: {  	_ =	shalt  }
0x85: {  	_ =	shalt  }
0x86: {  	_ =	shalt  }
0x87: {  	_ =	shalt  }
.Lfunc_end0:
.L_simem_size_0:
called_computation.3_lowered:
.L_overlay_start_0:
0x88: {  	s2 =	sld [smem:$0x3FD9]  }
0x89: {  	s3 =	sld [smem:$0x3FFE];
	_ =	sdelay $0x1  }
0x8a: {  	s1 =	srdreg.scid  }
0x8b: {  	s0 =	sand.u32 $0x1, s1  }
0x8c: {  	s16 =	sshll.u32 s0, $0xA;
	s2 =	sadd.s32 s3, s2  }
0x8d: {  	s2 =	sadd.s32 s2, s16  }
0x8e: {  	[smem:$0x3FA3] =	sst s2  }
0x8f: {  	_ = 	snop  }
0x90: {  	(tm) =	ssettm $0x1  }
0x91: {  	s17 =	sld [smem:$0x3FFB];
	_ =	sdelay $0x3  }
0x92: {  	_ =	strace s17  }
0x93: {  	s2 =	sld [smem:$0x3FFC];
	_ =	sdelay $0x3  }
0x94: {  	_ =	strace s2  }
0x95: {  	s2 =	sld [smem:$0x3FFD];
	_ =	sdelay $0x3  }
0x96: {  	_ =	strace s2  }
0x97: {  	_ =	strace $0x8FFFFFFF  }
0x98: {  	s18 =	sld [smem:$0x3FDB];
	_ =	sdelay $0x1  }
0x99: {  	s19 =	simm.s32 $_scs_section_size  }
0x9a: {  	s4 =	simm.s32 $_size__tile_overlayer_lowered;
	s5 =	simm.s32 $_tile_overlayer_lowered  }
0x9b: {  	s22 =	simm.s32 $0x1BFF;
	s21 =	sshll.u32 s5, $0x1;
	s2 =	sadd.s32 s19, s18  }
0x9c: {  	s6 =	simm.s32 $0x0;
	s20 =	sshll.u32 s4, $0x1;
	s4 =	sadd.s32 s21, s2  }
0x9d: {  	[timem:s6], [sflag:s22] =	dma.local [hbm:s4], s20  }
0x9e: {  	_ =	swait.ge [sflag:s22], s20  }
0x9f: {  	s3 =	ssub.s32 $0x0, s20;
	[sflag:s22] =	ssyncset.done $0x0  }
0xa0: {  	[sflag:s22] =	ssyncadd.s32 s3;
	_ =	sdelay $0x1  }
0xa1: {  	s23 =	simm.s32 $0x1B8B  }
0xa2: {  	_ =	swait.ge [sflag:s23], $0x1  }
0xa3: {  	[sflag:s23] =	ssyncset.done $0x0  }
0xa4: {  	s25 =	simm.s32 $0x1B8E;
	s24 =	sld [smem:$0x3FFE];
	[sflag:s23] =	ssyncadd.s32 $0xFFFFFFFF  }
0xa5: {  	s26 =	simm.s32 $execute0_lowered;
	[smem:$0x3FD2] =	sst s25  }
0xa6: {  	s4 =	sshll.u32 s26, $0x1;
	_ =	strace $0x8000004F;
	[dreg:$0x1] =	wrdreg $0xFFFFFFFF  }
0xa7: {  	s28 =	simm.s32 $_size_execute0_lowered;
	s2 =	sadd.s32 s2, s4;
	[dreg:$0x0] =	wrdreg $0x0  }
0xa8: {  	s4 =	sshll.u32 s28, $0x1;
	[dreg:$0x2] =	wrdreg s2  }
0xa9: {  	[dreg:$0x3] =	wrdreg s4  }
0xaa: {  	[dreg:$0x4] =	wrdreg $0xC0  }
0xab: {  	_ =	task [dreg:s6], $0x5FFFF  }
0xac: {  	[dreg:$0x1] =	wrdreg $0xFFFFFFFF  }
0xad: {  	[dreg:$0x0] =	wrdreg $0x60  }
0xae: {  	[dreg:$0x2] =	wrdreg s24  }
0xaf: {  	[dreg:$0x3] =	wrdreg $0x81000  }
0xb0: {  	[dreg:$0x4] =	wrdreg $0x9  }
0xb1: {  	_ =	task.clear_ibuf [dreg:s6], $0x5FFFF;
	_ =	strace $0x9000004F  }
0xb2: {  	s29 =	simm.s32 $0x9;
	_ =	strace $0x80000051  }
0xb3: {  	_ =	swait.ge [sflag:s29], $0x1  }
0xb4: {  	[sflag:s29] =	ssyncadd.s32 $0xFFFFFFFF  }
0xb5: {  	_ =	strace $0x90000051  }
0xb6: {  	_ =	sfence  }
0xb7: {  	s30 =	sld [smem:$0x0];
	_ =	sdelay $0x2  }
0xb8: {  	s31 =	sshll.u32 s1, $0xD;
	s1 =	sshrl.u32 s1, $0x2  }
0xb9: {  	s3 =	sand.u32 $0x4000, s31;
	s1 =	sadd.s32 s1, s30  }
0xba: {  	s0 =	sor.u32 s3, s0;
	s1 =	sshll.u32 s1, $0x11  }
0xbb: {  	s0 =	sor.u32 s1, s0  }
0xbc: {  	s0 =	sadd.s32 $0x8F2B, s0  }
0xbd: {  	[sflag:s0] =	ssyncadd.remote.s32 $0x1  }
0xbe: {  	_ =	sfence.sel $0xFFFF  }
0xbf: {  	[dreg:$0x0] =	wrdreg $0xFFFFFFFF;
	(pc) =	sbr.abs _section_cstart, $3  }
0xc0: {  	[dreg:$0x1] =	wrdreg $0xFFFFFFFF  }
0xc1: {  	_ =	task.clear_ibuf [dreg:s6], $0x2FFFF;
	_ =	strace $0x9FFFFFFF  }
0xc2: {  	(tm) =	ssettm $0x7FFFFFFF  }
0xc3: {  	_ =	shalt  }
tec
execute0_lowered:
.L_overlay_start_1:
0x0: {  	(tag) =	ssettag $0x1  }
0x1: {  	s8 =	rddreg [dreg:$0x0]  }
0x2: {  	s1 =	rddreg [dreg:$0x1]  }
0x3: {  	s0 =	rddreg [dreg:$0x2];
	s2 =	simm.s32 $0x0;
	s4 =	srdreg.scid  }
0x4: {  	[smem:$0x7FF] =	sst s2;
	s9 =	sand.u32 $0x1, s4  }
0x5: {  	s3 =	sadd.s32 $0x1BC00, s8;
	s4 =	stileid.u32;
	s10 =	smul.u32 $0x28000, s9  }
0x6: {  	s5 =	sadd.s32 $0x11400, s8;
	s6 =	sadd.s32 $0x7400, s8;
	s12 =	smul.u32 $0x280, s4  }
0x7: {  	s7 =	sadd.s32 $0x1B400, s8;
	_ =	strace $0x80000050;
	s25 =	smul.u32 $0x50000, s4  }
0x8: {  	s11 =	ssub.s32 $0x2, s9;
	s26 =	sshll.u32 s9, $0x4;
	s20 =	smul.u32 $0x2800, s4  }
0x9: {  	s24 =	sshrl.u32 s11, $0x1;
	s13 =	sor.u32 s4, s26;
	s14 =	sadd.s32 s10, s8  }
0xa: {  	s15 =	ssub.s32 s11, s24;
	s16 =	sadd.s32 $0x80, s12;
	s28 =	sshrl.u32 s25, $0x2  }
0xb: {  	s17 =	sadd.s32 $0x100, s12;
	s18 =	sadd.s32 $0x180, s12;
	s19 =	sadd.s32 $0x200, s12  }
0xc: {  	s13 =	smul.u32 $0x2800, s13;
	s29 =	sshll.u32 s16, $0x7;
	s8 =	sadd.s32 s28, s1  }
0xd: {  	s30 =	sshll.u32 s17, $0x7;
	s31 =	sshll.u32 s18, $0x7;
	s12 =	sshll.u32 s19, $0x7  }
0xe: {  	s24 =	sadd.s32 $0x42E00, s14;
	s21 =	sshll.u32 s16, $0x4;
	s22 =	sshll.u32 s17, $0x4  }
0xf: {  	s23 =	sshll.u32 s18, $0x4;
	s25 =	sshll.u32 s19, $0x4;
	s14 =	smax.u32 s15, $0x1  }
0x10: {  	s15 =	simm.s32 $0x4100;
	s16 =	simm.s32 $0x2;
	s17 =	simm.s32 $0x80  }
0x11: {  	s18 =	simm.s32 $0x100;
	s19 =	simm.s32 $0x1;
	s9 =	sadd.s32 s29, s1  }
0x12: {  	s10 =	sadd.s32 s30, s1;
	s11 =	sadd.s32 s31, s1;
	s12 =	sadd.s32 s12, s1  }
0x13: {  	s20 =	sadd.s32 s20, s24;
	s21 =	sadd.s32 s21, s24;
	s22 =	sadd.s32 s22, s24  }
0x14: {  	s23 =	sadd.s32 s23, s24;
	s24 =	sadd.s32 s25, s24;
	s25 =	simm.s32 $0x0  }
.LBB2_1:
0x15: {  	[tilespmem:s15], [sflag:$0x2] =	stream.linear.gather [hbm4b:s7+s2], $0x4000, $0x38;
	[tilespmem:$0x1C100] =	vst v63  }
0x16: {  	_ =	swait.ge [sflag:s16], $0x4000  }
0x17: {  	[sflag:s16] =	ssyncset.done $0x0  }
0x18: {  	[sflag:s16] =	ssyncadd.s32 $0xFFFFC000  }
0x19: {  	[spmem:s8] =	stream.linear.scatter [tilespmem:s15], [sflag:$0x2], $0x4000, $0x38;
	[tilespmem:$0x1C100] =	vst v63  }
0x1a: {  	_ =	swait.ge [sflag:s16], $0x4000  }
0x1b: {  	[sflag:s16] =	ssyncset.done $0x0  }
0x1c: {  	[sflag:s16] =	ssyncadd.s32 $0xFFFFC000  }
0x1d: {  	[spmem:s9] =	stream.linear.scatter [tilespmem:s15], [sflag:$0x2], $0x4000, $0x38;
	[tilespmem:$0x1C100] =	vst v63  }
0x1e: {  	_ =	swait.ge [sflag:s16], $0x4000  }
0x1f: {  	[sflag:s16] =	ssyncset.done $0x0  }
0x20: {  	[sflag:s16] =	ssyncadd.s32 $0xFFFFC000  }
0x21: {  	[spmem:s10] =	stream.linear.scatter [tilespmem:s15], [sflag:$0x2], $0x4000, $0x38;
	[tilespmem:$0x1C100] =	vst v63  }
0x22: {  	_ =	swait.ge [sflag:s16], $0x4000  }
0x23: {  	[sflag:s16] =	ssyncset.done $0x0  }
0x24: {  	[sflag:s16] =	ssyncadd.s32 $0xFFFFC000  }
0x25: {  	[spmem:s11] =	stream.linear.scatter [tilespmem:s15], [sflag:$0x2], $0x4000, $0x38;
	[tilespmem:$0x1C100] =	vst v63  }
0x26: {  	_ =	swait.ge [sflag:s16], $0x4000  }
0x27: {  	[sflag:s16] =	ssyncset.done $0x0  }
0x28: {  	s26 =	sand.u32 $0x3C00, s2;
	[sflag:s16] =	ssyncadd.s32 $0xFFFFC000  }
0x29: {  	[spmem:s12] =	stream.linear.scatter [tilespmem:s15], [sflag:$0x2], $0x4000, $0x38;
	[tilespmem:$0x1C100] =	vst v63  }
0x2a: {  	s28 =	sand.u32 $0x380, s2;
	s26 =	sadd.s32 s13, s26;
	_ =	swait.ge [sflag:s16], $0x4000  }
0x2b: {  	s26 =	sor.u32 s28, s26;
	[sflag:s16] =	ssyncset.done $0x0  }
0x2c: {  	s26 =	sshrl.u32 s26, $0x3;
	[sflag:s16] =	ssyncadd.s32 $0xFFFFC000  }
0x2d: {  	s28 =	sadd.s32 s5, s26;
	[bflag:$0x0] =	sbarrier.arrive $0xFFFF  }
0x2e: {  	[tilespmem:s2], [sflag:$0x2] =	stream.linear.gather [hbm4b:s28+s2], $0x80, $0x38;
	[tilespmem:$0x1C100] =	vst v63  }
0x2f: {  	_ =	swait.ge [sflag:s16], $0x80  }
0x30: {  	[sflag:s16] =	ssyncset.done $0x0  }
0x31: {  	s26 =	sadd.s32 s6, s26;
	[sflag:s16] =	ssyncadd.s32 $0xFFFFFF80  }
0x32: {  	[tilespmem:s17], [sflag:$0x2] =	stream.linear.gather [hbm4b:s26+s2], $0x80, $0x38;
	[tilespmem:$0x1C100] =	vst v63  }
0x33: {  	_ =	swait.ge [sflag:s16], $0x80  }
0x34: {  	[sflag:s16] =	ssyncset.done $0x0  }
0x35: {  	[sflag:s16] =	ssyncadd.s32 $0xFFFFFF80  }
0x36: {  	[tilespmem:s18], [sflag:$0x1] =	stream.indirect.gather [hbm4b:s3+s17], $0x80, s2, s17, $0xb8;
	[tilespmem:$0x1C100] =	vst v63  }
0x37: {  	_ =	swait.ge [sflag:s19], $0x4000  }
0x38: {  	s31 =	simm.s32 $0x80;
	[sflag:s19] =	ssyncset.done $0x0  }
0x39: {  	s28 =	sand.u32 $0x3C00, s31;
	[sflag:s19] =	ssyncadd.s32 $0xFFFFC000  }
0x3a: {  	[spmem:s1] =	stream.indirect.scatter.add.f32 [tilespmem:s18], [sflag:$0x2], $0x80, s17, s17, $0xb8;
	[tilespmem:$0x1C100] =	vst v63  }
0x3b: {  	s29 =	sand.u32 $0x380, s31;
	s28 =	sadd.s32 s13, s28;
	_ =	swait.ge [sflag:s16], $0x4000  }
0x3c: {  	s28 =	sor.u32 s29, s28;
	s26 =	simm.s32 $0x100;
	[sflag:s16] =	ssyncset.done $0x0  }
.LBB2_2:
0x3d: {  	s28 =	sshrl.u32 s28, $0x3  }
0x3e: {  	[sflag:s16] =	ssyncadd.s32 $0xFFFFC000;
	s29 =	smov.u32 s26;
	s30 =	sadd.s32 $0x80, s26  }
0x3f: {  	p0 =	sne.s32 s26, $0x2700;
	s26 =	sadd.s32 s5, s28  }
0x40: {  	[tilespmem:s2], [sflag:$0x2] =	stream.linear.gather [hbm4b:s26+s2], $0x80, $0x38;
	[tilespmem:$0x1C100] =	vst v63  }
0x41: {  	_ =	swait.ge [sflag:s16], $0x80  }
0x42: {  	[sflag:s16] =	ssyncset.done $0x0  }
0x43: {  	s26 =	sadd.s32 s6, s28;
	[sflag:s16] =	ssyncadd.s32 $0xFFFFFF80  }
0x44: {  	[tilespmem:s17], [sflag:$0x2] =	stream.linear.gather [hbm4b:s26+s2], $0x80, $0x38;
	[tilespmem:$0x1C100] =	vst v63  }
0x45: {  	_ =	swait.ge [sflag:s16], $0x80  }
0x46: {  	[sflag:s16] =	ssyncset.done $0x0  }
0x47: {  	[sflag:s16] =	ssyncadd.s32 $0xFFFFFF80  }
0x48: {  	[tilespmem:s18], [sflag:$0x1] =	stream.indirect.gather [hbm4b:s3+s17], $0x80, s2, s17, $0xb8;
	[tilespmem:$0x1C100] =	vst v63  }
0x49: {  	_ =	swait.ge [sflag:s19], $0x4000  }
.Ltmp0:
0x4a: {  	[sflag:s19] =	ssyncset.done $0x0;
	(pc) =	sbr.rel @p0 .LBB2_2-.Ltmp0, $4  }
0x4b: {  	s26 =	sand.u32 $0x3C00, s29;
	[sflag:s19] =	ssyncadd.s32 $0xFFFFC000  }
0x4c: {  	[spmem:s1] =	stream.indirect.scatter.add.f32 [tilespmem:s18], [sflag:$0x2], $0x80, s17, s17, $0xb8;
	[tilespmem:$0x1C100] =	vst v63  }
0x4d: {  	s28 =	sand.u32 $0x380, s29;
	s26 =	sadd.s32 s13, s26;
	_ =	swait.ge [sflag:s16], $0x4000  }
0x4e: {  	s28 =	sor.u32 s28, s26;
	s26 =	smov.u32 s30;
	[sflag:s16] =	ssyncset.done $0x0  }
0x4f: {  	s26 =	sshrl.u32 s28, $0x3  }
0x50: {  	[sflag:s16] =	ssyncadd.s32 $0xFFFFC000;
	s28 =	sadd.s32 s5, s26  }
0x51: {  	[tilespmem:s2], [sflag:$0x2] =	stream.linear.gather [hbm4b:s28+s2], $0x80, $0x38;
	[tilespmem:$0x1C100] =	vst v63  }
0x52: {  	_ =	swait.ge [sflag:s16], $0x80  }
0x53: {  	[sflag:s16] =	ssyncset.done $0x0  }
0x54: {  	s26 =	sadd.s32 s6, s26;
	[sflag:s16] =	ssyncadd.s32 $0xFFFFFF80  }
0x55: {  	[tilespmem:s17], [sflag:$0x2] =	stream.linear.gather [hbm4b:s26+s2], $0x80, $0x38;
	[tilespmem:$0x1C100] =	vst v63  }
0x56: {  	_ =	swait.ge [sflag:s16], $0x80  }
0x57: {  	[sflag:s16] =	ssyncset.done $0x0  }
0x58: {  	[sflag:s16] =	ssyncadd.s32 $0xFFFFFF80  }
0x59: {  	[tilespmem:s18], [sflag:$0x1] =	stream.indirect.gather [hbm4b:s3+s17], $0x80, s2, s17, $0xb8;
	[tilespmem:$0x1C100] =	vst v63  }
0x5a: {  	_ =	swait.ge [sflag:s19], $0x4000  }
0x5b: {  	[sflag:s19] =	ssyncset.done $0x0  }
0x5c: {  	[sflag:s19] =	ssyncadd.s32 $0xFFFFC000  }
0x5d: {  	[spmem:s1] =	stream.indirect.scatter.add.f32 [tilespmem:s18], [sflag:$0x2], $0x80, s17, s17, $0xb8;
	[tilespmem:$0x1C100] =	vst v63  }
0x5e: {  	_ =	swait.ge [sflag:s16], $0x4000  }
0x5f: {  	[sflag:s16] =	ssyncset.done $0x0  }
0x60: {  	s29 =	sshll.u32 s4, $0x6;
	[sflag:s16] =	ssyncadd.s32 $0xFFFFC000  }
0x61: {  	s30 =	sshrl.u32 s8, $0x3;
	s26 =	sor.u32 $0x1C02, s29;
	[bflag:$0x0] =	sbarrier.arrive $0xFFFF  }
0x62: {  	[hbm:s20], [sflag:s26] =	dma.local [spmem:s30], $0x800  }
0x63: {  	_ =	swait.ge [sflag:s16], $0x800  }
0x64: {  	[sflag:s16] =	ssyncset.done $0x0  }
0x65: {  	s31 =	sshrl.u32 s9, $0x3;
	[sflag:s16] =	ssyncadd.s32 $0xFFFFF800  }
0x66: {  	[hbm:s21], [sflag:s26] =	dma.local [spmem:s31], $0x800  }
0x67: {  	_ =	swait.ge [sflag:s16], $0x800  }
0x68: {  	[sflag:s16] =	ssyncset.done $0x0  }
0x69: {  	s29 =	sshrl.u32 s10, $0x3;
	[sflag:s16] =	ssyncadd.s32 $0xFFFFF800  }
0x6a: {  	[hbm:s22], [sflag:s26] =	dma.local [spmem:s29], $0x800  }
0x6b: {  	_ =	swait.ge [sflag:s16], $0x800  }
0x6c: {  	[sflag:s16] =	ssyncset.done $0x0  }
0x6d: {  	s30 =	sshrl.u32 s11, $0x3;
	[sflag:s16] =	ssyncadd.s32 $0xFFFFF800  }
0x6e: {  	[hbm:s23], [sflag:s26] =	dma.local [spmem:s30], $0x800  }
0x6f: {  	s25 =	sadd.s32 $0x1, s25;
	_ =	swait.ge [sflag:s16], $0x800  }
0x70: {  	p0 =	sne.s32 s25, s14;
	[sflag:s16] =	ssyncset.done $0x0  }
.Ltmp1:
0x71: {  	s31 =	sshrl.u32 s12, $0x3;
	[sflag:s16] =	ssyncadd.s32 $0xFFFFF800;
	(pc) =	sbr.rel @p0 .LBB2_1-.Ltmp1, $4  }
0x72: {  	[hbm:s24], [sflag:s26] =	dma.local [spmem:s31], $0x800  }
0x73: {  	_ =	swait.ge [sflag:s16], $0x800  }
0x74: {  	[sflag:s16] =	ssyncset.done $0x0  }
0x75: {  	[sflag:s16] =	ssyncadd.s32 $0xFFFFF800  }
0x76: {  	_ =	sfence.sel $0x180000  }
0x77: {  	[bflag:$0x0] =	sbarrier.arrive $0xFFFF  }
0x78: {  	p0 =	sne.s32 s4, $0x0;
	_ =	strace $0x90000050  }
0x79: {  	s0 =	sadd.s32 @!p0 $0x100000, s0;
	[bflag:$0x2] =	sbarrier.arrive $0xFFFF  }
0x7a: {  	[sflag:s0] =	ssyncadd.tile.s32 @!p0 $0x1;
	_ =	shalt  }
.Lfunc_end2:
_tile_overlayer_lowered:
.L_overlay_start_2:
0x7b: {  	(tag) =	ssettag $0x2  }
0x7c: {  	s0 =	rddreg [dreg:$0x0];
	s2 =	stileid.u32  }
0x7d: {  	s1 =	rddreg [dreg:$0x1];
	p0 =	sne.s32 s2, $0x0  }
0x7e: {  	s3 =	rddreg [dreg:$0x2];
	[bflag:$0x3] =	sbarrier.arrive $0xFFFF;
	s2 =	simm.s32 @!p0 $0x1C02  }
0x7f: {  	[timem:s3], [sflag:s2] =	dma.local @!p0 [hbm:s0], s1  }
0x80: {  	s0 =	simm.s32 @!p0 $0x2  }
0x81: {  	_ =	swait.ge @!p0 [sflag:s0], s1  }
0x82: {  	s1 =	ssub.s32 @!p0 $0x0, s1;
	[sflag:s0] =	ssyncset.done @!p0 $0x0  }
0x83: {  	[sflag:s0] =	ssyncadd.s32 @!p0 s1  }
0x84: {  	[bflag:$0x3] =	sbarrier.arrive $0xFFFF  }
0x85: {  	_ =	shalt  }

// kernel: kernel.25.cloned.1.call-start
scs
__scs_entry_jumppad:
0x0: {  	(pc) =	sbr.rel $0x88, $3  }
0x1: {  	(tag) =	ssettag $0x0;
	lr =	simm.s32 $0x1  }
0x2: {  	[smem:$0x3F7C] =	sst lr;
	_ =	strace $0xD0000000  }
0x3: {  	_ = 	snop  }
0x4: {  	_ = 	snop  }
0x5: {  	_ = 	snop  }
0x6: {  	_ = 	snop  }
0x7: {  	_ = 	snop  }
__scs_overlays_trampoline_lowered:
0x8: {  	[smem:$0x3F8B] =	sst s0  }
0x9: {  	[smem:$0x3F8C] =	sst s1  }
0xa: {  	[smem:$0x3F8D] =	sst s2  }
0xb: {  	[smem:$0x3F8E] =	sst s3  }
0xc: {  	[smem:$0x3F8F] =	sst s4  }
0xd: {  	[smem:$0x3F90] =	sst s5  }
0xe: {  	[smem:$0x3F91] =	sst s6  }
0xf: {  	[smem:$0x3F92] =	sst s7  }
0x10: {  	[smem:$0x3F93] =	sst s8  }
0x11: {  	[smem:$0x3F94] =	sst s9;
	s0 =	simm.s32 @!p0 $0x0  }
0x12: {  	s1 =	sld [smem:$0x3F7A];
	s0 =	simm.s32 @p0 $0x1  }
0x13: {  	[smem:$0x3F95] =	sst s0;
	s0 =	simm.s32 @!p1 $0x0  }
0x14: {  	s2 =	sld [smem:$0x3F79];
	s0 =	simm.s32 @p1 $0x1  }
0x15: {  	[smem:$0x3F96] =	sst s0;
	s0 =	simm.s32 @!p2 $0x0  }
0x16: {  	s3 =	sld [smem:$0x3FDB];
	s0 =	simm.s32 @p2 $0x1  }
0x17: {  	s4 =	simm.s32 $0x1BF5;
	[smem:$0x3F98] =	sst s0  }
0x18: {  	s0 =	sld [smem:$0x3F7B];
	_ =	swait.ge [sflag:s4], $0x0  }
0x19: {  	s7 =	sld [smem:$0x3F7C]  }
0x1a: {  	s8 =	sadd.s32 $0xFFFFE003, lr  }
0x1b: {  	s9 =	sadd.s32 $0xFFFFFEF7, lr;
	s5 =	simm.s32 $0xFFFFFFFF;
	p2 =	slt.u32 s8, $0xFFFFF086  }
0x1c: {  	p1 =	slt.u32 s9, $0xF7A;
	s5 =	simm.s32 @!p2 $0x0  }
0x1d: {  	s5 =	simm.s32 @p1 $0x1;
	p0 =	seq.s32 s7, s2  }
0x1e: {  	s7 =	smul.u32 @!p0 $0xF7A, s2;
	p2 =	seq.s32 @!p0 s5, $0x0  }
0x1f: {  	s9 =	smul.u32 $0xF7A, s1;
	s8 =	simm.s32 @!p0 $0x1BF5;
	p2 =	por !p2, p0  }
0x20: {  	[sflag:s8] =	ssyncset.s32 @!p0 $0xFFFFF086;
	s6 =	sadd.s32 @!p0 s3, s7;
	s7 =	simm.s32 @!p0 $0x108  }
0x21: {  	s3 =	sadd.s32 s3, s9;
	s6 =	sadd.s32 @!p0 $0x88, s6;
	s7 =	simm.s32 @p2 $0x1082  }
0x22: {  	[simem:s7], [sflag:s8] =	dma.local @!p0 [hbm:s6], $0xF7A  }
0x23: {  	s9 =	sor.u32 $0xD0000000, s2;
	s6 =	simm.s32 $0x108;
	_ =	swait.ge @!p0 [sflag:s8], $0x0  }
0x24: {  	s3 =	sadd.s32 $0x88, s3;
	s6 =	simm.s32 @!p1 $0x1082;
	[sflag:s4] =	ssyncset.s32 $0xFFFFF086  }
0x25: {  	[simem:s6], [sflag:s4] =	dma.local [hbm:s3], $0xF7A  }
0x26: {  	[smem:$0x3F7C] =	sst s1;
	(tag) =	ssettag s2;
	_ =	strace s9  }
0x27: {  	s1 =	sld [smem:$0x3F8C]  }
0x28: {  	s2 =	sld [smem:$0x3F8D]  }
0x29: {  	s4 =	sld [smem:$0x3F8F]  }
0x2a: {  	p0 =	seq.s32 s5, $0x0;
	s5 =	sld [smem:$0x3F90]  }
0x2b: {  	s6 =	sld [smem:$0x3F91]  }
0x2c: {  	s7 =	sld [smem:$0x3F92]  }
0x2d: {  	s3 =	simm.s32 $0x108;
	s8 =	sld [smem:$0x3F93]  }
0x2e: {  	s3 =	simm.s32 @!p0 $0x1082;
	s9 =	sld [smem:$0x3F94]  }
0x2f: {  	lr =	sadd.s32 s0, s3;
	s0 =	sld [smem:$0x3F8B]  }
0x30: {  	s3 =	sld [smem:$0x3F8E]  }
0x31: {  	[smem:$0x3F97] =	sst s10  }
0x32: {  	s10 =	sld [smem:$0x3F95];
	_ =	sdelay $0x3  }
0x33: {  	p0 =	seq.s32 s10, $0x1;
	s10 =	sld [smem:$0x3F97];
	_ =	sdelay $0x3  }
0x34: {  	[smem:$0x3F97] =	sst s10  }
0x35: {  	s10 =	sld [smem:$0x3F96];
	_ =	sdelay $0x3  }
0x36: {  	p1 =	seq.s32 s10, $0x1;
	s10 =	sld [smem:$0x3F97];
	_ =	sdelay $0x3  }
0x37: {  	[smem:$0x3F97] =	sst s10  }
0x38: {  	s10 =	sld [smem:$0x3F98]  }
0x39: {  	_ = 	snop;
	(pc) =	sbr.ind lr, $3  }
0x3a: {  	_ = 	snop  }
0x3b: {  	_ = 	snop  }
0x3c: {  	p2 =	seq.s32 s10, $0x1;
	s10 =	sld [smem:$0x3F97]  }
0x3d: {  	_ =	shalt  }
0x3e: {  	_ =	shalt  }
0x3f: {  	_ =	shalt  }
0x40: {  	_ =	shalt  }
0x41: {  	_ =	shalt  }
0x42: {  	_ =	shalt  }
0x43: {  	_ =	shalt  }
0x44: {  	_ =	shalt  }
0x45: {  	_ =	shalt  }
0x46: {  	_ =	shalt  }
0x47: {  	_ =	shalt  }
0x48: {  	_ =	shalt  }
0x49: {  	_ =	shalt  }
0x4a: {  	_ =	shalt  }
0x4b: {  	_ =	shalt  }
0x4c: {  	_ =	shalt  }
0x4d: {  	_ =	shalt  }
0x4e: {  	_ =	shalt  }
0x4f: {  	_ =	shalt  }
0x50: {  	_ =	shalt  }
0x51: {  	_ =	shalt  }
0x52: {  	_ =	shalt  }
0x53: {  	_ =	shalt  }
0x54: {  	_ =	shalt  }
0x55: {  	_ =	shalt  }
0x56: {  	_ =	shalt  }
0x57: {  	_ =	shalt  }
0x58: {  	_ =	shalt  }
0x59: {  	_ =	shalt  }
0x5a: {  	_ =	shalt  }
0x5b: {  	_ =	shalt  }
0x5c: {  	_ =	shalt  }
0x5d: {  	_ =	shalt  }
0x5e: {  	_ =	shalt  }
0x5f: {  	_ =	shalt  }
0x60: {  	_ =	shalt  }
0x61: {  	_ =	shalt  }
0x62: {  	_ =	shalt  }
0x63: {  	_ =	shalt  }
0x64: {  	_ =	shalt  }
0x65: {  	_ =	shalt  }
0x66: {  	_ =	shalt  }
0x67: {  	_ =	shalt  }
0x68: {  	_ =	shalt  }
0x69: {  	_ =	shalt  }
0x6a: {  	_ =	shalt  }
0x6b: {  	_ =	shalt  }
0x6c: {  	_ =	shalt  }
0x6d: {  	_ =	shalt  }
0x6e: {  	_ =	shalt  }
0x6f: {  	_ =	shalt  }
0x70: {  	_ =	shalt  }
0x71: {  	_ =	shalt  }
0x72: {  	_ =	shalt  }
0x73: {  	_ =	shalt  }
0x74: {  	_ =	shalt  }
0x75: {  	_ =	shalt  }
0x76: {  	_ =	shalt  }
0x77: {  	_ =	shalt  }
0x78: {  	_ =	shalt  }
0x79: {  	_ =	shalt  }
0x7a: {  	_ =	shalt  }
0x7b: {  	_ =	shalt  }
0x7c: {  	_ =	shalt  }
0x7d: {  	_ =	shalt  }
0x7e: {  	_ =	shalt  }
0x7f: {  	_ =	shalt  }
0x80: {  	_ =	shalt  }
0x81: {  	_ =	shalt  }
0x82: {  	_ =	shalt  }
0x83: {  	_ =	shalt  }
0x84: {  	_ =	shalt  }
0x85: {  	_ =	shalt  }
0x86: {  	_ =	shalt  }
0x87: {  	_ =	shalt  }
.Lfunc_end0:
.L_simem_size_0:
called_computation.4_lowered:
.L_overlay_start_0:
0x88: {  	s2 =	sld [smem:$0x3FD9]  }
0x89: {  	s3 =	sld [smem:$0x3FFE];
	_ =	sdelay $0x1  }
0x8a: {  	s1 =	srdreg.scid  }
0x8b: {  	s0 =	sand.u32 $0x1, s1  }
0x8c: {  	s16 =	sshll.u32 s0, $0xA;
	s2 =	sadd.s32 s3, s2  }
0x8d: {  	s2 =	sadd.s32 s2, s16  }
0x8e: {  	[smem:$0x3FA3] =	sst s2  }
0x8f: {  	_ = 	snop  }
0x90: {  	(tm) =	ssettm $0x1  }
0x91: {  	s17 =	sld [smem:$0x3FFB];
	_ =	sdelay $0x3  }
0x92: {  	_ =	strace s17  }
0x93: {  	s2 =	sld [smem:$0x3FFC];
	_ =	sdelay $0x3  }
0x94: {  	_ =	strace s2  }
0x95: {  	s2 =	sld [smem:$0x3FFD];
	_ =	sdelay $0x3  }
0x96: {  	_ =	strace s2  }
0x97: {  	_ =	strace $0x8FFFFFFF  }
0x98: {  	s18 =	sld [smem:$0x3FDB];
	_ =	sdelay $0x1  }
0x99: {  	s19 =	simm.s32 $_scs_section_size  }
0x9a: {  	s4 =	simm.s32 $_size__tile_overlayer_lowered;
	s5 =	simm.s32 $_tile_overlayer_lowered  }
0x9b: {  	s22 =	simm.s32 $0x1BFF;
	s21 =	sshll.u32 s5, $0x1;
	s2 =	sadd.s32 s19, s18  }
0x9c: {  	s6 =	simm.s32 $0x0;
	s20 =	sshll.u32 s4, $0x1;
	s4 =	sadd.s32 s21, s2  }
0x9d: {  	[timem:s6], [sflag:s22] =	dma.local [hbm:s4], s20  }
0x9e: {  	_ =	swait.ge [sflag:s22], s20  }
0x9f: {  	s3 =	ssub.s32 $0x0, s20;
	[sflag:s22] =	ssyncset.done $0x0  }
0xa0: {  	[sflag:s22] =	ssyncadd.s32 s3;
	_ =	sdelay $0x1  }
0xa1: {  	s23 =	simm.s32 $0x1B8B  }
0xa2: {  	_ =	swait.ge [sflag:s23], $0x1  }
0xa3: {  	[sflag:s23] =	ssyncset.done $0x0  }
0xa4: {  	s25 =	simm.s32 $0x1B8E;
	s24 =	sld [smem:$0x3FFE];
	[sflag:s23] =	ssyncadd.s32 $0xFFFFFFFF  }
0xa5: {  	s26 =	simm.s32 $execute0_lowered;
	[smem:$0x3FD2] =	sst s25  }
0xa6: {  	s4 =	sshll.u32 s26, $0x1;
	_ =	strace $0x80000052;
	[dreg:$0x1] =	wrdreg $0xFFFFFFFF  }
0xa7: {  	s28 =	simm.s32 $_size_execute0_lowered;
	s2 =	sadd.s32 s2, s4;
	[dreg:$0x0] =	wrdreg $0x0  }
0xa8: {  	s4 =	sshll.u32 s28, $0x1;
	[dreg:$0x2] =	wrdreg s2  }
0xa9: {  	[dreg:$0x3] =	wrdreg s4  }
0xaa: {  	[dreg:$0x4] =	wrdreg $0xC0  }
0xab: {  	_ =	task [dreg:s6], $0x5FFFF  }
0xac: {  	[dreg:$0x1] =	wrdreg $0xFFFFFFFF  }
0xad: {  	[dreg:$0x0] =	wrdreg $0x60  }
0xae: {  	[dreg:$0x2] =	wrdreg s24  }
0xaf: {  	[dreg:$0x3] =	wrdreg $0x81000  }
0xb0: {  	[dreg:$0x4] =	wrdreg $0x9  }
0xb1: {  	_ =	task.clear_ibuf [dreg:s6], $0x5FFFF;
	_ =	strace $0x90000052  }
0xb2: {  	s29 =	simm.s32 $0x9;
	_ =	strace $0x80000054  }
0xb3: {  	_ =	swait.ge [sflag:s29], $0x1  }
0xb4: {  	[sflag:s29] =	ssyncadd.s32 $0xFFFFFFFF  }
0xb5: {  	_ =	strace $0x90000054  }
0xb6: {  	_ =	sfence  }
0xb7: {  	s30 =	sld [smem:$0x0];
	_ =	sdelay $0x2  }
0xb8: {  	s31 =	sshll.u32 s1, $0xD;
	s1 =	sshrl.u32 s1, $0x2  }
0xb9: {  	s3 =	sand.u32 $0x4000, s31;
	s1 =	sadd.s32 s1, s30  }
0xba: {  	s0 =	sor.u32 s3, s0;
	s1 =	sshll.u32 s1, $0x11  }
0xbb: {  	s0 =	sor.u32 s1, s0  }
0xbc: {  	s0 =	sadd.s32 $0x8F2B, s0  }
0xbd: {  	[sflag:s0] =	ssyncadd.remote.s32 $0x1  }
0xbe: {  	_ =	sfence.sel $0xFFFF  }
0xbf: {  	[dreg:$0x0] =	wrdreg $0xFFFFFFFF;
	(pc) =	sbr.abs _section_cstart, $3  }
0xc0: {  	[dreg:$0x1] =	wrdreg $0xFFFFFFFF  }
0xc1: {  	_ =	task.clear_ibuf [dreg:s6], $0x2FFFF;
	_ =	strace $0x9FFFFFFF  }
0xc2: {  	(tm) =	ssettm $0x7FFFFFFF  }
0xc3: {  	_ =	shalt  }
tec
execute0_lowered:
.L_overlay_start_1:
0x0: {  	(tag) =	ssettag $0x1  }
0x1: {  	s8 =	rddreg [dreg:$0x0]  }
0x2: {  	s1 =	rddreg [dreg:$0x1]  }
0x3: {  	s0 =	rddreg [dreg:$0x2];
	s2 =	simm.s32 $0x0;
	s4 =	srdreg.scid  }
0x4: {  	[smem:$0x7FF] =	sst s2;
	s9 =	sand.u32 $0x1, s4  }
0x5: {  	s3 =	sadd.s32 $0x1BC00, s8;
	s4 =	stileid.u32;
	s10 =	smul.u32 $0x28000, s9  }
0x6: {  	s5 =	sadd.s32 $0x11400, s8;
	s6 =	sadd.s32 $0x7400, s8;
	s12 =	smul.u32 $0x280, s4  }
0x7: {  	s7 =	sadd.s32 $0x1B400, s8;
	_ =	strace $0x80000053;
	s25 =	smul.u32 $0x50000, s4  }
0x8: {  	s11 =	ssub.s32 $0x2, s9;
	s26 =	sshll.u32 s9, $0x4;
	s20 =	smul.u32 $0x2800, s4  }
0x9: {  	s24 =	sshrl.u32 s11, $0x1;
	s13 =	sor.u32 s4, s26;
	s14 =	sadd.s32 s10, s8  }
0xa: {  	s15 =	ssub.s32 s11, s24;
	s16 =	sadd.s32 $0x80, s12;
	s28 =	sshrl.u32 s25, $0x2  }
0xb: {  	s17 =	sadd.s32 $0x100, s12;
	s18 =	sadd.s32 $0x180, s12;
	s19 =	sadd.s32 $0x200, s12  }
0xc: {  	s13 =	smul.u32 $0x2800, s13;
	s29 =	sshll.u32 s16, $0x7;
	s8 =	sadd.s32 s28, s1  }
0xd: {  	s30 =	sshll.u32 s17, $0x7;
	s31 =	sshll.u32 s18, $0x7;
	s12 =	sshll.u32 s19, $0x7  }
0xe: {  	s24 =	sadd.s32 $0x42E00, s14;
	s21 =	sshll.u32 s16, $0x4;
	s22 =	sshll.u32 s17, $0x4  }
0xf: {  	s23 =	sshll.u32 s18, $0x4;
	s25 =	sshll.u32 s19, $0x4;
	s14 =	smax.u32 s15, $0x1  }
0x10: {  	s15 =	simm.s32 $0x4100;
	s16 =	simm.s32 $0x2;
	s17 =	simm.s32 $0x80  }
0x11: {  	s18 =	simm.s32 $0x100;
	s19 =	simm.s32 $0x1;
	s9 =	sadd.s32 s29, s1  }
0x12: {  	s10 =	sadd.s32 s30, s1;
	s11 =	sadd.s32 s31, s1;
	s12 =	sadd.s32 s12, s1  }
0x13: {  	s20 =	sadd.s32 s20, s24;
	s21 =	sadd.s32 s21, s24;
	s22 =	sadd.s32 s22, s24  }
0x14: {  	s23 =	sadd.s32 s23, s24;
	s24 =	sadd.s32 s25, s24;
	s25 =	simm.s32 $0x0  }
.LBB2_1:
0x15: {  	[tilespmem:s15], [sflag:$0x2] =	stream.linear.gather [hbm4b:s7+s2], $0x4000, $0x38;
	[tilespmem:$0x1C100] =	vst v63  }
0x16: {  	_ =	swait.ge [sflag:s16], $0x4000  }
0x17: {  	[sflag:s16] =	ssyncset.done $0x0  }
0x18: {  	[sflag:s16] =	ssyncadd.s32 $0xFFFFC000  }
0x19: {  	[spmem:s8] =	stream.linear.scatter [tilespmem:s15], [sflag:$0x2], $0x4000, $0x38;
	[tilespmem:$0x1C100] =	vst v63  }
0x1a: {  	_ =	swait.ge [sflag:s16], $0x4000  }
0x1b: {  	[sflag:s16] =	ssyncset.done $0x0  }
0x1c: {  	[sflag:s16] =	ssyncadd.s32 $0xFFFFC000  }
0x1d: {  	[spmem:s9] =	stream.linear.scatter [tilespmem:s15], [sflag:$0x2], $0x4000, $0x38;
	[tilespmem:$0x1C100] =	vst v63  }
0x1e: {  	_ =	swait.ge [sflag:s16], $0x4000  }
0x1f: {  	[sflag:s16] =	ssyncset.done $0x0  }
0x20: {  	[sflag:s16] =	ssyncadd.s32 $0xFFFFC000  }
0x21: {  	[spmem:s10] =	stream.linear.scatter [tilespmem:s15], [sflag:$0x2], $0x4000, $0x38;
	[tilespmem:$0x1C100] =	vst v63  }
0x22: {  	_ =	swait.ge [sflag:s16], $0x4000  }
0x23: {  	[sflag:s16] =	ssyncset.done $0x0  }
0x24: {  	[sflag:s16] =	ssyncadd.s32 $0xFFFFC000  }
0x25: {  	[spmem:s11] =	stream.linear.scatter [tilespmem:s15], [sflag:$0x2], $0x4000, $0x38;
	[tilespmem:$0x1C100] =	vst v63  }
0x26: {  	_ =	swait.ge [sflag:s16], $0x4000  }
0x27: {  	[sflag:s16] =	ssyncset.done $0x0  }
0x28: {  	s26 =	sand.u32 $0x3C00, s2;
	[sflag:s16] =	ssyncadd.s32 $0xFFFFC000  }
0x29: {  	[spmem:s12] =	stream.linear.scatter [tilespmem:s15], [sflag:$0x2], $0x4000, $0x38;
	[tilespmem:$0x1C100] =	vst v63  }
0x2a: {  	s28 =	sand.u32 $0x380, s2;
	s26 =	sadd.s32 s13, s26;
	_ =	swait.ge [sflag:s16], $0x4000  }
0x2b: {  	s26 =	sor.u32 s28, s26;
	[sflag:s16] =	ssyncset.done $0x0  }
0x2c: {  	s26 =	sshrl.u32 s26, $0x3;
	[sflag:s16] =	ssyncadd.s32 $0xFFFFC000  }
0x2d: {  	s28 =	sadd.s32 s5, s26;
	[bflag:$0x0] =	sbarrier.arrive $0xFFFF  }
0x2e: {  	[tilespmem:s2], [sflag:$0x2] =	stream.linear.gather [hbm4b:s28+s2], $0x80, $0x38;
	[tilespmem:$0x1C100] =	vst v63  }
0x2f: {  	_ =	swait.ge [sflag:s16], $0x80  }
0x30: {  	[sflag:s16] =	ssyncset.done $0x0  }
0x31: {  	s26 =	sadd.s32 s6, s26;
	[sflag:s16] =	ssyncadd.s32 $0xFFFFFF80  }
0x32: {  	[tilespmem:s17], [sflag:$0x2] =	stream.linear.gather [hbm4b:s26+s2], $0x80, $0x38;
	[tilespmem:$0x1C100] =	vst v63  }
0x33: {  	_ =	swait.ge [sflag:s16], $0x80  }
0x34: {  	[sflag:s16] =	ssyncset.done $0x0  }
0x35: {  	[sflag:s16] =	ssyncadd.s32 $0xFFFFFF80  }
0x36: {  	[tilespmem:s18], [sflag:$0x1] =	stream.indirect.gather [hbm4b:s3+s17], $0x80, s2, s17, $0xb8;
	[tilespmem:$0x1C100] =	vst v63  }
0x37: {  	_ =	swait.ge [sflag:s19], $0x4000  }
0x38: {  	s31 =	simm.s32 $0x80;
	[sflag:s19] =	ssyncset.done $0x0  }
0x39: {  	s28 =	sand.u32 $0x3C00, s31;
	[sflag:s19] =	ssyncadd.s32 $0xFFFFC000  }
0x3a: {  	[spmem:s1] =	stream.indirect.scatter.add.f32 [tilespmem:s18], [sflag:$0x2], $0x80, s17, s17, $0xb8;
	[tilespmem:$0x1C100] =	vst v63  }
0x3b: {  	s29 =	sand.u32 $0x380, s31;
	s28 =	sadd.s32 s13, s28;
	_ =	swait.ge [sflag:s16], $0x4000  }
0x3c: {  	s28 =	sor.u32 s29, s28;
	s26 =	simm.s32 $0x100;
	[sflag:s16] =	ssyncset.done $0x0  }
.LBB2_2:
0x3d: {  	s28 =	sshrl.u32 s28, $0x3  }
0x3e: {  	[sflag:s16] =	ssyncadd.s32 $0xFFFFC000;
	s29 =	smov.u32 s26;
	s30 =	sadd.s32 $0x80, s26  }
0x3f: {  	p0 =	sne.s32 s26, $0x2700;
	s26 =	sadd.s32 s5, s28  }
0x40: {  	[tilespmem:s2], [sflag:$0x2] =	stream.linear.gather [hbm4b:s26+s2], $0x80, $0x38;
	[tilespmem:$0x1C100] =	vst v63  }
0x41: {  	_ =	swait.ge [sflag:s16], $0x80  }
0x42: {  	[sflag:s16] =	ssyncset.done $0x0  }
0x43: {  	s26 =	sadd.s32 s6, s28;
	[sflag:s16] =	ssyncadd.s32 $0xFFFFFF80  }
0x44: {  	[tilespmem:s17], [sflag:$0x2] =	stream.linear.gather [hbm4b:s26+s2], $0x80, $0x38;
	[tilespmem:$0x1C100] =	vst v63  }
0x45: {  	_ =	swait.ge [sflag:s16], $0x80  }
0x46: {  	[sflag:s16] =	ssyncset.done $0x0  }
0x47: {  	[sflag:s16] =	ssyncadd.s32 $0xFFFFFF80  }
0x48: {  	[tilespmem:s18], [sflag:$0x1] =	stream.indirect.gather [hbm4b:s3+s17], $0x80, s2, s17, $0xb8;
	[tilespmem:$0x1C100] =	vst v63  }
0x49: {  	_ =	swait.ge [sflag:s19], $0x4000  }
.Ltmp0:
0x4a: {  	[sflag:s19] =	ssyncset.done $0x0;
	(pc) =	sbr.rel @p0 .LBB2_2-.Ltmp0, $4  }
0x4b: {  	s26 =	sand.u32 $0x3C00, s29;
	[sflag:s19] =	ssyncadd.s32 $0xFFFFC000  }
0x4c: {  	[spmem:s1] =	stream.indirect.scatter.add.f32 [tilespmem:s18], [sflag:$0x2], $0x80, s17, s17, $0xb8;
	[tilespmem:$0x1C100] =	vst v63  }
0x4d: {  	s28 =	sand.u32 $0x380, s29;
	s26 =	sadd.s32 s13, s26;
	_ =	swait.ge [sflag:s16], $0x4000  }
0x4e: {  	s28 =	sor.u32 s28, s26;
	s26 =	smov.u32 s30;
	[sflag:s16] =	ssyncset.done $0x0  }
0x4f: {  	s26 =	sshrl.u32 s28, $0x3  }
0x50: {  	[sflag:s16] =	ssyncadd.s32 $0xFFFFC000;
	s28 =	sadd.s32 s5, s26  }
0x51: {  	[tilespmem:s2], [sflag:$0x2] =	stream.linear.gather [hbm4b:s28+s2], $0x80, $0x38;
	[tilespmem:$0x1C100] =	vst v63  }
0x52: {  	_ =	swait.ge [sflag:s16], $0x80  }
0x53: {  	[sflag:s16] =	ssyncset.done $0x0  }
0x54: {  	s26 =	sadd.s32 s6, s26;
	[sflag:s16] =	ssyncadd.s32 $0xFFFFFF80  }
0x55: {  	[tilespmem:s17], [sflag:$0x2] =	stream.linear.gather [hbm4b:s26+s2], $0x80, $0x38;
	[tilespmem:$0x1C100] =	vst v63  }
0x56: {  	_ =	swait.ge [sflag:s16], $0x80  }
0x57: {  	[sflag:s16] =	ssyncset.done $0x0  }
0x58: {  	[sflag:s16] =	ssyncadd.s32 $0xFFFFFF80  }
0x59: {  	[tilespmem:s18], [sflag:$0x1] =	stream.indirect.gather [hbm4b:s3+s17], $0x80, s2, s17, $0xb8;
	[tilespmem:$0x1C100] =	vst v63  }
0x5a: {  	_ =	swait.ge [sflag:s19], $0x4000  }
0x5b: {  	[sflag:s19] =	ssyncset.done $0x0  }
0x5c: {  	[sflag:s19] =	ssyncadd.s32 $0xFFFFC000  }
0x5d: {  	[spmem:s1] =	stream.indirect.scatter.add.f32 [tilespmem:s18], [sflag:$0x2], $0x80, s17, s17, $0xb8;
	[tilespmem:$0x1C100] =	vst v63  }
0x5e: {  	_ =	swait.ge [sflag:s16], $0x4000  }
0x5f: {  	[sflag:s16] =	ssyncset.done $0x0  }
0x60: {  	s29 =	sshll.u32 s4, $0x6;
	[sflag:s16] =	ssyncadd.s32 $0xFFFFC000  }
0x61: {  	s30 =	sshrl.u32 s8, $0x3;
	s26 =	sor.u32 $0x1C02, s29;
	[bflag:$0x0] =	sbarrier.arrive $0xFFFF  }
0x62: {  	[hbm:s20], [sflag:s26] =	dma.local [spmem:s30], $0x800  }
0x63: {  	_ =	swait.ge [sflag:s16], $0x800  }
0x64: {  	[sflag:s16] =	ssyncset.done $0x0  }
0x65: {  	s31 =	sshrl.u32 s9, $0x3;
	[sflag:s16] =	ssyncadd.s32 $0xFFFFF800  }
0x66: {  	[hbm:s21], [sflag:s26] =	dma.local [spmem:s31], $0x800  }
0x67: {  	_ =	swait.ge [sflag:s16], $0x800  }
0x68: {  	[sflag:s16] =	ssyncset.done $0x0  }
0x69: {  	s29 =	sshrl.u32 s10, $0x3;
	[sflag:s16] =	ssyncadd.s32 $0xFFFFF800  }
0x6a: {  	[hbm:s22], [sflag:s26] =	dma.local [spmem:s29], $0x800  }
0x6b: {  	_ =	swait.ge [sflag:s16], $0x800  }
0x6c: {  	[sflag:s16] =	ssyncset.done $0x0  }
0x6d: {  	s30 =	sshrl.u32 s11, $0x3;
	[sflag:s16] =	ssyncadd.s32 $0xFFFFF800  }
0x6e: {  	[hbm:s23], [sflag:s26] =	dma.local [spmem:s30], $0x800  }
0x6f: {  	s25 =	sadd.s32 $0x1, s25;
	_ =	swait.ge [sflag:s16], $0x800  }
0x70: {  	p0 =	sne.s32 s25, s14;
	[sflag:s16] =	ssyncset.done $0x0  }
.Ltmp1:
0x71: {  	s31 =	sshrl.u32 s12, $0x3;
	[sflag:s16] =	ssyncadd.s32 $0xFFFFF800;
	(pc) =	sbr.rel @p0 .LBB2_1-.Ltmp1, $4  }
0x72: {  	[hbm:s24], [sflag:s26] =	dma.local [spmem:s31], $0x800  }
0x73: {  	_ =	swait.ge [sflag:s16], $0x800  }
0x74: {  	[sflag:s16] =	ssyncset.done $0x0  }
0x75: {  	[sflag:s16] =	ssyncadd.s32 $0xFFFFF800  }
0x76: {  	_ =	sfence.sel $0x180000  }
0x77: {  	[bflag:$0x0] =	sbarrier.arrive $0xFFFF  }
0x78: {  	p0 =	sne.s32 s4, $0x0;
	_ =	strace $0x90000053  }
0x79: {  	s0 =	sadd.s32 @!p0 $0x100000, s0;
	[bflag:$0x2] =	sbarrier.arrive $0xFFFF  }
0x7a: {  	[sflag:s0] =	ssyncadd.tile.s32 @!p0 $0x1;
	_ =	shalt  }
.Lfunc_end2:
_tile_overlayer_lowered:
.L_overlay_start_2:
0x7b: {  	(tag) =	ssettag $0x2  }
0x7c: {  	s0 =	rddreg [dreg:$0x0];
	s2 =	stileid.u32  }
0x7d: {  	s1 =	rddreg [dreg:$0x1];
	p0 =	sne.s32 s2, $0x0  }
0x7e: {  	s3 =	rddreg [dreg:$0x2];
	[bflag:$0x3] =	sbarrier.arrive $0xFFFF;
	s2 =	simm.s32 @!p0 $0x1C02  }
0x7f: {  	[timem:s3], [sflag:s2] =	dma.local @!p0 [hbm:s0], s1  }
0x80: {  	s0 =	simm.s32 @!p0 $0x2  }
0x81: {  	_ =	swait.ge @!p0 [sflag:s0], s1  }
0x82: {  	s1 =	ssub.s32 @!p0 $0x0, s1;
	[sflag:s0] =	ssyncset.done @!p0 $0x0  }
0x83: {  	[sflag:s0] =	ssyncadd.s32 @!p0 s1  }
0x84: {  	[bflag:$0x3] =	sbarrier.arrive $0xFFFF  }
0x85: {  	_ =	shalt  }

</sc_bundles>
